<compile_context>
chip_gen: v7x
topology: tpu7x:2x2x1
jax: 0.10.2.dev20260603
libtpu: 0.0.44.dev20260713+nightly
codegen_flags: <defaults>
</compile_context>

<pallas_src>
import functools

import jax
import jax.numpy as jnp
from jax import lax
from jax.experimental import pallas as pl
from jax.experimental.pallas import tpu as pltpu
from jax.experimental.pallas import tpu_sc as plsc

N = 10000
E = 160000
D = 256
H = D // 2
NC, NS, L = 2, 16, 16

CH = 80
CPT = 128
EPT = CH * CPT
E_PAD = EPT * NS
EPW = E_PAD // (NC * NS)
NP = 10240
NROW = N + 16
RPT = 624

_mesh = plsc.VectorSubcoreMesh(
    core_axis_name="c", subcore_axis_name="s", num_cores=NC, num_subcores=NS
)


@functools.partial(
    pl.kernel,
    out_type=jax.ShapeDtypeStruct((NC * NP,), jnp.float32),
    mesh=_mesh,
    compiler_params=pltpu.CompilerParams(needs_layout_passes=False),
    scratch_types=[
        pltpu.VMEM((EPW,), jnp.int32),
        pltpu.VMEM((NP,), jnp.float32),
        pltpu.VMEM((NS, NP // NS), jnp.float32),
        pltpu.VMEM_SHARED((NS, NP), jnp.float32),
    ],
)
def _deg_kernel(edges_hbm, dparts_hbm, dst_v, local_deg, strip_v, board):
    c = lax.axis_index("c")
    s = lax.axis_index("s")
    w = c * NS + s
    pltpu.sync_copy(edges_hbm.at[1, pl.ds(w * EPW, EPW)], dst_v)

    def zero_body(k, _):
        local_deg[pl.ds(k * L, L)] = jnp.zeros((L,), jnp.float32)
        return 0

    lax.fori_loop(0, NP // L, zero_body, 0)

    ones = jnp.ones((L,), jnp.float32)

    def acc_body(k, _):
        idx = dst_v[pl.ds(k * L, L)]
        plsc.addupdate_scatter(local_deg, [idx], ones)
        return 0

    lax.fori_loop(0, EPW // L, acc_body, 0)

    pltpu.sync_copy(local_deg, board.at[s])
    plsc.subcore_barrier()

    w_cols = NP // NS
    pltpu.sync_copy(board.at[:, pl.ds(s * w_cols, w_cols)], strip_v)

    def red_body(k, _):
        v = strip_v[0, pl.ds(k * L, L)]
        for r in range(1, NS):
            v = v + strip_v[r, pl.ds(k * L, L)]
        strip_v[0, pl.ds(k * L, L)] = v
        return 0

    lax.fori_loop(0, w_cols // L, red_body, 0)
    pltpu.sync_copy(strip_v.at[0], dparts_hbm.at[pl.ds(c * NP + s * w_cols, w_cols)])


@functools.partial(
    pl.kernel,
    out_type=jax.ShapeDtypeStruct((2, N, H), jnp.float32),
    mesh=_mesh,
    scratch_types=[
        pltpu.VMEM((EPT,), jnp.int32),
        pltpu.VMEM((CPT, CH), jnp.int32),
        pltpu.VMEM_SHARED((NROW, H), jnp.float32),
        pltpu.SemaphoreType.DMA,
        pltpu.SemaphoreType.DMA,
    ],
)
def _msg_kernel(p_hbm, src_hbm, dst_hbm, s_hbm, src_v, dst_v, acc,
                sem0, sem1):
    c = lax.axis_index("c")
    s = lax.axis_index("s")

    pltpu.sync_copy(src_hbm.at[pl.ds(s * EPT, EPT)], src_v)
    pltpu.sync_copy(dst_hbm.at[pl.ds(s * CPT, CPT), :], dst_v)

    def run(tab, osl, g0, g1):
        pltpu.sync_copy(tab.at[pl.ds(s * RPT, RPT)], acc.at[pl.ds(s * RPT, RPT)])

        @pl.when(s == NS - 1)
        def _():
            pltpu.sync_copy(tab.at[pl.ds(NS * RPT, N - NS * RPT)],
                            acc.at[pl.ds(NS * RPT, N - NS * RPT)])

        plsc.subcore_barrier()

        pltpu.async_copy(tab.at[src_v.at[pl.ds(0, CH)]], g0, sem0)

        def pair_body(i, _):
            j0 = 2 * i
            pltpu.async_copy(tab.at[src_v.at[pl.ds((j0 + 1) * CH, CH)]],
                             g1, sem1)
            pltpu.make_async_copy(tab.at[src_v.at[pl.ds(j0 * CH, CH)]],
                                  g0, sem0).wait()
            pltpu.sync_copy(g0, acc.at[dst_v.at[j0]], add=True)

            @pl.when(i < CPT // 2 - 1)
            def _():
                pltpu.async_copy(
                    tab.at[src_v.at[pl.ds((j0 + 2) * CH, CH)]], g0, sem0)

            pltpu.make_async_copy(tab.at[src_v.at[pl.ds((j0 + 1) * CH, CH)]],
                                  g1, sem1).wait()
            pltpu.sync_copy(g1, acc.at[dst_v.at[j0 + 1]], add=True)
            return 0

        lax.fori_loop(0, CPT // 2, pair_body, 0)

        plsc.subcore_barrier()
        pltpu.sync_copy(acc.at[pl.ds(s * RPT, RPT)], osl.at[pl.ds(s * RPT, RPT)])

        @pl.when(s == NS - 1)
        def _():
            pltpu.sync_copy(acc.at[pl.ds(NS * RPT, N - NS * RPT)],
                            osl.at[pl.ds(NS * RPT, N - NS * RPT)])

    def scoped(g0, g1):
        @pl.when(c == 0)
        def _():
            run(p_hbm.at[0], s_hbm.at[0], g0, g1)

        @pl.when(c == 1)
        def _():
            run(p_hbm.at[1], s_hbm.at[1], g0, g1)

    pl.run_scoped(scoped,
                  pltpu.VMEM((CH, H), jnp.float32),
                  pltpu.VMEM((CH, H), jnp.float32))


BR = 1000
NB = N // BR


def _dinv_of(deg_ref):
    dg = deg_ref[:, 0] + deg_ref[:, 1] + 1.0
    return lax.rsqrt(dg)


def _k2_body(x_ref, w_ref, deg_ref, o_ref):
    dinv = _dinv_of(deg_ref)
    h = jnp.dot(x_ref[...], w_ref[...], preferred_element_type=jnp.float32)
    o_ref[0] = h * dinv[:, None]


def _gelu_exact(t):
    return 0.5 * t * (1.0 + lax.erf(t * 0.7071067811865476))


def _k4_body(slo_ref, shi_ref, w_ref, b_ref, deg_ref, o_ref):
    dinv = _dinv_of(deg_ref)
    sblk = jnp.concatenate([slo_ref[0], shi_ref[0]], axis=1)
    t = sblk * dinv[:, None] + b_ref[...]
    g = _gelu_exact(t)
    h = jnp.dot(g, w_ref[...], preferred_element_type=jnp.float32)
    o_ref[0] = h * dinv[:, None]


def _k6_body(slo_ref, shi_ref, b_ref, deg_ref, o_ref):
    dinv = _dinv_of(deg_ref)
    o_ref[:, :H] = slo_ref[0] * dinv[:, None] + b_ref[:, :H]
    o_ref[:, H:] = shi_ref[0] * dinv[:, None] + b_ref[:, H:]


def _scale_matmul(x, w, deg2):
    return pl.pallas_call(
        _k2_body,
        grid=(2, NB),
        in_specs=[
            pl.BlockSpec((BR, D), lambda i, j: (j, 0)),
            pl.BlockSpec((D, H), lambda i, j: (0, i)),
            pl.BlockSpec((BR, 2), lambda i, j: (j, 0)),
        ],
        out_specs=pl.BlockSpec((1, BR, H), lambda i, j: (i, j, 0)),
        out_shape=jax.ShapeDtypeStruct((2, N, H), jnp.float32),
    )(x, w, deg2)


def _gelu_scale_matmul(s1, w, b, deg2):
    return pl.pallas_call(
        _k4_body,
        grid=(2, NB),
        in_specs=[
            pl.BlockSpec((1, BR, H), lambda i, j: (0, j, 0)),
            pl.BlockSpec((1, BR, H), lambda i, j: (1, j, 0)),
            pl.BlockSpec((D, H), lambda i, j: (0, i)),
            pl.BlockSpec((1, D), lambda i, j: (0, 0)),
            pl.BlockSpec((BR, 2), lambda i, j: (j, 0)),
        ],
        out_specs=pl.BlockSpec((1, BR, H), lambda i, j: (i, j, 0)),
        out_shape=jax.ShapeDtypeStruct((2, N, H), jnp.float32),
    )(s1, s1, w, b, deg2)


def _final_scale(s2, b, deg2):
    return pl.pallas_call(
        _k6_body,
        grid=(NB,),
        in_specs=[
            pl.BlockSpec((1, BR, H), lambda j: (0, j, 0)),
            pl.BlockSpec((1, BR, H), lambda j: (1, j, 0)),
            pl.BlockSpec((1, D), lambda j: (0, 0)),
            pl.BlockSpec((BR, 2), lambda j: (j, 0)),
        ],
        out_specs=pl.BlockSpec((BR, D), lambda j: (j, 0)),
        out_shape=jax.ShapeDtypeStruct((N, D), jnp.float32),
    )(s2, s2, b, deg2)


def kernel(x, edge_index, W1, b1, W2, b2):
    pad = jnp.broadcast_to(
        jnp.array([[0], [N]], dtype=jnp.int32), (2, E_PAD - E)
    )
    epad = jnp.concatenate([edge_index.astype(jnp.int32), pad], axis=1)
    src_flat = epad[0]
    dst2d = epad[1].reshape(E_PAD // CH, CH)
    b1r = b1.reshape(1, D)
    b2r = b2.reshape(1, D)

    dparts = _deg_kernel(epad)
    deg2 = dparts.reshape(NC, NP)[:, :N].T

    p1 = _scale_matmul(x, W1, deg2)
    s1 = _msg_kernel(p1, src_flat, dst2d)
    p2 = _gelu_scale_matmul(s1, W2, b1r, deg2)
    s2 = _msg_kernel(p2, src_flat, dst2d)
    return _final_scale(s2, b2r, deg2)

# --- scband reference (transcript-rebuilt; emitter-appended) ---
"""Pipeline reference for scband-graph-conv-block-11948599017924 (READ-ONLY COPY).

The authoritative reference and input builder live on the scoring server;
editing this copy changes nothing except your own understanding.
"""

import jax, jax.numpy as jnp
import numpy as np

N = 10000
E = 160000
D = 256


def _gcn_conv(x, edge_index, W, b):
    # Faithful PyG GCNConv: out = D^{-1/2} (A + I) D^{-1/2} X W + b
    n = x.shape[0]
    src = edge_index[0]
    dst = edge_index[1]
    loop = jnp.arange(n, dtype=src.dtype)
    src = jnp.concatenate([src, loop])
    dst = jnp.concatenate([dst, loop])
    h = x @ W
    deg = jnp.zeros((n,), dtype=h.dtype).at[dst].add(1.0)
    deg_inv_sqrt = jnp.where(deg > 0, deg ** -0.5, 0.0)
    norm = deg_inv_sqrt[src] * deg_inv_sqrt[dst]
    msgs = h[src] * norm[:, None]
    out = jnp.zeros_like(h).at[dst].add(msgs)
    return out + b


def setup_inputs(seed: int = 0) -> dict:
    key = jax.random.key(seed)
    k1, k2, k3, k4 = jax.random.split(key, 4)
    x = jax.random.normal(k1, (N, D), dtype=jnp.float32)
    edge_index = jax.random.randint(k2, (2, E), 0, N, dtype=jnp.int32)
    # Glorot-style init for GCN weights, zero bias (PyG defaults)
    s = float(np.sqrt(6.0 / (D + D)))
    W1 = jax.random.uniform(k3, (D, D), dtype=jnp.float32, minval=-s, maxval=s)
    W2 = jax.random.uniform(k4, (D, D), dtype=jnp.float32, minval=-s, maxval=s)
    b1 = jnp.zeros((D,), dtype=jnp.float32)
    b2 = jnp.zeros((D,), dtype=jnp.float32)
    return {"x": x, "edge_index": edge_index, "W1": W1, "b1": b1, "W2": W2, "b2": b2}


def reference(x, edge_index, W1, b1, W2, b2):
    h = _gcn_conv(x, edge_index, W1, b1)
    h = jax.nn.gelu(h, approximate=False)  # torch nn.GELU default = exact erf
    out = _gcn_conv(h, edge_index, W2, b2)
    return out

if __name__ == "__main__":
    import jax
    _d = setup_inputs()
    print(jax.jit(kernel)(*tuple(_d.values())))

</pallas_src>

<mosaic_0001>
#map = affine_map<(d0, d1) -> (0, 0, 0)>
#map1 = affine_map<(d0, d1) -> (0)>
#map2 = affine_map<(d0, d1) -> (0, 0)>
module attributes {stable_mosaic.version = 14 : i64} {
  func.func @_msg_kernel(%arg0: i32, %arg1: i32, %arg2: memref<2x10000x128xf32, #tpu.memory_space<hbm>>, %arg3: memref<163840xi32, #tpu.memory_space<hbm>>, %arg4: memref<2048x80xi32, #tpu.memory_space<hbm>>, %arg5: memref<2x10000x128xf32, #tpu.memory_space<hbm>>, %arg6: memref<10240xi32, #tpu.memory_space<vmem>>, %arg7: memref<128x80xi32, #tpu.memory_space<vmem>>, %arg8: memref<10016x128xf32, #tpu.memory_space<vmem_shared>>, %arg9: memref<!tpu.dma_semaphore, #tpu.memory_space<semaphore_mem>>, %arg10: memref<!tpu.dma_semaphore, #tpu.memory_space<semaphore_mem>>) attributes {dimension_semantics = [#tpu.dimension_semantics<core_parallel>, #tpu.dimension_semantics<subcore_parallel>], iteration_bounds = array<i64: 2, 16>, scalar_prefetch = 0 : i64, scratch_operands = 5 : i64, tpu.core_type = #tpu.core_type<sc_vector_subcore>, window_params = [{transform_indices = #map}, {transform_indices = #map1}, {transform_indices = #map2}, {transform_indices = #map}]} {
    %mul3A = arith.constant 10240 : i32
    %mul3A_0 = arith.muli %arg1, %mul3A : i32
    "tpu.region"() ({
      %run_scoped3A = tpu.sem_alloc : memref<!tpu.dma_semaphore, #tpu.memory_space<semaphore_mem>>
      %dma_start3A = tpu.memref_slice %arg3[%mul3A_0] : memref<163840xi32, #tpu.memory_space<hbm>> -> memref<10240xi32, #tpu.memory_space<hbm>>
      %dma_start3A_3 = tpu.memref_slice %arg3[%mul3A_0] : memref<163840xi32, #tpu.memory_space<hbm>> -> memref<10240xi32, #tpu.memory_space<hbm>>
      tpu.enqueue_dma source(%dma_start3A_3 : memref<10240xi32, #tpu.memory_space<hbm>>) target(%arg6 : memref<10240xi32, #tpu.memory_space<vmem>>) target_semaphore(%run_scoped3A : memref<!tpu.dma_semaphore, #tpu.memory_space<semaphore_mem>>)
      %dma_wait3A = tpu.memref_slice %arg3[%mul3A_0] : memref<163840xi32, #tpu.memory_space<hbm>> -> memref<10240xi32, #tpu.memory_space<hbm>>
      %dma_wait3A_4 = tpu.memref_slice %arg3[%mul3A_0] : memref<163840xi32, #tpu.memory_space<hbm>> -> memref<10240xi32, #tpu.memory_space<hbm>>
      tpu.wait_dma2 semaphore(%run_scoped3A : memref<!tpu.dma_semaphore, #tpu.memory_space<semaphore_mem>>) src(%dma_wait3A_4 : memref<10240xi32, #tpu.memory_space<hbm>>) dst(%arg6 : memref<10240xi32, #tpu.memory_space<vmem>>)
      tpu.yield
    }) : () -> ()
    %mul3A_1 = arith.constant 128 : i32
    %mul3A_2 = arith.muli %arg1, %mul3A_1 : i32
    "tpu.region"() ({
      %run_scoped3A = tpu.sem_alloc : memref<!tpu.dma_semaphore, #tpu.memory_space<semaphore_mem>>
      %dma_start3A = arith.constant 0 : i32
      %dma_start3A_3 = tpu.memref_slice %arg4[%mul3A_2, %dma_start3A] : memref<2048x80xi32, #tpu.memory_space<hbm>> -> memref<128x80xi32, #tpu.memory_space<hbm>>
      %dma_start3A_4 = arith.constant 0 : i32
      %dma_start3A_5 = tpu.memref_slice %arg4[%mul3A_2, %dma_start3A_4] : memref<2048x80xi32, #tpu.memory_space<hbm>> -> memref<128x80xi32, #tpu.memory_space<hbm>>
      tpu.enqueue_dma source(%dma_start3A_5 : memref<128x80xi32, #tpu.memory_space<hbm>>) target(%arg7 : memref<128x80xi32, #tpu.memory_space<vmem>>) target_semaphore(%run_scoped3A : memref<!tpu.dma_semaphore, #tpu.memory_space<semaphore_mem>>)
      %dma_wait3A = arith.constant 0 : i32
      %dma_wait3A_6 = tpu.memref_slice %arg4[%mul3A_2, %dma_wait3A] : memref<2048x80xi32, #tpu.memory_space<hbm>> -> memref<128x80xi32, #tpu.memory_space<hbm>>
      %dma_wait3A_7 = arith.constant 0 : i32
      %dma_wait3A_8 = tpu.memref_slice %arg4[%mul3A_2, %dma_wait3A_7] : memref<2048x80xi32, #tpu.memory_space<hbm>> -> memref<128x80xi32, #tpu.memory_space<hbm>>
      tpu.wait_dma2 semaphore(%run_scoped3A : memref<!tpu.dma_semaphore, #tpu.memory_space<semaphore_mem>>) src(%dma_wait3A_8 : memref<128x80xi32, #tpu.memory_space<hbm>>) dst(%arg7 : memref<128x80xi32, #tpu.memory_space<vmem>>)
      tpu.yield
    }) : () -> ()
    "tpu.region"() ({
      %run_scoped3A = memref.alloca() : memref<80x128xf32, #tpu.memory_space<vmem>>
      %run_scoped3A_3 = memref.alloca() : memref<80x128xf32, #tpu.memory_space<vmem>>
      %eq3A = arith.constant 0 : i32
      %eq3A_4 = arith.cmpi eq, %arg0, %eq3A : i32
      %convert_element_type3A = arith.extui %eq3A_4 : i1 to i32
      %cond3A = arith.constant 0 : i32
      %cond3A_5 = arith.cmpi ne, %convert_element_type3A, %cond3A : i32
      scf.if %cond3A_5 {
        %mul3A_11 = arith.constant 624 : i32
        %mul3A_12 = arith.muli %arg1, %mul3A_11 : i32
        %mul3A_13 = arith.constant 624 : i32
        %mul3A_14 = arith.muli %arg1, %mul3A_13 : i32
        %run_scoped3A_15 = arith.constant 0 : i32
        "tpu.region"() ({
          %run_scoped3A_50 = tpu.sem_alloc : memref<!tpu.dma_semaphore, #tpu.memory_space<semaphore_mem>>
          %dma_start3A_51 = arith.constant 0 : i32
          %dma_start3A_52 = tpu.memref_slice %arg8[%mul3A_14, %dma_start3A_51] : memref<10016x128xf32, #tpu.memory_space<vmem_shared>> -> memref<624x128xf32, #tpu.memory_space<vmem_shared>>
          %dma_start3A_53 = arith.constant 0 : i32
          %dma_start3A_54 = arith.constant 0 : i32
          %dma_start3A_55 = tpu.memref_slice %arg2[%run_scoped3A_15, %dma_start3A_53, %dma_start3A_54] : memref<2x10000x128xf32, #tpu.memory_space<hbm>> -> memref<1x10000x128xf32, #tpu.memory_space<hbm>>
          %dma_start3A_56 = tpu.memref_squeeze %dma_start3A_55 : memref<1x10000x128xf32, #tpu.memory_space<hbm>> -> memref<10000x128xf32, #tpu.memory_space<hbm>>
          %dma_start3A_57 = arith.constant 0 : i32
          %dma_start3A_58 = tpu.memref_slice %dma_start3A_56[%mul3A_12, %dma_start3A_57] : memref<10000x128xf32, #tpu.memory_space<hbm>> -> memref<624x128xf32, #tpu.memory_space<hbm>>
          tpu.enqueue_dma source(%dma_start3A_58 : memref<624x128xf32, #tpu.memory_space<hbm>>) target(%dma_start3A_52 : memref<624x128xf32, #tpu.memory_space<vmem_shared>>) target_semaphore(%run_scoped3A_50 : memref<!tpu.dma_semaphore, #tpu.memory_space<semaphore_mem>>)
          %dma_wait3A = arith.constant 0 : i32
          %dma_wait3A_59 = tpu.memref_slice %arg8[%mul3A_14, %dma_wait3A] : memref<10016x128xf32, #tpu.memory_space<vmem_shared>> -> memref<624x128xf32, #tpu.memory_space<vmem_shared>>
          %dma_wait3A_60 = arith.constant 0 : i32
          %dma_wait3A_61 = arith.constant 0 : i32
          %dma_wait3A_62 = tpu.memref_slice %arg2[%run_scoped3A_15, %dma_wait3A_60, %dma_wait3A_61] : memref<2x10000x128xf32, #tpu.memory_space<hbm>> -> memref<1x10000x128xf32, #tpu.memory_space<hbm>>
          %dma_wait3A_63 = tpu.memref_squeeze %dma_wait3A_62 : memref<1x10000x128xf32, #tpu.memory_space<hbm>> -> memref<10000x128xf32, #tpu.memory_space<hbm>>
          %dma_wait3A_64 = arith.constant 0 : i32
          %dma_wait3A_65 = tpu.memref_slice %dma_wait3A_63[%mul3A_12, %dma_wait3A_64] : memref<10000x128xf32, #tpu.memory_space<hbm>> -> memref<624x128xf32, #tpu.memory_space<hbm>>
          tpu.wait_dma2 semaphore(%run_scoped3A_50 : memref<!tpu.dma_semaphore, #tpu.memory_space<semaphore_mem>>) src(%dma_wait3A_65 : memref<624x128xf32, #tpu.memory_space<hbm>>) dst(%dma_wait3A_59 : memref<624x128xf32, #tpu.memory_space<vmem_shared>>)
          tpu.yield
        }) : () -> ()
        %eq3A_16 = arith.constant 15 : i32
        %eq3A_17 = arith.cmpi eq, %arg1, %eq3A_16 : i32
        %convert_element_type3A_18 = arith.extui %eq3A_17 : i1 to i32
        %cond3A_19 = arith.constant 0 : i32
        %cond3A_20 = arith.constant 0 : i32
        %cond3A_21 = arith.cmpi ne, %convert_element_type3A_18, %cond3A_20 : i32
        scf.if %cond3A_21 {
          "tpu.region"() ({
            %run_scoped3A_50 = tpu.sem_alloc : memref<!tpu.dma_semaphore, #tpu.memory_space<semaphore_mem>>
            %dma_start3A_51 = arith.constant 9984 : i32
            %dma_start3A_52 = arith.constant 0 : i32
            %dma_start3A_53 = tpu.memref_slice %arg8[%dma_start3A_51, %dma_start3A_52] : memref<10016x128xf32, #tpu.memory_space<vmem_shared>> -> memref<16x128xf32, #tpu.memory_space<vmem_shared>>
            %dma_start3A_54 = arith.constant 0 : i32
            %dma_start3A_55 = arith.constant 0 : i32
            %dma_start3A_56 = tpu.memref_slice %arg2[%cond3A_19, %dma_start3A_54, %dma_start3A_55] : memref<2x10000x128xf32, #tpu.memory_space<hbm>> -> memref<1x10000x128xf32, #tpu.memory_space<hbm>>
            %dma_start3A_57 = tpu.memref_squeeze %dma_start3A_56 : memref<1x10000x128xf32, #tpu.memory_space<hbm>> -> memref<10000x128xf32, #tpu.memory_space<hbm>>
            %dma_start3A_58 = arith.constant 9984 : i32
            %dma_start3A_59 = arith.constant 0 : i32
            %dma_start3A_60 = tpu.memref_slice %dma_start3A_57[%dma_start3A_58, %dma_start3A_59] : memref<10000x128xf32, #tpu.memory_space<hbm>> -> memref<16x128xf32, #tpu.memory_space<hbm>>
            tpu.enqueue_dma source(%dma_start3A_60 : memref<16x128xf32, #tpu.memory_space<hbm>>) target(%dma_start3A_53 : memref<16x128xf32, #tpu.memory_space<vmem_shared>>) target_semaphore(%run_scoped3A_50 : memref<!tpu.dma_semaphore, #tpu.memory_space<semaphore_mem>>)
            %dma_wait3A = arith.constant 9984 : i32
            %dma_wait3A_61 = arith.constant 0 : i32
            %dma_wait3A_62 = tpu.memref_slice %arg8[%dma_wait3A, %dma_wait3A_61] : memref<10016x128xf32, #tpu.memory_space<vmem_shared>> -> memref<16x128xf32, #tpu.memory_space<vmem_shared>>
            %dma_wait3A_63 = arith.constant 0 : i32
            %dma_wait3A_64 = arith.constant 0 : i32
            %dma_wait3A_65 = tpu.memref_slice %arg2[%cond3A_19, %dma_wait3A_63, %dma_wait3A_64] : memref<2x10000x128xf32, #tpu.memory_space<hbm>> -> memref<1x10000x128xf32, #tpu.memory_space<hbm>>
            %dma_wait3A_66 = tpu.memref_squeeze %dma_wait3A_65 : memref<1x10000x128xf32, #tpu.memory_space<hbm>> -> memref<10000x128xf32, #tpu.memory_space<hbm>>
            %dma_wait3A_67 = arith.constant 9984 : i32
            %dma_wait3A_68 = arith.constant 0 : i32
            %dma_wait3A_69 = tpu.memref_slice %dma_wait3A_66[%dma_wait3A_67, %dma_wait3A_68] : memref<10000x128xf32, #tpu.memory_space<hbm>> -> memref<16x128xf32, #tpu.memory_space<hbm>>
            tpu.wait_dma2 semaphore(%run_scoped3A_50 : memref<!tpu.dma_semaphore, #tpu.memory_space<semaphore_mem>>) src(%dma_wait3A_69 : memref<16x128xf32, #tpu.memory_space<hbm>>) dst(%dma_wait3A_62 : memref<16x128xf32, #tpu.memory_space<vmem_shared>>)
            tpu.yield
          }) : () -> ()
        } else {
        }
        %barrier3A = arith.constant 0 : index
        tpu.barrier barrier_id(%barrier3A)
        %dma_start3A = arith.constant 0 : i32
        %dma_start3A_22 = arith.constant 0 : i32
        %dma_start3A_23 = tpu.memref_slice %arg6[%dma_start3A_22] : memref<10240xi32, #tpu.memory_space<vmem>> -> memref<80xi32, #tpu.memory_space<vmem>>
        %dma_start3A_24 = arith.constant 0 : i32
        %dma_start3A_25 = arith.constant 0 : i32
        %dma_start3A_26 = tpu.memref_slice %arg2[%dma_start3A, %dma_start3A_24, %dma_start3A_25] : memref<2x10000x128xf32, #tpu.memory_space<hbm>> -> memref<1x10000x128xf32, #tpu.memory_space<hbm>>
        %dma_start3A_27 = tpu.memref_squeeze %dma_start3A_26 : memref<1x10000x128xf32, #tpu.memory_space<hbm>> -> memref<10000x128xf32, #tpu.memory_space<hbm>>
        %dma_start3A_28 = arith.constant 0 : i32
        %dma_start3A_29 = arith.constant 0 : i32
        %dma_start3A_30 = tpu.memref_slice %dma_start3A_27[%dma_start3A_28, %dma_start3A_29] : memref<10000x128xf32, #tpu.memory_space<hbm>> -> memref<10000x128xf32, #tpu.memory_space<hbm>>
        tpu.enqueue_indirect_dma source(%dma_start3A_30 : memref<10000x128xf32, #tpu.memory_space<hbm>>) target(%run_scoped3A : memref<80x128xf32, #tpu.memory_space<vmem>>) offsets(%dma_start3A_23 : memref<80xi32, #tpu.memory_space<vmem>>) semaphore(%arg9 : memref<!tpu.dma_semaphore, #tpu.memory_space<semaphore_mem>>)
        %scan3A = arith.constant 0 : i32
        %scan3A_31 = arith.constant 0 : i32
        %scan3A_32 = arith.constant 0 : i32
        %scan3A_33 = arith.constant 64 : i32
        %scan3A_34 = arith.addi %scan3A_32, %scan3A_33 : i32
        %scan3A_35 = arith.constant 1 : i32
        %scan3A_36 = scf.for %scan3A_50 = %scan3A_32 to %scan3A_34 step %scan3A_35 iter_args(%scan3A_51 = %scan3A_31) -> (i32)  : i32 {
          %mul3A_52 = arith.constant 2 : i32
          %mul3A_53 = arith.muli %mul3A_52, %scan3A_50 : i32
          %add3A = arith.constant 1 : i32
          %add3A_54 = arith.addi %mul3A_53, %add3A : i32
          %mul3A_55 = arith.constant 80 : i32
          %mul3A_56 = arith.muli %add3A_54, %mul3A_55 : i32
          %dma_start3A_57 = tpu.memref_slice %arg6[%mul3A_56] : memref<10240xi32, #tpu.memory_space<vmem>> -> memref<80xi32, #tpu.memory_space<vmem>>
          %dma_start3A_58 = arith.constant 0 : i32
          %dma_start3A_59 = arith.constant 0 : i32
          %dma_start3A_60 = tpu.memref_slice %arg2[%scan3A, %dma_start3A_58, %dma_start3A_59] : memref<2x10000x128xf32, #tpu.memory_space<hbm>> -> memref<1x10000x128xf32, #tpu.memory_space<hbm>>
          %dma_start3A_61 = tpu.memref_squeeze %dma_start3A_60 : memref<1x10000x128xf32, #tpu.memory_space<hbm>> -> memref<10000x128xf32, #tpu.memory_space<hbm>>
          %dma_start3A_62 = arith.constant 0 : i32
          %dma_start3A_63 = arith.constant 0 : i32
          %dma_start3A_64 = tpu.memref_slice %dma_start3A_61[%dma_start3A_62, %dma_start3A_63] : memref<10000x128xf32, #tpu.memory_space<hbm>> -> memref<10000x128xf32, #tpu.memory_space<hbm>>
          tpu.enqueue_indirect_dma source(%dma_start3A_64 : memref<10000x128xf32, #tpu.memory_space<hbm>>) target(%run_scoped3A_3 : memref<80x128xf32, #tpu.memory_space<vmem>>) offsets(%dma_start3A_57 : memref<80xi32, #tpu.memory_space<vmem>>) semaphore(%arg10 : memref<!tpu.dma_semaphore, #tpu.memory_space<semaphore_mem>>)
          %mul3A_65 = arith.constant 80 : i32
          %mul3A_66 = arith.muli %mul3A_53, %mul3A_65 : i32
          %dma_wait3A = tpu.memref_slice %arg6[%mul3A_66] : memref<10240xi32, #tpu.memory_space<vmem>> -> memref<80xi32, #tpu.memory_space<vmem>>
          %dma_wait3A_67 = arith.constant 0 : i32
          %dma_wait3A_68 = arith.constant 0 : i32
          %dma_wait3A_69 = tpu.memref_slice %arg2[%scan3A, %dma_wait3A_67, %dma_wait3A_68] : memref<2x10000x128xf32, #tpu.memory_space<hbm>> -> memref<1x10000x128xf32, #tpu.memory_space<hbm>>
          %dma_wait3A_70 = tpu.memref_squeeze %dma_wait3A_69 : memref<1x10000x128xf32, #tpu.memory_space<hbm>> -> memref<10000x128xf32, #tpu.memory_space<hbm>>
          %dma_wait3A_71 = arith.constant 0 : i32
          %dma_wait3A_72 = arith.constant 0 : i32
          %dma_wait3A_73 = tpu.memref_slice %dma_wait3A_70[%dma_wait3A_71, %dma_wait3A_72] : memref<10000x128xf32, #tpu.memory_space<hbm>> -> memref<10000x128xf32, #tpu.memory_space<hbm>>
          tpu.wait_indirect_dma semaphore(%arg9 : memref<!tpu.dma_semaphore, #tpu.memory_space<semaphore_mem>>) src(%dma_wait3A_73 : memref<10000x128xf32, #tpu.memory_space<hbm>>) dst(%run_scoped3A : memref<80x128xf32, #tpu.memory_space<vmem>>)
          "tpu.region"() ({
            %run_scoped3A_93 = tpu.sem_alloc : memref<!tpu.dma_semaphore, #tpu.memory_space<semaphore_mem>>
            %dma_start3A_94 = arith.constant 0 : i32
            %dma_start3A_95 = tpu.memref_slice %arg7[%mul3A_53, %dma_start3A_94] : memref<128x80xi32, #tpu.memory_space<vmem>> -> memref<1x80xi32, #tpu.memory_space<vmem>>
            %dma_start3A_96 = tpu.memref_squeeze %dma_start3A_95 : memref<1x80xi32, #tpu.memory_space<vmem>> -> memref<80xi32, #tpu.memory_space<vmem>>
            %dma_start3A_97 = arith.constant 0 : i32
            %dma_start3A_98 = arith.constant 0 : i32
            %dma_start3A_99 = tpu.memref_slice %arg8[%dma_start3A_97, %dma_start3A_98] : memref<10016x128xf32, #tpu.memory_space<vmem_shared>> -> memref<10016x128xf32, #tpu.memory_space<vmem_shared>>
            tpu.enqueue_indirect_dma source(%run_scoped3A : memref<80x128xf32, #tpu.memory_space<vmem>>) target(%dma_start3A_99 : memref<10016x128xf32, #tpu.memory_space<vmem_shared>>) offsets(%dma_start3A_96 : memref<80xi32, #tpu.memory_space<vmem>>) semaphore(%run_scoped3A_93 : memref<!tpu.dma_semaphore, #tpu.memory_space<semaphore_mem>>) {add = true}
            %dma_wait3A_100 = arith.constant 0 : i32
            %dma_wait3A_101 = tpu.memref_slice %arg7[%mul3A_53, %dma_wait3A_100] : memref<128x80xi32, #tpu.memory_space<vmem>> -> memref<1x80xi32, #tpu.memory_space<vmem>>
            %dma_wait3A_102 = tpu.memref_squeeze %dma_wait3A_101 : memref<1x80xi32, #tpu.memory_space<vmem>> -> memref<80xi32, #tpu.memory_space<vmem>>
            %dma_wait3A_103 = arith.constant 0 : i32
            %dma_wait3A_104 = arith.constant 0 : i32
            %dma_wait3A_105 = tpu.memref_slice %arg8[%dma_wait3A_103, %dma_wait3A_104] : memref<10016x128xf32, #tpu.memory_space<vmem_shared>> -> memref<10016x128xf32, #tpu.memory_space<vmem_shared>>
            tpu.wait_indirect_dma semaphore(%run_scoped3A_93 : memref<!tpu.dma_semaphore, #tpu.memory_space<semaphore_mem>>) src(%run_scoped3A : memref<80x128xf32, #tpu.memory_space<vmem>>) dst(%dma_wait3A_105 : memref<10016x128xf32, #tpu.memory_space<vmem_shared>>)
            tpu.yield
          }) : () -> ()
          %lt3A = arith.constant 63 : i32
          %lt3A_74 = arith.cmpi slt, %scan3A_50, %lt3A : i32
          %convert_element_type3A_75 = arith.extui %lt3A_74 : i1 to i32
          %cond3A_76 = arith.constant 0 : i32
          %cond3A_77 = arith.cmpi ne, %convert_element_type3A_75, %cond3A_76 : i32
          scf.if %cond3A_77 {
            %add3A_93 = arith.constant 2 : i32
            %add3A_94 = arith.addi %mul3A_53, %add3A_93 : i32
            %mul3A_95 = arith.constant 80 : i32
            %mul3A_96 = arith.muli %add3A_94, %mul3A_95 : i32
            %dma_start3A_97 = tpu.memref_slice %arg6[%mul3A_96] : memref<10240xi32, #tpu.memory_space<vmem>> -> memref<80xi32, #tpu.memory_space<vmem>>
            %dma_start3A_98 = arith.constant 0 : i32
            %dma_start3A_99 = arith.constant 0 : i32
            %dma_start3A_100 = tpu.memref_slice %arg2[%scan3A, %dma_start3A_98, %dma_start3A_99] : memref<2x10000x128xf32, #tpu.memory_space<hbm>> -> memref<1x10000x128xf32, #tpu.memory_space<hbm>>
            %dma_start3A_101 = tpu.memref_squeeze %dma_start3A_100 : memref<1x10000x128xf32, #tpu.memory_space<hbm>> -> memref<10000x128xf32, #tpu.memory_space<hbm>>
            %dma_start3A_102 = arith.constant 0 : i32
            %dma_start3A_103 = arith.constant 0 : i32
            %dma_start3A_104 = tpu.memref_slice %dma_start3A_101[%dma_start3A_102, %dma_start3A_103] : memref<10000x128xf32, #tpu.memory_space<hbm>> -> memref<10000x128xf32, #tpu.memory_space<hbm>>
            tpu.enqueue_indirect_dma source(%dma_start3A_104 : memref<10000x128xf32, #tpu.memory_space<hbm>>) target(%run_scoped3A : memref<80x128xf32, #tpu.memory_space<vmem>>) offsets(%dma_start3A_97 : memref<80xi32, #tpu.memory_space<vmem>>) semaphore(%arg9 : memref<!tpu.dma_semaphore, #tpu.memory_space<semaphore_mem>>)
          } else {
          }
          %add3A_78 = arith.constant 1 : i32
          %add3A_79 = arith.addi %mul3A_53, %add3A_78 : i32
          %mul3A_80 = arith.constant 80 : i32
          %mul3A_81 = arith.muli %add3A_79, %mul3A_80 : i32
          %dma_wait3A_82 = tpu.memref_slice %arg6[%mul3A_81] : memref<10240xi32, #tpu.memory_space<vmem>> -> memref<80xi32, #tpu.memory_space<vmem>>
          %dma_wait3A_83 = arith.constant 0 : i32
          %dma_wait3A_84 = arith.constant 0 : i32
          %dma_wait3A_85 = tpu.memref_slice %arg2[%scan3A, %dma_wait3A_83, %dma_wait3A_84] : memref<2x10000x128xf32, #tpu.memory_space<hbm>> -> memref<1x10000x128xf32, #tpu.memory_space<hbm>>
          %dma_wait3A_86 = tpu.memref_squeeze %dma_wait3A_85 : memref<1x10000x128xf32, #tpu.memory_space<hbm>> -> memref<10000x128xf32, #tpu.memory_space<hbm>>
          %dma_wait3A_87 = arith.constant 0 : i32
          %dma_wait3A_88 = arith.constant 0 : i32
          %dma_wait3A_89 = tpu.memref_slice %dma_wait3A_86[%dma_wait3A_87, %dma_wait3A_88] : memref<10000x128xf32, #tpu.memory_space<hbm>> -> memref<10000x128xf32, #tpu.memory_space<hbm>>
          tpu.wait_indirect_dma semaphore(%arg10 : memref<!tpu.dma_semaphore, #tpu.memory_space<semaphore_mem>>) src(%dma_wait3A_89 : memref<10000x128xf32, #tpu.memory_space<hbm>>) dst(%run_scoped3A_3 : memref<80x128xf32, #tpu.memory_space<vmem>>)
          %add3A_90 = arith.constant 1 : i32
          %add3A_91 = arith.addi %mul3A_53, %add3A_90 : i32
          "tpu.region"() ({
            %run_scoped3A_93 = tpu.sem_alloc : memref<!tpu.dma_semaphore, #tpu.memory_space<semaphore_mem>>
            %dma_start3A_94 = arith.constant 0 : i32
            %dma_start3A_95 = tpu.memref_slice %arg7[%add3A_91, %dma_start3A_94] : memref<128x80xi32, #tpu.memory_space<vmem>> -> memref<1x80xi32, #tpu.memory_space<vmem>>
            %dma_start3A_96 = tpu.memref_squeeze %dma_start3A_95 : memref<1x80xi32, #tpu.memory_space<vmem>> -> memref<80xi32, #tpu.memory_space<vmem>>
            %dma_start3A_97 = arith.constant 0 : i32
            %dma_start3A_98 = arith.constant 0 : i32
            %dma_start3A_99 = tpu.memref_slice %arg8[%dma_start3A_97, %dma_start3A_98] : memref<10016x128xf32, #tpu.memory_space<vmem_shared>> -> memref<10016x128xf32, #tpu.memory_space<vmem_shared>>
            tpu.enqueue_indirect_dma source(%run_scoped3A_3 : memref<80x128xf32, #tpu.memory_space<vmem>>) target(%dma_start3A_99 : memref<10016x128xf32, #tpu.memory_space<vmem_shared>>) offsets(%dma_start3A_96 : memref<80xi32, #tpu.memory_space<vmem>>) semaphore(%run_scoped3A_93 : memref<!tpu.dma_semaphore, #tpu.memory_space<semaphore_mem>>) {add = true}
            %dma_wait3A_100 = arith.constant 0 : i32
            %dma_wait3A_101 = tpu.memref_slice %arg7[%add3A_91, %dma_wait3A_100] : memref<128x80xi32, #tpu.memory_space<vmem>> -> memref<1x80xi32, #tpu.memory_space<vmem>>
            %dma_wait3A_102 = tpu.memref_squeeze %dma_wait3A_101 : memref<1x80xi32, #tpu.memory_space<vmem>> -> memref<80xi32, #tpu.memory_space<vmem>>
            %dma_wait3A_103 = arith.constant 0 : i32
            %dma_wait3A_104 = arith.constant 0 : i32
            %dma_wait3A_105 = tpu.memref_slice %arg8[%dma_wait3A_103, %dma_wait3A_104] : memref<10016x128xf32, #tpu.memory_space<vmem_shared>> -> memref<10016x128xf32, #tpu.memory_space<vmem_shared>>
            tpu.wait_indirect_dma semaphore(%run_scoped3A_93 : memref<!tpu.dma_semaphore, #tpu.memory_space<semaphore_mem>>) src(%run_scoped3A_3 : memref<80x128xf32, #tpu.memory_space<vmem>>) dst(%dma_wait3A_105 : memref<10016x128xf32, #tpu.memory_space<vmem_shared>>)
            tpu.yield
          }) : () -> ()
          %scan3A_92 = arith.constant 0 : i32
          scf.yield %scan3A_92 : i32
        }
        %scan3A_37 = arith.constant 64 : i32
        %barrier3A_38 = arith.constant 0 : index
        tpu.barrier barrier_id(%barrier3A_38)
        %mul3A_39 = arith.constant 624 : i32
        %mul3A_40 = arith.muli %arg1, %mul3A_39 : i32
        %mul3A_41 = arith.constant 624 : i32
        %mul3A_42 = arith.muli %arg1, %mul3A_41 : i32
        %run_scoped3A_43 = arith.constant 0 : i32
        "tpu.region"() ({
          %run_scoped3A_50 = tpu.sem_alloc : memref<!tpu.dma_semaphore, #tpu.memory_space<semaphore_mem>>
          %dma_start3A_51 = arith.constant 0 : i32
          %dma_start3A_52 = arith.constant 0 : i32
          %dma_start3A_53 = tpu.memref_slice %arg5[%run_scoped3A_43, %dma_start3A_51, %dma_start3A_52] : memref<2x10000x128xf32, #tpu.memory_space<hbm>> -> memref<1x10000x128xf32, #tpu.memory_space<hbm>>
          %dma_start3A_54 = tpu.memref_squeeze %dma_start3A_53 : memref<1x10000x128xf32, #tpu.memory_space<hbm>> -> memref<10000x128xf32, #tpu.memory_space<hbm>>
          %dma_start3A_55 = arith.constant 0 : i32
          %dma_start3A_56 = tpu.memref_slice %dma_start3A_54[%mul3A_42, %dma_start3A_55] : memref<10000x128xf32, #tpu.memory_space<hbm>> -> memref<624x128xf32, #tpu.memory_space<hbm>>
          %dma_start3A_57 = arith.constant 0 : i32
          %dma_start3A_58 = tpu.memref_slice %arg8[%mul3A_40, %dma_start3A_57] : memref<10016x128xf32, #tpu.memory_space<vmem_shared>> -> memref<624x128xf32, #tpu.memory_space<vmem_shared>>
          tpu.enqueue_dma source(%dma_start3A_58 : memref<624x128xf32, #tpu.memory_space<vmem_shared>>) target(%dma_start3A_56 : memref<624x128xf32, #tpu.memory_space<hbm>>) target_semaphore(%run_scoped3A_50 : memref<!tpu.dma_semaphore, #tpu.memory_space<semaphore_mem>>)
          %dma_wait3A = arith.constant 0 : i32
          %dma_wait3A_59 = arith.constant 0 : i32
          %dma_wait3A_60 = tpu.memref_slice %arg5[%run_scoped3A_43, %dma_wait3A, %dma_wait3A_59] : memref<2x10000x128xf32, #tpu.memory_space<hbm>> -> memref<1x10000x128xf32, #tpu.memory_space<hbm>>
          %dma_wait3A_61 = tpu.memref_squeeze %dma_wait3A_60 : memref<1x10000x128xf32, #tpu.memory_space<hbm>> -> memref<10000x128xf32, #tpu.memory_space<hbm>>
          %dma_wait3A_62 = arith.constant 0 : i32
          %dma_wait3A_63 = tpu.memref_slice %dma_wait3A_61[%mul3A_42, %dma_wait3A_62] : memref<10000x128xf32, #tpu.memory_space<hbm>> -> memref<624x128xf32, #tpu.memory_space<hbm>>
          %dma_wait3A_64 = arith.constant 0 : i32
          %dma_wait3A_65 = tpu.memref_slice %arg8[%mul3A_40, %dma_wait3A_64] : memref<10016x128xf32, #tpu.memory_space<vmem_shared>> -> memref<624x128xf32, #tpu.memory_space<vmem_shared>>
          tpu.wait_dma2 semaphore(%run_scoped3A_50 : memref<!tpu.dma_semaphore, #tpu.memory_space<semaphore_mem>>) src(%dma_wait3A_65 : memref<624x128xf32, #tpu.memory_space<vmem_shared>>) dst(%dma_wait3A_63 : memref<624x128xf32, #tpu.memory_space<hbm>>)
          tpu.yield
        }) : () -> ()
        %eq3A_44 = arith.constant 15 : i32
        %eq3A_45 = arith.cmpi eq, %arg1, %eq3A_44 : i32
        %convert_element_type3A_46 = arith.extui %eq3A_45 : i1 to i32
        %cond3A_47 = arith.constant 0 : i32
        %cond3A_48 = arith.constant 0 : i32
        %cond3A_49 = arith.cmpi ne, %convert_element_type3A_46, %cond3A_48 : i32
        scf.if %cond3A_49 {
          "tpu.region"() ({
            %run_scoped3A_50 = tpu.sem_alloc : memref<!tpu.dma_semaphore, #tpu.memory_space<semaphore_mem>>
            %dma_start3A_51 = arith.constant 0 : i32
            %dma_start3A_52 = arith.constant 0 : i32
            %dma_start3A_53 = tpu.memref_slice %arg5[%cond3A_47, %dma_start3A_51, %dma_start3A_52] : memref<2x10000x128xf32, #tpu.memory_space<hbm>> -> memref<1x10000x128xf32, #tpu.memory_space<hbm>>
            %dma_start3A_54 = tpu.memref_squeeze %dma_start3A_53 : memref<1x10000x128xf32, #tpu.memory_space<hbm>> -> memref<10000x128xf32, #tpu.memory_space<hbm>>
            %dma_start3A_55 = arith.constant 9984 : i32
            %dma_start3A_56 = arith.constant 0 : i32
            %dma_start3A_57 = tpu.memref_slice %dma_start3A_54[%dma_start3A_55, %dma_start3A_56] : memref<10000x128xf32, #tpu.memory_space<hbm>> -> memref<16x128xf32, #tpu.memory_space<hbm>>
            %dma_start3A_58 = arith.constant 9984 : i32
            %dma_start3A_59 = arith.constant 0 : i32
            %dma_start3A_60 = tpu.memref_slice %arg8[%dma_start3A_58, %dma_start3A_59] : memref<10016x128xf32, #tpu.memory_space<vmem_shared>> -> memref<16x128xf32, #tpu.memory_space<vmem_shared>>
            tpu.enqueue_dma source(%dma_start3A_60 : memref<16x128xf32, #tpu.memory_space<vmem_shared>>) target(%dma_start3A_57 : memref<16x128xf32, #tpu.memory_space<hbm>>) target_semaphore(%run_scoped3A_50 : memref<!tpu.dma_semaphore, #tpu.memory_space<semaphore_mem>>)
            %dma_wait3A = arith.constant 0 : i32
            %dma_wait3A_61 = arith.constant 0 : i32
            %dma_wait3A_62 = tpu.memref_slice %arg5[%cond3A_47, %dma_wait3A, %dma_wait3A_61] : memref<2x10000x128xf32, #tpu.memory_space<hbm>> -> memref<1x10000x128xf32, #tpu.memory_space<hbm>>
            %dma_wait3A_63 = tpu.memref_squeeze %dma_wait3A_62 : memref<1x10000x128xf32, #tpu.memory_space<hbm>> -> memref<10000x128xf32, #tpu.memory_space<hbm>>
            %dma_wait3A_64 = arith.constant 9984 : i32
            %dma_wait3A_65 = arith.constant 0 : i32
            %dma_wait3A_66 = tpu.memref_slice %dma_wait3A_63[%dma_wait3A_64, %dma_wait3A_65] : memref<10000x128xf32, #tpu.memory_space<hbm>> -> memref<16x128xf32, #tpu.memory_space<hbm>>
            %dma_wait3A_67 = arith.constant 9984 : i32
            %dma_wait3A_68 = arith.constant 0 : i32
            %dma_wait3A_69 = tpu.memref_slice %arg8[%dma_wait3A_67, %dma_wait3A_68] : memref<10016x128xf32, #tpu.memory_space<vmem_shared>> -> memref<16x128xf32, #tpu.memory_space<vmem_shared>>
            tpu.wait_dma2 semaphore(%run_scoped3A_50 : memref<!tpu.dma_semaphore, #tpu.memory_space<semaphore_mem>>) src(%dma_wait3A_69 : memref<16x128xf32, #tpu.memory_space<vmem_shared>>) dst(%dma_wait3A_66 : memref<16x128xf32, #tpu.memory_space<hbm>>)
            tpu.yield
          }) : () -> ()
        } else {
        }
      } else {
      }
      %eq3A_6 = arith.constant 1 : i32
      %eq3A_7 = arith.cmpi eq, %arg0, %eq3A_6 : i32
      %convert_element_type3A_8 = arith.extui %eq3A_7 : i1 to i32
      %cond3A_9 = arith.constant 0 : i32
      %cond3A_10 = arith.cmpi ne, %convert_element_type3A_8, %cond3A_9 : i32
      scf.if %cond3A_10 {
        %mul3A_11 = arith.constant 624 : i32
        %mul3A_12 = arith.muli %arg1, %mul3A_11 : i32
        %mul3A_13 = arith.constant 624 : i32
        %mul3A_14 = arith.muli %arg1, %mul3A_13 : i32
        %run_scoped3A_15 = arith.constant 1 : i32
        "tpu.region"() ({
          %run_scoped3A_50 = tpu.sem_alloc : memref<!tpu.dma_semaphore, #tpu.memory_space<semaphore_mem>>
          %dma_start3A_51 = arith.constant 0 : i32
          %dma_start3A_52 = tpu.memref_slice %arg8[%mul3A_14, %dma_start3A_51] : memref<10016x128xf32, #tpu.memory_space<vmem_shared>> -> memref<624x128xf32, #tpu.memory_space<vmem_shared>>
          %dma_start3A_53 = arith.constant 0 : i32
          %dma_start3A_54 = arith.constant 0 : i32
          %dma_start3A_55 = tpu.memref_slice %arg2[%run_scoped3A_15, %dma_start3A_53, %dma_start3A_54] : memref<2x10000x128xf32, #tpu.memory_space<hbm>> -> memref<1x10000x128xf32, #tpu.memory_space<hbm>>
          %dma_start3A_56 = tpu.memref_squeeze %dma_start3A_55 : memref<1x10000x128xf32, #tpu.memory_space<hbm>> -> memref<10000x128xf32, #tpu.memory_space<hbm>>
          %dma_start3A_57 = arith.constant 0 : i32
          %dma_start3A_58 = tpu.memref_slice %dma_start3A_56[%mul3A_12, %dma_start3A_57] : memref<10000x128xf32, #tpu.memory_space<hbm>> -> memref<624x128xf32, #tpu.memory_space<hbm>>
          tpu.enqueue_dma source(%dma_start3A_58 : memref<624x128xf32, #tpu.memory_space<hbm>>) target(%dma_start3A_52 : memref<624x128xf32, #tpu.memory_space<vmem_shared>>) target_semaphore(%run_scoped3A_50 : memref<!tpu.dma_semaphore, #tpu.memory_space<semaphore_mem>>)
          %dma_wait3A = arith.constant 0 : i32
          %dma_wait3A_59 = tpu.memref_slice %arg8[%mul3A_14, %dma_wait3A] : memref<10016x128xf32, #tpu.memory_space<vmem_shared>> -> memref<624x128xf32, #tpu.memory_space<vmem_shared>>
          %dma_wait3A_60 = arith.constant 0 : i32
          %dma_wait3A_61 = arith.constant 0 : i32
          %dma_wait3A_62 = tpu.memref_slice %arg2[%run_scoped3A_15, %dma_wait3A_60, %dma_wait3A_61] : memref<2x10000x128xf32, #tpu.memory_space<hbm>> -> memref<1x10000x128xf32, #tpu.memory_space<hbm>>
          %dma_wait3A_63 = tpu.memref_squeeze %dma_wait3A_62 : memref<1x10000x128xf32, #tpu.memory_space<hbm>> -> memref<10000x128xf32, #tpu.memory_space<hbm>>
          %dma_wait3A_64 = arith.constant 0 : i32
          %dma_wait3A_65 = tpu.memref_slice %dma_wait3A_63[%mul3A_12, %dma_wait3A_64] : memref<10000x128xf32, #tpu.memory_space<hbm>> -> memref<624x128xf32, #tpu.memory_space<hbm>>
          tpu.wait_dma2 semaphore(%run_scoped3A_50 : memref<!tpu.dma_semaphore, #tpu.memory_space<semaphore_mem>>) src(%dma_wait3A_65 : memref<624x128xf32, #tpu.memory_space<hbm>>) dst(%dma_wait3A_59 : memref<624x128xf32, #tpu.memory_space<vmem_shared>>)
          tpu.yield
        }) : () -> ()
        %eq3A_16 = arith.constant 15 : i32
        %eq3A_17 = arith.cmpi eq, %arg1, %eq3A_16 : i32
        %convert_element_type3A_18 = arith.extui %eq3A_17 : i1 to i32
        %cond3A_19 = arith.constant 1 : i32
        %cond3A_20 = arith.constant 0 : i32
        %cond3A_21 = arith.cmpi ne, %convert_element_type3A_18, %cond3A_20 : i32
        scf.if %cond3A_21 {
          "tpu.region"() ({
            %run_scoped3A_50 = tpu.sem_alloc : memref<!tpu.dma_semaphore, #tpu.memory_space<semaphore_mem>>
            %dma_start3A_51 = arith.constant 9984 : i32
            %dma_start3A_52 = arith.constant 0 : i32
            %dma_start3A_53 = tpu.memref_slice %arg8[%dma_start3A_51, %dma_start3A_52] : memref<10016x128xf32, #tpu.memory_space<vmem_shared>> -> memref<16x128xf32, #tpu.memory_space<vmem_shared>>
            %dma_start3A_54 = arith.constant 0 : i32
            %dma_start3A_55 = arith.constant 0 : i32
            %dma_start3A_56 = tpu.memref_slice %arg2[%cond3A_19, %dma_start3A_54, %dma_start3A_55] : memref<2x10000x128xf32, #tpu.memory_space<hbm>> -> memref<1x10000x128xf32, #tpu.memory_space<hbm>>
            %dma_start3A_57 = tpu.memref_squeeze %dma_start3A_56 : memref<1x10000x128xf32, #tpu.memory_space<hbm>> -> memref<10000x128xf32, #tpu.memory_space<hbm>>
            %dma_start3A_58 = arith.constant 9984 : i32
            %dma_start3A_59 = arith.constant 0 : i32
            %dma_start3A_60 = tpu.memref_slice %dma_start3A_57[%dma_start3A_58, %dma_start3A_59] : memref<10000x128xf32, #tpu.memory_space<hbm>> -> memref<16x128xf32, #tpu.memory_space<hbm>>
            tpu.enqueue_dma source(%dma_start3A_60 : memref<16x128xf32, #tpu.memory_space<hbm>>) target(%dma_start3A_53 : memref<16x128xf32, #tpu.memory_space<vmem_shared>>) target_semaphore(%run_scoped3A_50 : memref<!tpu.dma_semaphore, #tpu.memory_space<semaphore_mem>>)
            %dma_wait3A = arith.constant 9984 : i32
            %dma_wait3A_61 = arith.constant 0 : i32
            %dma_wait3A_62 = tpu.memref_slice %arg8[%dma_wait3A, %dma_wait3A_61] : memref<10016x128xf32, #tpu.memory_space<vmem_shared>> -> memref<16x128xf32, #tpu.memory_space<vmem_shared>>
            %dma_wait3A_63 = arith.constant 0 : i32
            %dma_wait3A_64 = arith.constant 0 : i32
            %dma_wait3A_65 = tpu.memref_slice %arg2[%cond3A_19, %dma_wait3A_63, %dma_wait3A_64] : memref<2x10000x128xf32, #tpu.memory_space<hbm>> -> memref<1x10000x128xf32, #tpu.memory_space<hbm>>
            %dma_wait3A_66 = tpu.memref_squeeze %dma_wait3A_65 : memref<1x10000x128xf32, #tpu.memory_space<hbm>> -> memref<10000x128xf32, #tpu.memory_space<hbm>>
            %dma_wait3A_67 = arith.constant 9984 : i32
            %dma_wait3A_68 = arith.constant 0 : i32
            %dma_wait3A_69 = tpu.memref_slice %dma_wait3A_66[%dma_wait3A_67, %dma_wait3A_68] : memref<10000x128xf32, #tpu.memory_space<hbm>> -> memref<16x128xf32, #tpu.memory_space<hbm>>
            tpu.wait_dma2 semaphore(%run_scoped3A_50 : memref<!tpu.dma_semaphore, #tpu.memory_space<semaphore_mem>>) src(%dma_wait3A_69 : memref<16x128xf32, #tpu.memory_space<hbm>>) dst(%dma_wait3A_62 : memref<16x128xf32, #tpu.memory_space<vmem_shared>>)
            tpu.yield
          }) : () -> ()
        } else {
        }
        %barrier3A = arith.constant 0 : index
        tpu.barrier barrier_id(%barrier3A)
        %dma_start3A = arith.constant 1 : i32
        %dma_start3A_22 = arith.constant 0 : i32
        %dma_start3A_23 = tpu.memref_slice %arg6[%dma_start3A_22] : memref<10240xi32, #tpu.memory_space<vmem>> -> memref<80xi32, #tpu.memory_space<vmem>>
        %dma_start3A_24 = arith.constant 0 : i32
        %dma_start3A_25 = arith.constant 0 : i32
        %dma_start3A_26 = tpu.memref_slice %arg2[%dma_start3A, %dma_start3A_24, %dma_start3A_25] : memref<2x10000x128xf32, #tpu.memory_space<hbm>> -> memref<1x10000x128xf32, #tpu.memory_space<hbm>>
        %dma_start3A_27 = tpu.memref_squeeze %dma_start3A_26 : memref<1x10000x128xf32, #tpu.memory_space<hbm>> -> memref<10000x128xf32, #tpu.memory_space<hbm>>
        %dma_start3A_28 = arith.constant 0 : i32
        %dma_start3A_29 = arith.constant 0 : i32
        %dma_start3A_30 = tpu.memref_slice %dma_start3A_27[%dma_start3A_28, %dma_start3A_29] : memref<10000x128xf32, #tpu.memory_space<hbm>> -> memref<10000x128xf32, #tpu.memory_space<hbm>>
        tpu.enqueue_indirect_dma source(%dma_start3A_30 : memref<10000x128xf32, #tpu.memory_space<hbm>>) target(%run_scoped3A : memref<80x128xf32, #tpu.memory_space<vmem>>) offsets(%dma_start3A_23 : memref<80xi32, #tpu.memory_space<vmem>>) semaphore(%arg9 : memref<!tpu.dma_semaphore, #tpu.memory_space<semaphore_mem>>)
        %scan3A = arith.constant 1 : i32
        %scan3A_31 = arith.constant 0 : i32
        %scan3A_32 = arith.constant 0 : i32
        %scan3A_33 = arith.constant 64 : i32
        %scan3A_34 = arith.addi %scan3A_32, %scan3A_33 : i32
        %scan3A_35 = arith.constant 1 : i32
        %scan3A_36 = scf.for %scan3A_50 = %scan3A_32 to %scan3A_34 step %scan3A_35 iter_args(%scan3A_51 = %scan3A_31) -> (i32)  : i32 {
          %mul3A_52 = arith.constant 2 : i32
          %mul3A_53 = arith.muli %mul3A_52, %scan3A_50 : i32
          %add3A = arith.constant 1 : i32
          %add3A_54 = arith.addi %mul3A_53, %add3A : i32
          %mul3A_55 = arith.constant 80 : i32
          %mul3A_56 = arith.muli %add3A_54, %mul3A_55 : i32
          %dma_start3A_57 = tpu.memref_slice %arg6[%mul3A_56] : memref<10240xi32, #tpu.memory_space<vmem>> -> memref<80xi32, #tpu.memory_space<vmem>>
          %dma_start3A_58 = arith.constant 0 : i32
          %dma_start3A_59 = arith.constant 0 : i32
          %dma_start3A_60 = tpu.memref_slice %arg2[%scan3A, %dma_start3A_58, %dma_start3A_59] : memref<2x10000x128xf32, #tpu.memory_space<hbm>> -> memref<1x10000x128xf32, #tpu.memory_space<hbm>>
          %dma_start3A_61 = tpu.memref_squeeze %dma_start3A_60 : memref<1x10000x128xf32, #tpu.memory_space<hbm>> -> memref<10000x128xf32, #tpu.memory_space<hbm>>
          %dma_start3A_62 = arith.constant 0 : i32
          %dma_start3A_63 = arith.constant 0 : i32
          %dma_start3A_64 = tpu.memref_slice %dma_start3A_61[%dma_start3A_62, %dma_start3A_63] : memref<10000x128xf32, #tpu.memory_space<hbm>> -> memref<10000x128xf32, #tpu.memory_space<hbm>>
          tpu.enqueue_indirect_dma source(%dma_start3A_64 : memref<10000x128xf32, #tpu.memory_space<hbm>>) target(%run_scoped3A_3 : memref<80x128xf32, #tpu.memory_space<vmem>>) offsets(%dma_start3A_57 : memref<80xi32, #tpu.memory_space<vmem>>) semaphore(%arg10 : memref<!tpu.dma_semaphore, #tpu.memory_space<semaphore_mem>>)
          %mul3A_65 = arith.constant 80 : i32
          %mul3A_66 = arith.muli %mul3A_53, %mul3A_65 : i32
          %dma_wait3A = tpu.memref_slice %arg6[%mul3A_66] : memref<10240xi32, #tpu.memory_space<vmem>> -> memref<80xi32, #tpu.memory_space<vmem>>
          %dma_wait3A_67 = arith.constant 0 : i32
          %dma_wait3A_68 = arith.constant 0 : i32
          %dma_wait3A_69 = tpu.memref_slice %arg2[%scan3A, %dma_wait3A_67, %dma_wait3A_68] : memref<2x10000x128xf32, #tpu.memory_space<hbm>> -> memref<1x10000x128xf32, #tpu.memory_space<hbm>>
          %dma_wait3A_70 = tpu.memref_squeeze %dma_wait3A_69 : memref<1x10000x128xf32, #tpu.memory_space<hbm>> -> memref<10000x128xf32, #tpu.memory_space<hbm>>
          %dma_wait3A_71 = arith.constant 0 : i32
          %dma_wait3A_72 = arith.constant 0 : i32
          %dma_wait3A_73 = tpu.memref_slice %dma_wait3A_70[%dma_wait3A_71, %dma_wait3A_72] : memref<10000x128xf32, #tpu.memory_space<hbm>> -> memref<10000x128xf32, #tpu.memory_space<hbm>>
          tpu.wait_indirect_dma semaphore(%arg9 : memref<!tpu.dma_semaphore, #tpu.memory_space<semaphore_mem>>) src(%dma_wait3A_73 : memref<10000x128xf32, #tpu.memory_space<hbm>>) dst(%run_scoped3A : memref<80x128xf32, #tpu.memory_space<vmem>>)
          "tpu.region"() ({
            %run_scoped3A_93 = tpu.sem_alloc : memref<!tpu.dma_semaphore, #tpu.memory_space<semaphore_mem>>
            %dma_start3A_94 = arith.constant 0 : i32
            %dma_start3A_95 = tpu.memref_slice %arg7[%mul3A_53, %dma_start3A_94] : memref<128x80xi32, #tpu.memory_space<vmem>> -> memref<1x80xi32, #tpu.memory_space<vmem>>
            %dma_start3A_96 = tpu.memref_squeeze %dma_start3A_95 : memref<1x80xi32, #tpu.memory_space<vmem>> -> memref<80xi32, #tpu.memory_space<vmem>>
            %dma_start3A_97 = arith.constant 0 : i32
            %dma_start3A_98 = arith.constant 0 : i32
            %dma_start3A_99 = tpu.memref_slice %arg8[%dma_start3A_97, %dma_start3A_98] : memref<10016x128xf32, #tpu.memory_space<vmem_shared>> -> memref<10016x128xf32, #tpu.memory_space<vmem_shared>>
            tpu.enqueue_indirect_dma source(%run_scoped3A : memref<80x128xf32, #tpu.memory_space<vmem>>) target(%dma_start3A_99 : memref<10016x128xf32, #tpu.memory_space<vmem_shared>>) offsets(%dma_start3A_96 : memref<80xi32, #tpu.memory_space<vmem>>) semaphore(%run_scoped3A_93 : memref<!tpu.dma_semaphore, #tpu.memory_space<semaphore_mem>>) {add = true}
            %dma_wait3A_100 = arith.constant 0 : i32
            %dma_wait3A_101 = tpu.memref_slice %arg7[%mul3A_53, %dma_wait3A_100] : memref<128x80xi32, #tpu.memory_space<vmem>> -> memref<1x80xi32, #tpu.memory_space<vmem>>
            %dma_wait3A_102 = tpu.memref_squeeze %dma_wait3A_101 : memref<1x80xi32, #tpu.memory_space<vmem>> -> memref<80xi32, #tpu.memory_space<vmem>>
            %dma_wait3A_103 = arith.constant 0 : i32
            %dma_wait3A_104 = arith.constant 0 : i32
            %dma_wait3A_105 = tpu.memref_slice %arg8[%dma_wait3A_103, %dma_wait3A_104] : memref<10016x128xf32, #tpu.memory_space<vmem_shared>> -> memref<10016x128xf32, #tpu.memory_space<vmem_shared>>
            tpu.wait_indirect_dma semaphore(%run_scoped3A_93 : memref<!tpu.dma_semaphore, #tpu.memory_space<semaphore_mem>>) src(%run_scoped3A : memref<80x128xf32, #tpu.memory_space<vmem>>) dst(%dma_wait3A_105 : memref<10016x128xf32, #tpu.memory_space<vmem_shared>>)
            tpu.yield
          }) : () -> ()
          %lt3A = arith.constant 63 : i32
          %lt3A_74 = arith.cmpi slt, %scan3A_50, %lt3A : i32
          %convert_element_type3A_75 = arith.extui %lt3A_74 : i1 to i32
          %cond3A_76 = arith.constant 0 : i32
          %cond3A_77 = arith.cmpi ne, %convert_element_type3A_75, %cond3A_76 : i32
          scf.if %cond3A_77 {
            %add3A_93 = arith.constant 2 : i32
            %add3A_94 = arith.addi %mul3A_53, %add3A_93 : i32
            %mul3A_95 = arith.constant 80 : i32
            %mul3A_96 = arith.muli %add3A_94, %mul3A_95 : i32
            %dma_start3A_97 = tpu.memref_slice %arg6[%mul3A_96] : memref<10240xi32, #tpu.memory_space<vmem>> -> memref<80xi32, #tpu.memory_space<vmem>>
            %dma_start3A_98 = arith.constant 0 : i32
            %dma_start3A_99 = arith.constant 0 : i32
            %dma_start3A_100 = tpu.memref_slice %arg2[%scan3A, %dma_start3A_98, %dma_start3A_99] : memref<2x10000x128xf32, #tpu.memory_space<hbm>> -> memref<1x10000x128xf32, #tpu.memory_space<hbm>>
            %dma_start3A_101 = tpu.memref_squeeze %dma_start3A_100 : memref<1x10000x128xf32, #tpu.memory_space<hbm>> -> memref<10000x128xf32, #tpu.memory_space<hbm>>
            %dma_start3A_102 = arith.constant 0 : i32
            %dma_start3A_103 = arith.constant 0 : i32
            %dma_start3A_104 = tpu.memref_slice %dma_start3A_101[%dma_start3A_102, %dma_start3A_103] : memref<10000x128xf32, #tpu.memory_space<hbm>> -> memref<10000x128xf32, #tpu.memory_space<hbm>>
            tpu.enqueue_indirect_dma source(%dma_start3A_104 : memref<10000x128xf32, #tpu.memory_space<hbm>>) target(%run_scoped3A : memref<80x128xf32, #tpu.memory_space<vmem>>) offsets(%dma_start3A_97 : memref<80xi32, #tpu.memory_space<vmem>>) semaphore(%arg9 : memref<!tpu.dma_semaphore, #tpu.memory_space<semaphore_mem>>)
          } else {
          }
          %add3A_78 = arith.constant 1 : i32
          %add3A_79 = arith.addi %mul3A_53, %add3A_78 : i32
          %mul3A_80 = arith.constant 80 : i32
          %mul3A_81 = arith.muli %add3A_79, %mul3A_80 : i32
          %dma_wait3A_82 = tpu.memref_slice %arg6[%mul3A_81] : memref<10240xi32, #tpu.memory_space<vmem>> -> memref<80xi32, #tpu.memory_space<vmem>>
          %dma_wait3A_83 = arith.constant 0 : i32
          %dma_wait3A_84 = arith.constant 0 : i32
          %dma_wait3A_85 = tpu.memref_slice %arg2[%scan3A, %dma_wait3A_83, %dma_wait3A_84] : memref<2x10000x128xf32, #tpu.memory_space<hbm>> -> memref<1x10000x128xf32, #tpu.memory_space<hbm>>
          %dma_wait3A_86 = tpu.memref_squeeze %dma_wait3A_85 : memref<1x10000x128xf32, #tpu.memory_space<hbm>> -> memref<10000x128xf32, #tpu.memory_space<hbm>>
          %dma_wait3A_87 = arith.constant 0 : i32
          %dma_wait3A_88 = arith.constant 0 : i32
          %dma_wait3A_89 = tpu.memref_slice %dma_wait3A_86[%dma_wait3A_87, %dma_wait3A_88] : memref<10000x128xf32, #tpu.memory_space<hbm>> -> memref<10000x128xf32, #tpu.memory_space<hbm>>
          tpu.wait_indirect_dma semaphore(%arg10 : memref<!tpu.dma_semaphore, #tpu.memory_space<semaphore_mem>>) src(%dma_wait3A_89 : memref<10000x128xf32, #tpu.memory_space<hbm>>) dst(%run_scoped3A_3 : memref<80x128xf32, #tpu.memory_space<vmem>>)
          %add3A_90 = arith.constant 1 : i32
          %add3A_91 = arith.addi %mul3A_53, %add3A_90 : i32
          "tpu.region"() ({
            %run_scoped3A_93 = tpu.sem_alloc : memref<!tpu.dma_semaphore, #tpu.memory_space<semaphore_mem>>
            %dma_start3A_94 = arith.constant 0 : i32
            %dma_start3A_95 = tpu.memref_slice %arg7[%add3A_91, %dma_start3A_94] : memref<128x80xi32, #tpu.memory_space<vmem>> -> memref<1x80xi32, #tpu.memory_space<vmem>>
            %dma_start3A_96 = tpu.memref_squeeze %dma_start3A_95 : memref<1x80xi32, #tpu.memory_space<vmem>> -> memref<80xi32, #tpu.memory_space<vmem>>
            %dma_start3A_97 = arith.constant 0 : i32
            %dma_start3A_98 = arith.constant 0 : i32
            %dma_start3A_99 = tpu.memref_slice %arg8[%dma_start3A_97, %dma_start3A_98] : memref<10016x128xf32, #tpu.memory_space<vmem_shared>> -> memref<10016x128xf32, #tpu.memory_space<vmem_shared>>
            tpu.enqueue_indirect_dma source(%run_scoped3A_3 : memref<80x128xf32, #tpu.memory_space<vmem>>) target(%dma_start3A_99 : memref<10016x128xf32, #tpu.memory_space<vmem_shared>>) offsets(%dma_start3A_96 : memref<80xi32, #tpu.memory_space<vmem>>) semaphore(%run_scoped3A_93 : memref<!tpu.dma_semaphore, #tpu.memory_space<semaphore_mem>>) {add = true}
            %dma_wait3A_100 = arith.constant 0 : i32
            %dma_wait3A_101 = tpu.memref_slice %arg7[%add3A_91, %dma_wait3A_100] : memref<128x80xi32, #tpu.memory_space<vmem>> -> memref<1x80xi32, #tpu.memory_space<vmem>>
            %dma_wait3A_102 = tpu.memref_squeeze %dma_wait3A_101 : memref<1x80xi32, #tpu.memory_space<vmem>> -> memref<80xi32, #tpu.memory_space<vmem>>
            %dma_wait3A_103 = arith.constant 0 : i32
            %dma_wait3A_104 = arith.constant 0 : i32
            %dma_wait3A_105 = tpu.memref_slice %arg8[%dma_wait3A_103, %dma_wait3A_104] : memref<10016x128xf32, #tpu.memory_space<vmem_shared>> -> memref<10016x128xf32, #tpu.memory_space<vmem_shared>>
            tpu.wait_indirect_dma semaphore(%run_scoped3A_93 : memref<!tpu.dma_semaphore, #tpu.memory_space<semaphore_mem>>) src(%run_scoped3A_3 : memref<80x128xf32, #tpu.memory_space<vmem>>) dst(%dma_wait3A_105 : memref<10016x128xf32, #tpu.memory_space<vmem_shared>>)
            tpu.yield
          }) : () -> ()
          %scan3A_92 = arith.constant 0 : i32
          scf.yield %scan3A_92 : i32
        }
        %scan3A_37 = arith.constant 64 : i32
        %barrier3A_38 = arith.constant 0 : index
        tpu.barrier barrier_id(%barrier3A_38)
        %mul3A_39 = arith.constant 624 : i32
        %mul3A_40 = arith.muli %arg1, %mul3A_39 : i32
        %mul3A_41 = arith.constant 624 : i32
        %mul3A_42 = arith.muli %arg1, %mul3A_41 : i32
        %run_scoped3A_43 = arith.constant 1 : i32
        "tpu.region"() ({
          %run_scoped3A_50 = tpu.sem_alloc : memref<!tpu.dma_semaphore, #tpu.memory_space<semaphore_mem>>
          %dma_start3A_51 = arith.constant 0 : i32
          %dma_start3A_52 = arith.constant 0 : i32
          %dma_start3A_53 = tpu.memref_slice %arg5[%run_scoped3A_43, %dma_start3A_51, %dma_start3A_52] : memref<2x10000x128xf32, #tpu.memory_space<hbm>> -> memref<1x10000x128xf32, #tpu.memory_space<hbm>>
          %dma_start3A_54 = tpu.memref_squeeze %dma_start3A_53 : memref<1x10000x128xf32, #tpu.memory_space<hbm>> -> memref<10000x128xf32, #tpu.memory_space<hbm>>
          %dma_start3A_55 = arith.constant 0 : i32
          %dma_start3A_56 = tpu.memref_slice %dma_start3A_54[%mul3A_42, %dma_start3A_55] : memref<10000x128xf32, #tpu.memory_space<hbm>> -> memref<624x128xf32, #tpu.memory_space<hbm>>
          %dma_start3A_57 = arith.constant 0 : i32
          %dma_start3A_58 = tpu.memref_slice %arg8[%mul3A_40, %dma_start3A_57] : memref<10016x128xf32, #tpu.memory_space<vmem_shared>> -> memref<624x128xf32, #tpu.memory_space<vmem_shared>>
          tpu.enqueue_dma source(%dma_start3A_58 : memref<624x128xf32, #tpu.memory_space<vmem_shared>>) target(%dma_start3A_56 : memref<624x128xf32, #tpu.memory_space<hbm>>) target_semaphore(%run_scoped3A_50 : memref<!tpu.dma_semaphore, #tpu.memory_space<semaphore_mem>>)
          %dma_wait3A = arith.constant 0 : i32
          %dma_wait3A_59 = arith.constant 0 : i32
          %dma_wait3A_60 = tpu.memref_slice %arg5[%run_scoped3A_43, %dma_wait3A, %dma_wait3A_59] : memref<2x10000x128xf32, #tpu.memory_space<hbm>> -> memref<1x10000x128xf32, #tpu.memory_space<hbm>>
          %dma_wait3A_61 = tpu.memref_squeeze %dma_wait3A_60 : memref<1x10000x128xf32, #tpu.memory_space<hbm>> -> memref<10000x128xf32, #tpu.memory_space<hbm>>
          %dma_wait3A_62 = arith.constant 0 : i32
          %dma_wait3A_63 = tpu.memref_slice %dma_wait3A_61[%mul3A_42, %dma_wait3A_62] : memref<10000x128xf32, #tpu.memory_space<hbm>> -> memref<624x128xf32, #tpu.memory_space<hbm>>
          %dma_wait3A_64 = arith.constant 0 : i32
          %dma_wait3A_65 = tpu.memref_slice %arg8[%mul3A_40, %dma_wait3A_64] : memref<10016x128xf32, #tpu.memory_space<vmem_shared>> -> memref<624x128xf32, #tpu.memory_space<vmem_shared>>
          tpu.wait_dma2 semaphore(%run_scoped3A_50 : memref<!tpu.dma_semaphore, #tpu.memory_space<semaphore_mem>>) src(%dma_wait3A_65 : memref<624x128xf32, #tpu.memory_space<vmem_shared>>) dst(%dma_wait3A_63 : memref<624x128xf32, #tpu.memory_space<hbm>>)
          tpu.yield
        }) : () -> ()
        %eq3A_44 = arith.constant 15 : i32
        %eq3A_45 = arith.cmpi eq, %arg1, %eq3A_44 : i32
        %convert_element_type3A_46 = arith.extui %eq3A_45 : i1 to i32
        %cond3A_47 = arith.constant 1 : i32
        %cond3A_48 = arith.constant 0 : i32
        %cond3A_49 = arith.cmpi ne, %convert_element_type3A_46, %cond3A_48 : i32
        scf.if %cond3A_49 {
          "tpu.region"() ({
            %run_scoped3A_50 = tpu.sem_alloc : memref<!tpu.dma_semaphore, #tpu.memory_space<semaphore_mem>>
            %dma_start3A_51 = arith.constant 0 : i32
            %dma_start3A_52 = arith.constant 0 : i32
            %dma_start3A_53 = tpu.memref_slice %arg5[%cond3A_47, %dma_start3A_51, %dma_start3A_52] : memref<2x10000x128xf32, #tpu.memory_space<hbm>> -> memref<1x10000x128xf32, #tpu.memory_space<hbm>>
            %dma_start3A_54 = tpu.memref_squeeze %dma_start3A_53 : memref<1x10000x128xf32, #tpu.memory_space<hbm>> -> memref<10000x128xf32, #tpu.memory_space<hbm>>
            %dma_start3A_55 = arith.constant 9984 : i32
            %dma_start3A_56 = arith.constant 0 : i32
            %dma_start3A_57 = tpu.memref_slice %dma_start3A_54[%dma_start3A_55, %dma_start3A_56] : memref<10000x128xf32, #tpu.memory_space<hbm>> -> memref<16x128xf32, #tpu.memory_space<hbm>>
            %dma_start3A_58 = arith.constant 9984 : i32
            %dma_start3A_59 = arith.constant 0 : i32
            %dma_start3A_60 = tpu.memref_slice %arg8[%dma_start3A_58, %dma_start3A_59] : memref<10016x128xf32, #tpu.memory_space<vmem_shared>> -> memref<16x128xf32, #tpu.memory_space<vmem_shared>>
            tpu.enqueue_dma source(%dma_start3A_60 : memref<16x128xf32, #tpu.memory_space<vmem_shared>>) target(%dma_start3A_57 : memref<16x128xf32, #tpu.memory_space<hbm>>) target_semaphore(%run_scoped3A_50 : memref<!tpu.dma_semaphore, #tpu.memory_space<semaphore_mem>>)
            %dma_wait3A = arith.constant 0 : i32
            %dma_wait3A_61 = arith.constant 0 : i32
            %dma_wait3A_62 = tpu.memref_slice %arg5[%cond3A_47, %dma_wait3A, %dma_wait3A_61] : memref<2x10000x128xf32, #tpu.memory_space<hbm>> -> memref<1x10000x128xf32, #tpu.memory_space<hbm>>
            %dma_wait3A_63 = tpu.memref_squeeze %dma_wait3A_62 : memref<1x10000x128xf32, #tpu.memory_space<hbm>> -> memref<10000x128xf32, #tpu.memory_space<hbm>>
            %dma_wait3A_64 = arith.constant 9984 : i32
            %dma_wait3A_65 = arith.constant 0 : i32
            %dma_wait3A_66 = tpu.memref_slice %dma_wait3A_63[%dma_wait3A_64, %dma_wait3A_65] : memref<10000x128xf32, #tpu.memory_space<hbm>> -> memref<16x128xf32, #tpu.memory_space<hbm>>
            %dma_wait3A_67 = arith.constant 9984 : i32
            %dma_wait3A_68 = arith.constant 0 : i32
            %dma_wait3A_69 = tpu.memref_slice %arg8[%dma_wait3A_67, %dma_wait3A_68] : memref<10016x128xf32, #tpu.memory_space<vmem_shared>> -> memref<16x128xf32, #tpu.memory_space<vmem_shared>>
            tpu.wait_dma2 semaphore(%run_scoped3A_50 : memref<!tpu.dma_semaphore, #tpu.memory_space<semaphore_mem>>) src(%dma_wait3A_69 : memref<16x128xf32, #tpu.memory_space<vmem_shared>>) dst(%dma_wait3A_66 : memref<16x128xf32, #tpu.memory_space<hbm>>)
            tpu.yield
          }) : () -> ()
        } else {
        }
      } else {
      }
      tpu.yield
    }) : () -> ()
    return
  }
}

#map = affine_map<(d0, d1) -> (0, 0)>
#map1 = affine_map<(d0, d1) -> (0)>
module attributes {stable_mosaic.version = 14 : i64} {
  func.func @_deg_kernel(%arg0: i32, %arg1: i32, %arg2: memref<2x163840xi32, #tpu.memory_space<hbm>>, %arg3: memref<20480xf32, #tpu.memory_space<hbm>>, %arg4: memref<5120xi32, #tpu.memory_space<vmem>>, %arg5: memref<10240xf32, #tpu.memory_space<vmem>>, %arg6: memref<16x640xf32, #tpu.memory_space<vmem>>, %arg7: memref<16x10240xf32, #tpu.memory_space<vmem_shared>>) attributes {dimension_semantics = [#tpu.dimension_semantics<core_parallel>, #tpu.dimension_semantics<subcore_parallel>], iteration_bounds = array<i64: 2, 16>, scalar_prefetch = 0 : i64, scratch_operands = 4 : i64, tpu.core_type = #tpu.core_type<sc_vector_subcore>, window_params = [{transform_indices = #map}, {transform_indices = #map1}]} {
    %mul3A = arith.constant 16 : i32
    %mul3A_0 = arith.muli %arg0, %mul3A : i32
    %add3A = arith.addi %mul3A_0, %arg1 : i32
    %mul3A_1 = arith.constant 5120 : i32
    %mul3A_2 = arith.muli %add3A, %mul3A_1 : i32
    %run_scoped3A = arith.constant 1 : i32
    "tpu.region"() ({
      %run_scoped3A_32 = tpu.sem_alloc : memref<!tpu.dma_semaphore, #tpu.memory_space<semaphore_mem>>
      %dma_start3A = tpu.memref_slice %arg2[%run_scoped3A, %mul3A_2] : memref<2x163840xi32, #tpu.memory_space<hbm>> -> memref<1x5120xi32, #tpu.memory_space<hbm>>
      %dma_start3A_33 = tpu.memref_squeeze %dma_start3A : memref<1x5120xi32, #tpu.memory_space<hbm>> -> memref<5120xi32, #tpu.memory_space<hbm>>
      %dma_start3A_34 = tpu.memref_slice %arg2[%run_scoped3A, %mul3A_2] : memref<2x163840xi32, #tpu.memory_space<hbm>> -> memref<1x5120xi32, #tpu.memory_space<hbm>>
      %dma_start3A_35 = tpu.memref_squeeze %dma_start3A_34 : memref<1x5120xi32, #tpu.memory_space<hbm>> -> memref<5120xi32, #tpu.memory_space<hbm>>
      tpu.enqueue_dma source(%dma_start3A_35 : memref<5120xi32, #tpu.memory_space<hbm>>) target(%arg4 : memref<5120xi32, #tpu.memory_space<vmem>>) target_semaphore(%run_scoped3A_32 : memref<!tpu.dma_semaphore, #tpu.memory_space<semaphore_mem>>)
      %dma_wait3A = tpu.memref_slice %arg2[%run_scoped3A, %mul3A_2] : memref<2x163840xi32, #tpu.memory_space<hbm>> -> memref<1x5120xi32, #tpu.memory_space<hbm>>
      %dma_wait3A_36 = tpu.memref_squeeze %dma_wait3A : memref<1x5120xi32, #tpu.memory_space<hbm>> -> memref<5120xi32, #tpu.memory_space<hbm>>
      %dma_wait3A_37 = tpu.memref_slice %arg2[%run_scoped3A, %mul3A_2] : memref<2x163840xi32, #tpu.memory_space<hbm>> -> memref<1x5120xi32, #tpu.memory_space<hbm>>
      %dma_wait3A_38 = tpu.memref_squeeze %dma_wait3A_37 : memref<1x5120xi32, #tpu.memory_space<hbm>> -> memref<5120xi32, #tpu.memory_space<hbm>>
      tpu.wait_dma2 semaphore(%run_scoped3A_32 : memref<!tpu.dma_semaphore, #tpu.memory_space<semaphore_mem>>) src(%dma_wait3A_38 : memref<5120xi32, #tpu.memory_space<hbm>>) dst(%arg4 : memref<5120xi32, #tpu.memory_space<vmem>>)
      tpu.yield
    }) : () -> ()
    %scan3A = arith.constant 0 : i32
    %scan3A_3 = arith.constant 0 : i32
    %scan3A_4 = arith.constant 640 : i32
    %scan3A_5 = arith.addi %scan3A_3, %scan3A_4 : i32
    %scan3A_6 = arith.constant 1 : i32
    %scan3A_7 = scf.for %scan3A_32 = %scan3A_3 to %scan3A_5 step %scan3A_6 iter_args(%scan3A_33 = %scan3A) -> (i32)  : i32 {
      %broadcast_in_dim3A_34 = arith.constant 0.000000e+00 : f32
      %broadcast_in_dim3A_35 = vector.broadcast %broadcast_in_dim3A_34 : f32 to vector<16xf32>
      %mul3A_36 = arith.constant 16 : i32
      %mul3A_37 = arith.muli %scan3A_32, %mul3A_36 : i32
      %swap3A = arith.index_cast %mul3A_37 : i32 to index
      %swap3A_38 = tpu.vector_load %arg5[%swap3A] {strides = array<i32>} : memref<10240xf32, #tpu.memory_space<vmem>>, vector<16xf32>,
      tpu.vector_store %arg5[%swap3A], %broadcast_in_dim3A_35 {strides = array<i32>} : memref<10240xf32, #tpu.memory_space<vmem>>, vector<16xf32>,
      %scan3A_39 = arith.constant 0 : i32
      scf.yield %scan3A_39 : i32
    }
    %scan3A_8 = arith.constant 640 : i32
    %broadcast_in_dim3A = arith.constant 1.000000e+00 : f32
    %broadcast_in_dim3A_9 = vector.broadcast %broadcast_in_dim3A : f32 to vector<16xf32>
    %scan3A_10 = arith.constant 0 : i32
    %scan3A_11 = arith.constant 0 : i32
    %scan3A_12 = arith.constant 320 : i32
    %scan3A_13 = arith.addi %scan3A_11, %scan3A_12 : i32
    %scan3A_14 = arith.constant 1 : i32
    %scan3A_15 = scf.for %scan3A_32 = %scan3A_11 to %scan3A_13 step %scan3A_14 iter_args(%scan3A_33 = %scan3A_10) -> (i32)  : i32 {
      %mul3A_34 = arith.constant 16 : i32
      %mul3A_35 = arith.muli %scan3A_32, %mul3A_34 : i32
      %get3A = arith.index_cast %mul3A_35 : i32 to index
      %get3A_36 = tpu.vector_load %arg4[%get3A] {strides = array<i32>} : memref<5120xi32, #tpu.memory_space<vmem>>, vector<16xi32>,
      tpu.vector_store_idx %arg5[%get3A_36], %broadcast_in_dim3A_9 {add = true} : memref<10240xf32, #tpu.memory_space<vmem>>[vector<16xi32>], vector<16xf32>,
      %scan3A_37 = arith.constant 0 : i32
      scf.yield %scan3A_37 : i32
    }
    %scan3A_16 = arith.constant 320 : i32
    "tpu.region"() ({
      %run_scoped3A_32 = tpu.sem_alloc : memref<!tpu.dma_semaphore, #tpu.memory_space<semaphore_mem>>
      %dma_start3A = arith.constant 0 : i32
      %dma_start3A_33 = tpu.memref_slice %arg7[%arg1, %dma_start3A] : memref<16x10240xf32, #tpu.memory_space<vmem_shared>> -> memref<1x10240xf32, #tpu.memory_space<vmem_shared>>
      %dma_start3A_34 = tpu.memref_squeeze %dma_start3A_33 : memref<1x10240xf32, #tpu.memory_space<vmem_shared>> -> memref<10240xf32, #tpu.memory_space<vmem_shared>>
      %dma_start3A_35 = arith.constant 0 : i32
      %dma_start3A_36 = tpu.memref_slice %arg7[%arg1, %dma_start3A_35] : memref<16x10240xf32, #tpu.memory_space<vmem_shared>> -> memref<1x10240xf32, #tpu.memory_space<vmem_shared>>
      %dma_start3A_37 = tpu.memref_squeeze %dma_start3A_36 : memref<1x10240xf32, #tpu.memory_space<vmem_shared>> -> memref<10240xf32, #tpu.memory_space<vmem_shared>>
      tpu.enqueue_dma source(%arg5 : memref<10240xf32, #tpu.memory_space<vmem>>) target(%dma_start3A_37 : memref<10240xf32, #tpu.memory_space<vmem_shared>>) target_semaphore(%run_scoped3A_32 : memref<!tpu.dma_semaphore, #tpu.memory_space<semaphore_mem>>)
      %dma_wait3A = arith.constant 0 : i32
      %dma_wait3A_38 = tpu.memref_slice %arg7[%arg1, %dma_wait3A] : memref<16x10240xf32, #tpu.memory_space<vmem_shared>> -> memref<1x10240xf32, #tpu.memory_space<vmem_shared>>
      %dma_wait3A_39 = tpu.memref_squeeze %dma_wait3A_38 : memref<1x10240xf32, #tpu.memory_space<vmem_shared>> -> memref<10240xf32, #tpu.memory_space<vmem_shared>>
      %dma_wait3A_40 = arith.constant 0 : i32
      %dma_wait3A_41 = tpu.memref_slice %arg7[%arg1, %dma_wait3A_40] : memref<16x10240xf32, #tpu.memory_space<vmem_shared>> -> memref<1x10240xf32, #tpu.memory_space<vmem_shared>>
      %dma_wait3A_42 = tpu.memref_squeeze %dma_wait3A_41 : memref<1x10240xf32, #tpu.memory_space<vmem_shared>> -> memref<10240xf32, #tpu.memory_space<vmem_shared>>
      tpu.wait_dma2 semaphore(%run_scoped3A_32 : memref<!tpu.dma_semaphore, #tpu.memory_space<semaphore_mem>>) src(%arg5 : memref<10240xf32, #tpu.memory_space<vmem>>) dst(%dma_wait3A_42 : memref<10240xf32, #tpu.memory_space<vmem_shared>>)
      tpu.yield
    }) : () -> ()
    %barrier3A = arith.constant 0 : index
    tpu.barrier barrier_id(%barrier3A)
    %mul3A_17 = arith.constant 640 : i32
    %mul3A_18 = arith.muli %arg1, %mul3A_17 : i32
    "tpu.region"() ({
      %run_scoped3A_32 = tpu.sem_alloc : memref<!tpu.dma_semaphore, #tpu.memory_space<semaphore_mem>>
      %dma_start3A = arith.constant 0 : i32
      %dma_start3A_33 = tpu.memref_slice %arg7[%dma_start3A, %mul3A_18] : memref<16x10240xf32, #tpu.memory_space<vmem_shared>> -> memref<16x640xf32, #tpu.memory_space<vmem_shared>>
      %dma_start3A_34 = arith.constant 0 : i32
      %dma_start3A_35 = tpu.memref_slice %arg7[%dma_start3A_34, %mul3A_18] : memref<16x10240xf32, #tpu.memory_space<vmem_shared>> -> memref<16x640xf32, #tpu.memory_space<vmem_shared>>
      tpu.enqueue_dma source(%dma_start3A_35 : memref<16x640xf32, #tpu.memory_space<vmem_shared>>) target(%arg6 : memref<16x640xf32, #tpu.memory_space<vmem>>) target_semaphore(%run_scoped3A_32 : memref<!tpu.dma_semaphore, #tpu.memory_space<semaphore_mem>>)
      %dma_wait3A = arith.constant 0 : i32
      %dma_wait3A_36 = tpu.memref_slice %arg7[%dma_wait3A, %mul3A_18] : memref<16x10240xf32, #tpu.memory_space<vmem_shared>> -> memref<16x640xf32, #tpu.memory_space<vmem_shared>>
      %dma_wait3A_37 = arith.constant 0 : i32
      %dma_wait3A_38 = tpu.memref_slice %arg7[%dma_wait3A_37, %mul3A_18] : memref<16x10240xf32, #tpu.memory_space<vmem_shared>> -> memref<16x640xf32, #tpu.memory_space<vmem_shared>>
      tpu.wait_dma2 semaphore(%run_scoped3A_32 : memref<!tpu.dma_semaphore, #tpu.memory_space<semaphore_mem>>) src(%dma_wait3A_38 : memref<16x640xf32, #tpu.memory_space<vmem_shared>>) dst(%arg6 : memref<16x640xf32, #tpu.memory_space<vmem>>)
      tpu.yield
    }) : () -> ()
    %scan3A_19 = arith.constant 0 : i32
    %scan3A_20 = arith.constant 0 : i32
    %scan3A_21 = arith.constant 40 : i32
    %scan3A_22 = arith.addi %scan3A_20, %scan3A_21 : i32
    %scan3A_23 = arith.constant 1 : i32
    %scan3A_24 = scf.for %scan3A_32 = %scan3A_20 to %scan3A_22 step %scan3A_23 iter_args(%scan3A_33 = %scan3A_19) -> (i32)  : i32 {
      %mul3A_34 = arith.constant 16 : i32
      %mul3A_35 = arith.muli %scan3A_32, %mul3A_34 : i32
      %get3A = arith.constant 0 : i32
      %get3A_36 = arith.index_cast %get3A : i32 to index
      %get3A_37 = arith.index_cast %mul3A_35 : i32 to index
      %get3A_38 = tpu.vector_load %arg6[%get3A_36, %get3A_37] {strides = array<i32>} : memref<16x640xf32, #tpu.memory_space<vmem>>, vector<16xf32>,
      %mul3A_39 = arith.constant 16 : i32
      %mul3A_40 = arith.muli %scan3A_32, %mul3A_39 : i32
      %get3A_41 = arith.constant 1 : i32
      %get3A_42 = arith.index_cast %get3A_41 : i32 to index
      %get3A_43 = arith.index_cast %mul3A_40 : i32 to index
      %get3A_44 = tpu.vector_load %arg6[%get3A_42, %get3A_43] {strides = array<i32>} : memref<16x640xf32, #tpu.memory_space<vmem>>, vector<16xf32>,
      %add3A_45 = arith.addf %get3A_38, %get3A_44 : vector<16xf32>
      %mul3A_46 = arith.constant 16 : i32
      %mul3A_47 = arith.muli %scan3A_32, %mul3A_46 : i32
      %get3A_48 = arith.constant 2 : i32
      %get3A_49 = arith.index_cast %get3A_48 : i32 to index
      %get3A_50 = arith.index_cast %mul3A_47 : i32 to index
      %get3A_51 = tpu.vector_load %arg6[%get3A_49, %get3A_50] {strides = array<i32>} : memref<16x640xf32, #tpu.memory_space<vmem>>, vector<16xf32>,
      %add3A_52 = arith.addf %add3A_45, %get3A_51 : vector<16xf32>
      %mul3A_53 = arith.constant 16 : i32
      %mul3A_54 = arith.muli %scan3A_32, %mul3A_53 : i32
      %get3A_55 = arith.constant 3 : i32
      %get3A_56 = arith.index_cast %get3A_55 : i32 to index
      %get3A_57 = arith.index_cast %mul3A_54 : i32 to index
      %get3A_58 = tpu.vector_load %arg6[%get3A_56, %get3A_57] {strides = array<i32>} : memref<16x640xf32, #tpu.memory_space<vmem>>, vector<16xf32>,
      %add3A_59 = arith.addf %add3A_52, %get3A_58 : vector<16xf32>
      %mul3A_60 = arith.constant 16 : i32
      %mul3A_61 = arith.muli %scan3A_32, %mul3A_60 : i32
      %get3A_62 = arith.constant 4 : i32
      %get3A_63 = arith.index_cast %get3A_62 : i32 to index
      %get3A_64 = arith.index_cast %mul3A_61 : i32 to index
      %get3A_65 = tpu.vector_load %arg6[%get3A_63, %get3A_64] {strides = array<i32>} : memref<16x640xf32, #tpu.memory_space<vmem>>, vector<16xf32>,
      %add3A_66 = arith.addf %add3A_59, %get3A_65 : vector<16xf32>
      %mul3A_67 = arith.constant 16 : i32
      %mul3A_68 = arith.muli %scan3A_32, %mul3A_67 : i32
      %get3A_69 = arith.constant 5 : i32
      %get3A_70 = arith.index_cast %get3A_69 : i32 to index
      %get3A_71 = arith.index_cast %mul3A_68 : i32 to index
      %get3A_72 = tpu.vector_load %arg6[%get3A_70, %get3A_71] {strides = array<i32>} : memref<16x640xf32, #tpu.memory_space<vmem>>, vector<16xf32>,
      %add3A_73 = arith.addf %add3A_66, %get3A_72 : vector<16xf32>
      %mul3A_74 = arith.constant 16 : i32
      %mul3A_75 = arith.muli %scan3A_32, %mul3A_74 : i32
      %get3A_76 = arith.constant 6 : i32
      %get3A_77 = arith.index_cast %get3A_76 : i32 to index
      %get3A_78 = arith.index_cast %mul3A_75 : i32 to index
      %get3A_79 = tpu.vector_load %arg6[%get3A_77, %get3A_78] {strides = array<i32>} : memref<16x640xf32, #tpu.memory_space<vmem>>, vector<16xf32>,
      %add3A_80 = arith.addf %add3A_73, %get3A_79 : vector<16xf32>
      %mul3A_81 = arith.constant 16 : i32
      %mul3A_82 = arith.muli %scan3A_32, %mul3A_81 : i32
      %get3A_83 = arith.constant 7 : i32
      %get3A_84 = arith.index_cast %get3A_83 : i32 to index
      %get3A_85 = arith.index_cast %mul3A_82 : i32 to index
      %get3A_86 = tpu.vector_load %arg6[%get3A_84, %get3A_85] {strides = array<i32>} : memref<16x640xf32, #tpu.memory_space<vmem>>, vector<16xf32>,
      %add3A_87 = arith.addf %add3A_80, %get3A_86 : vector<16xf32>
      %mul3A_88 = arith.constant 16 : i32
      %mul3A_89 = arith.muli %scan3A_32, %mul3A_88 : i32
      %get3A_90 = arith.constant 8 : i32
      %get3A_91 = arith.index_cast %get3A_90 : i32 to index
      %get3A_92 = arith.index_cast %mul3A_89 : i32 to index
      %get3A_93 = tpu.vector_load %arg6[%get3A_91, %get3A_92] {strides = array<i32>} : memref<16x640xf32, #tpu.memory_space<vmem>>, vector<16xf32>,
      %add3A_94 = arith.addf %add3A_87, %get3A_93 : vector<16xf32>
      %mul3A_95 = arith.constant 16 : i32
      %mul3A_96 = arith.muli %scan3A_32, %mul3A_95 : i32
      %get3A_97 = arith.constant 9 : i32
      %get3A_98 = arith.index_cast %get3A_97 : i32 to index
      %get3A_99 = arith.index_cast %mul3A_96 : i32 to index
      %get3A_100 = tpu.vector_load %arg6[%get3A_98, %get3A_99] {strides = array<i32>} : memref<16x640xf32, #tpu.memory_space<vmem>>, vector<16xf32>,
      %add3A_101 = arith.addf %add3A_94, %get3A_100 : vector<16xf32>
      %mul3A_102 = arith.constant 16 : i32
      %mul3A_103 = arith.muli %scan3A_32, %mul3A_102 : i32
      %get3A_104 = arith.constant 10 : i32
      %get3A_105 = arith.index_cast %get3A_104 : i32 to index
      %get3A_106 = arith.index_cast %mul3A_103 : i32 to index
      %get3A_107 = tpu.vector_load %arg6[%get3A_105, %get3A_106] {strides = array<i32>} : memref<16x640xf32, #tpu.memory_space<vmem>>, vector<16xf32>,
      %add3A_108 = arith.addf %add3A_101, %get3A_107 : vector<16xf32>
      %mul3A_109 = arith.constant 16 : i32
      %mul3A_110 = arith.muli %scan3A_32, %mul3A_109 : i32
      %get3A_111 = arith.constant 11 : i32
      %get3A_112 = arith.index_cast %get3A_111 : i32 to index
      %get3A_113 = arith.index_cast %mul3A_110 : i32 to index
      %get3A_114 = tpu.vector_load %arg6[%get3A_112, %get3A_113] {strides = array<i32>} : memref<16x640xf32, #tpu.memory_space<vmem>>, vector<16xf32>,
      %add3A_115 = arith.addf %add3A_108, %get3A_114 : vector<16xf32>
      %mul3A_116 = arith.constant 16 : i32
      %mul3A_117 = arith.muli %scan3A_32, %mul3A_116 : i32
      %get3A_118 = arith.constant 12 : i32
      %get3A_119 = arith.index_cast %get3A_118 : i32 to index
      %get3A_120 = arith.index_cast %mul3A_117 : i32 to index
      %get3A_121 = tpu.vector_load %arg6[%get3A_119, %get3A_120] {strides = array<i32>} : memref<16x640xf32, #tpu.memory_space<vmem>>, vector<16xf32>,
      %add3A_122 = arith.addf %add3A_115, %get3A_121 : vector<16xf32>
      %mul3A_123 = arith.constant 16 : i32
      %mul3A_124 = arith.muli %scan3A_32, %mul3A_123 : i32
      %get3A_125 = arith.constant 13 : i32
      %get3A_126 = arith.index_cast %get3A_125 : i32 to index
      %get3A_127 = arith.index_cast %mul3A_124 : i32 to index
      %get3A_128 = tpu.vector_load %arg6[%get3A_126, %get3A_127] {strides = array<i32>} : memref<16x640xf32, #tpu.memory_space<vmem>>, vector<16xf32>,
      %add3A_129 = arith.addf %add3A_122, %get3A_128 : vector<16xf32>
      %mul3A_130 = arith.constant 16 : i32
      %mul3A_131 = arith.muli %scan3A_32, %mul3A_130 : i32
      %get3A_132 = arith.constant 14 : i32
      %get3A_133 = arith.index_cast %get3A_132 : i32 to index
      %get3A_134 = arith.index_cast %mul3A_131 : i32 to index
      %get3A_135 = tpu.vector_load %arg6[%get3A_133, %get3A_134] {strides = array<i32>} : memref<16x640xf32, #tpu.memory_space<vmem>>, vector<16xf32>,
      %add3A_136 = arith.addf %add3A_129, %get3A_135 : vector<16xf32>
      %mul3A_137 = arith.constant 16 : i32
      %mul3A_138 = arith.muli %scan3A_32, %mul3A_137 : i32
      %get3A_139 = arith.constant 15 : i32
      %get3A_140 = arith.index_cast %get3A_139 : i32 to index
      %get3A_141 = arith.index_cast %mul3A_138 : i32 to index
      %get3A_142 = tpu.vector_load %arg6[%get3A_140, %get3A_141] {strides = array<i32>} : memref<16x640xf32, #tpu.memory_space<vmem>>, vector<16xf32>,
      %add3A_143 = arith.addf %add3A_136, %get3A_142 : vector<16xf32>
      %mul3A_144 = arith.constant 16 : i32
      %mul3A_145 = arith.muli %scan3A_32, %mul3A_144 : i32
      %swap3A = arith.constant 0 : i32
      %swap3A_146 = arith.index_cast %swap3A : i32 to index
      %swap3A_147 = arith.index_cast %mul3A_145 : i32 to index
      %swap3A_148 = tpu.vector_load %arg6[%swap3A_146, %swap3A_147] {strides = array<i32>} : memref<16x640xf32, #tpu.memory_space<vmem>>, vector<16xf32>,
      tpu.vector_store %arg6[%swap3A_146, %swap3A_147], %add3A_143 {strides = array<i32>} : memref<16x640xf32, #tpu.memory_space<vmem>>, vector<16xf32>,
      %scan3A_149 = arith.constant 0 : i32
      scf.yield %scan3A_149 : i32
    }
    %scan3A_25 = arith.constant 40 : i32
    %mul3A_26 = arith.constant 10240 : i32
    %mul3A_27 = arith.muli %arg0, %mul3A_26 : i32
    %mul3A_28 = arith.constant 640 : i32
    %mul3A_29 = arith.muli %arg1, %mul3A_28 : i32
    %add3A_30 = arith.addi %mul3A_27, %mul3A_29 : i32
    %run_scoped3A_31 = arith.constant 0 : i32
    "tpu.region"() ({
      %run_scoped3A_32 = tpu.sem_alloc : memref<!tpu.dma_semaphore, #tpu.memory_space<semaphore_mem>>
      %dma_start3A = arith.constant 0 : i32
      %dma_start3A_33 = tpu.memref_slice %arg6[%run_scoped3A_31, %dma_start3A] : memref<16x640xf32, #tpu.memory_space<vmem>> -> memref<1x640xf32, #tpu.memory_space<vmem>>
      %dma_start3A_34 = tpu.memref_squeeze %dma_start3A_33 : memref<1x640xf32, #tpu.memory_space<vmem>> -> memref<640xf32, #tpu.memory_space<vmem>>
      %dma_start3A_35 = tpu.memref_slice %arg3[%add3A_30] : memref<20480xf32, #tpu.memory_space<hbm>> -> memref<640xf32, #tpu.memory_space<hbm>>
      %dma_start3A_36 = tpu.memref_slice %arg3[%add3A_30] : memref<20480xf32, #tpu.memory_space<hbm>> -> memref<640xf32, #tpu.memory_space<hbm>>
      %dma_start3A_37 = arith.constant 0 : i32
      %dma_start3A_38 = tpu.memref_slice %arg6[%run_scoped3A_31, %dma_start3A_37] : memref<16x640xf32, #tpu.memory_space<vmem>> -> memref<1x640xf32, #tpu.memory_space<vmem>>
      %dma_start3A_39 = tpu.memref_squeeze %dma_start3A_38 : memref<1x640xf32, #tpu.memory_space<vmem>> -> memref<640xf32, #tpu.memory_space<vmem>>
      tpu.enqueue_dma source(%dma_start3A_39 : memref<640xf32, #tpu.memory_space<vmem>>) target(%dma_start3A_36 : memref<640xf32, #tpu.memory_space<hbm>>) target_semaphore(%run_scoped3A_32 : memref<!tpu.dma_semaphore, #tpu.memory_space<semaphore_mem>>)
      %dma_wait3A = arith.constant 0 : i32
      %dma_wait3A_40 = tpu.memref_slice %arg6[%run_scoped3A_31, %dma_wait3A] : memref<16x640xf32, #tpu.memory_space<vmem>> -> memref<1x640xf32, #tpu.memory_space<vmem>>
      %dma_wait3A_41 = tpu.memref_squeeze %dma_wait3A_40 : memref<1x640xf32, #tpu.memory_space<vmem>> -> memref<640xf32, #tpu.memory_space<vmem>>
      %dma_wait3A_42 = tpu.memref_slice %arg3[%add3A_30] : memref<20480xf32, #tpu.memory_space<hbm>> -> memref<640xf32, #tpu.memory_space<hbm>>
      %dma_wait3A_43 = tpu.memref_slice %arg3[%add3A_30] : memref<20480xf32, #tpu.memory_space<hbm>> -> memref<640xf32, #tpu.memory_space<hbm>>
      %dma_wait3A_44 = arith.constant 0 : i32
      %dma_wait3A_45 = tpu.memref_slice %arg6[%run_scoped3A_31, %dma_wait3A_44] : memref<16x640xf32, #tpu.memory_space<vmem>> -> memref<1x640xf32, #tpu.memory_space<vmem>>
      %dma_wait3A_46 = tpu.memref_squeeze %dma_wait3A_45 : memref<1x640xf32, #tpu.memory_space<vmem>> -> memref<640xf32, #tpu.memory_space<vmem>>
      tpu.wait_dma2 semaphore(%run_scoped3A_32 : memref<!tpu.dma_semaphore, #tpu.memory_space<semaphore_mem>>) src(%dma_wait3A_46 : memref<640xf32, #tpu.memory_space<vmem>>) dst(%dma_wait3A_43 : memref<640xf32, #tpu.memory_space<hbm>>)
      tpu.yield
    }) : () -> ()
    return
  }
}

#map = affine_map<(d0, d1) -> (0, 0, 0)>
#map1 = affine_map<(d0, d1) -> (0)>
#map2 = affine_map<(d0, d1) -> (0, 0)>
module attributes {stable_mosaic.version = 14 : i64} {
  func.func @_msg_kernel(%arg0: i32, %arg1: i32, %arg2: memref<2x10000x128xf32, #tpu.memory_space<hbm>>, %arg3: memref<163840xi32, #tpu.memory_space<hbm>>, %arg4: memref<2048x80xi32, #tpu.memory_space<hbm>>, %arg5: memref<2x10000x128xf32, #tpu.memory_space<hbm>>, %arg6: memref<10240xi32, #tpu.memory_space<vmem>>, %arg7: memref<128x80xi32, #tpu.memory_space<vmem>>, %arg8: memref<10016x128xf32, #tpu.memory_space<vmem_shared>>, %arg9: memref<!tpu.dma_semaphore, #tpu.memory_space<semaphore_mem>>, %arg10: memref<!tpu.dma_semaphore, #tpu.memory_space<semaphore_mem>>) attributes {dimension_semantics = [#tpu.dimension_semantics<core_parallel>, #tpu.dimension_semantics<subcore_parallel>], iteration_bounds = array<i64: 2, 16>, scalar_prefetch = 0 : i64, scratch_operands = 5 : i64, tpu.core_type = #tpu.core_type<sc_vector_subcore>, window_params = [{transform_indices = #map}, {transform_indices = #map1}, {transform_indices = #map2}, {transform_indices = #map}]} {
    %mul3A = arith.constant 10240 : i32
    %mul3A_0 = arith.muli %arg1, %mul3A : i32
    "tpu.region"() ({
      %run_scoped3A = tpu.sem_alloc : memref<!tpu.dma_semaphore, #tpu.memory_space<semaphore_mem>>
      %dma_start3A = tpu.memref_slice %arg3[%mul3A_0] : memref<163840xi32, #tpu.memory_space<hbm>> -> memref<10240xi32, #tpu.memory_space<hbm>>
      %dma_start3A_3 = tpu.memref_slice %arg3[%mul3A_0] : memref<163840xi32, #tpu.memory_space<hbm>> -> memref<10240xi32, #tpu.memory_space<hbm>>
      tpu.enqueue_dma source(%dma_start3A_3 : memref<10240xi32, #tpu.memory_space<hbm>>) target(%arg6 : memref<10240xi32, #tpu.memory_space<vmem>>) target_semaphore(%run_scoped3A : memref<!tpu.dma_semaphore, #tpu.memory_space<semaphore_mem>>)
      %dma_wait3A = tpu.memref_slice %arg3[%mul3A_0] : memref<163840xi32, #tpu.memory_space<hbm>> -> memref<10240xi32, #tpu.memory_space<hbm>>
      %dma_wait3A_4 = tpu.memref_slice %arg3[%mul3A_0] : memref<163840xi32, #tpu.memory_space<hbm>> -> memref<10240xi32, #tpu.memory_space<hbm>>
      tpu.wait_dma2 semaphore(%run_scoped3A : memref<!tpu.dma_semaphore, #tpu.memory_space<semaphore_mem>>) src(%dma_wait3A_4 : memref<10240xi32, #tpu.memory_space<hbm>>) dst(%arg6 : memref<10240xi32, #tpu.memory_space<vmem>>)
      tpu.yield
    }) : () -> ()
    %mul3A_1 = arith.constant 128 : i32
    %mul3A_2 = arith.muli %arg1, %mul3A_1 : i32
    "tpu.region"() ({
      %run_scoped3A = tpu.sem_alloc : memref<!tpu.dma_semaphore, #tpu.memory_space<semaphore_mem>>
      %dma_start3A = arith.constant 0 : i32
      %dma_start3A_3 = tpu.memref_slice %arg4[%mul3A_2, %dma_start3A] : memref<2048x80xi32, #tpu.memory_space<hbm>> -> memref<128x80xi32, #tpu.memory_space<hbm>>
      %dma_start3A_4 = arith.constant 0 : i32
      %dma_start3A_5 = tpu.memref_slice %arg4[%mul3A_2, %dma_start3A_4] : memref<2048x80xi32, #tpu.memory_space<hbm>> -> memref<128x80xi32, #tpu.memory_space<hbm>>
      tpu.enqueue_dma source(%dma_start3A_5 : memref<128x80xi32, #tpu.memory_space<hbm>>) target(%arg7 : memref<128x80xi32, #tpu.memory_space<vmem>>) target_semaphore(%run_scoped3A : memref<!tpu.dma_semaphore, #tpu.memory_space<semaphore_mem>>)
      %dma_wait3A = arith.constant 0 : i32
      %dma_wait3A_6 = tpu.memref_slice %arg4[%mul3A_2, %dma_wait3A] : memref<2048x80xi32, #tpu.memory_space<hbm>> -> memref<128x80xi32, #tpu.memory_space<hbm>>
      %dma_wait3A_7 = arith.constant 0 : i32
      %dma_wait3A_8 = tpu.memref_slice %arg4[%mul3A_2, %dma_wait3A_7] : memref<2048x80xi32, #tpu.memory_space<hbm>> -> memref<128x80xi32, #tpu.memory_space<hbm>>
      tpu.wait_dma2 semaphore(%run_scoped3A : memref<!tpu.dma_semaphore, #tpu.memory_space<semaphore_mem>>) src(%dma_wait3A_8 : memref<128x80xi32, #tpu.memory_space<hbm>>) dst(%arg7 : memref<128x80xi32, #tpu.memory_space<vmem>>)
      tpu.yield
    }) : () -> ()
    "tpu.region"() ({
      %run_scoped3A = memref.alloca() : memref<80x128xf32, #tpu.memory_space<vmem>>
      %run_scoped3A_3 = memref.alloca() : memref<80x128xf32, #tpu.memory_space<vmem>>
      %eq3A = arith.constant 0 : i32
      %eq3A_4 = arith.cmpi eq, %arg0, %eq3A : i32
      %convert_element_type3A = arith.extui %eq3A_4 : i1 to i32
      %cond3A = arith.constant 0 : i32
      %cond3A_5 = arith.cmpi ne, %convert_element_type3A, %cond3A : i32
      scf.if %cond3A_5 {
        %mul3A_11 = arith.constant 624 : i32
        %mul3A_12 = arith.muli %arg1, %mul3A_11 : i32
        %mul3A_13 = arith.constant 624 : i32
        %mul3A_14 = arith.muli %arg1, %mul3A_13 : i32
        %run_scoped3A_15 = arith.constant 0 : i32
        "tpu.region"() ({
          %run_scoped3A_50 = tpu.sem_alloc : memref<!tpu.dma_semaphore, #tpu.memory_space<semaphore_mem>>
          %dma_start3A_51 = arith.constant 0 : i32
          %dma_start3A_52 = tpu.memref_slice %arg8[%mul3A_14, %dma_start3A_51] : memref<10016x128xf32, #tpu.memory_space<vmem_shared>> -> memref<624x128xf32, #tpu.memory_space<vmem_shared>>
          %dma_start3A_53 = arith.constant 0 : i32
          %dma_start3A_54 = arith.constant 0 : i32
          %dma_start3A_55 = tpu.memref_slice %arg2[%run_scoped3A_15, %dma_start3A_53, %dma_start3A_54] : memref<2x10000x128xf32, #tpu.memory_space<hbm>> -> memref<1x10000x128xf32, #tpu.memory_space<hbm>>
          %dma_start3A_56 = tpu.memref_squeeze %dma_start3A_55 : memref<1x10000x128xf32, #tpu.memory_space<hbm>> -> memref<10000x128xf32, #tpu.memory_space<hbm>>
          %dma_start3A_57 = arith.constant 0 : i32
          %dma_start3A_58 = tpu.memref_slice %dma_start3A_56[%mul3A_12, %dma_start3A_57] : memref<10000x128xf32, #tpu.memory_space<hbm>> -> memref<624x128xf32, #tpu.memory_space<hbm>>
          tpu.enqueue_dma source(%dma_start3A_58 : memref<624x128xf32, #tpu.memory_space<hbm>>) target(%dma_start3A_52 : memref<624x128xf32, #tpu.memory_space<vmem_shared>>) target_semaphore(%run_scoped3A_50 : memref<!tpu.dma_semaphore, #tpu.memory_space<semaphore_mem>>)
          %dma_wait3A = arith.constant 0 : i32
          %dma_wait3A_59 = tpu.memref_slice %arg8[%mul3A_14, %dma_wait3A] : memref<10016x128xf32, #tpu.memory_space<vmem_shared>> -> memref<624x128xf32, #tpu.memory_space<vmem_shared>>
          %dma_wait3A_60 = arith.constant 0 : i32
          %dma_wait3A_61 = arith.constant 0 : i32
          %dma_wait3A_62 = tpu.memref_slice %arg2[%run_scoped3A_15, %dma_wait3A_60, %dma_wait3A_61] : memref<2x10000x128xf32, #tpu.memory_space<hbm>> -> memref<1x10000x128xf32, #tpu.memory_space<hbm>>
          %dma_wait3A_63 = tpu.memref_squeeze %dma_wait3A_62 : memref<1x10000x128xf32, #tpu.memory_space<hbm>> -> memref<10000x128xf32, #tpu.memory_space<hbm>>
          %dma_wait3A_64 = arith.constant 0 : i32
          %dma_wait3A_65 = tpu.memref_slice %dma_wait3A_63[%mul3A_12, %dma_wait3A_64] : memref<10000x128xf32, #tpu.memory_space<hbm>> -> memref<624x128xf32, #tpu.memory_space<hbm>>
          tpu.wait_dma2 semaphore(%run_scoped3A_50 : memref<!tpu.dma_semaphore, #tpu.memory_space<semaphore_mem>>) src(%dma_wait3A_65 : memref<624x128xf32, #tpu.memory_space<hbm>>) dst(%dma_wait3A_59 : memref<624x128xf32, #tpu.memory_space<vmem_shared>>)
          tpu.yield
        }) : () -> ()
        %eq3A_16 = arith.constant 15 : i32
        %eq3A_17 = arith.cmpi eq, %arg1, %eq3A_16 : i32
        %convert_element_type3A_18 = arith.extui %eq3A_17 : i1 to i32
        %cond3A_19 = arith.constant 0 : i32
        %cond3A_20 = arith.constant 0 : i32
        %cond3A_21 = arith.cmpi ne, %convert_element_type3A_18, %cond3A_20 : i32
        scf.if %cond3A_21 {
          "tpu.region"() ({
            %run_scoped3A_50 = tpu.sem_alloc : memref<!tpu.dma_semaphore, #tpu.memory_space<semaphore_mem>>
            %dma_start3A_51 = arith.constant 9984 : i32
            %dma_start3A_52 = arith.constant 0 : i32
            %dma_start3A_53 = tpu.memref_slice %arg8[%dma_start3A_51, %dma_start3A_52] : memref<10016x128xf32, #tpu.memory_space<vmem_shared>> -> memref<16x128xf32, #tpu.memory_space<vmem_shared>>
            %dma_start3A_54 = arith.constant 0 : i32
            %dma_start3A_55 = arith.constant 0 : i32
            %dma_start3A_56 = tpu.memref_slice %arg2[%cond3A_19, %dma_start3A_54, %dma_start3A_55] : memref<2x10000x128xf32, #tpu.memory_space<hbm>> -> memref<1x10000x128xf32, #tpu.memory_space<hbm>>
            %dma_start3A_57 = tpu.memref_squeeze %dma_start3A_56 : memref<1x10000x128xf32, #tpu.memory_space<hbm>> -> memref<10000x128xf32, #tpu.memory_space<hbm>>
            %dma_start3A_58 = arith.constant 9984 : i32
            %dma_start3A_59 = arith.constant 0 : i32
            %dma_start3A_60 = tpu.memref_slice %dma_start3A_57[%dma_start3A_58, %dma_start3A_59] : memref<10000x128xf32, #tpu.memory_space<hbm>> -> memref<16x128xf32, #tpu.memory_space<hbm>>
            tpu.enqueue_dma source(%dma_start3A_60 : memref<16x128xf32, #tpu.memory_space<hbm>>) target(%dma_start3A_53 : memref<16x128xf32, #tpu.memory_space<vmem_shared>>) target_semaphore(%run_scoped3A_50 : memref<!tpu.dma_semaphore, #tpu.memory_space<semaphore_mem>>)
            %dma_wait3A = arith.constant 9984 : i32
            %dma_wait3A_61 = arith.constant 0 : i32
            %dma_wait3A_62 = tpu.memref_slice %arg8[%dma_wait3A, %dma_wait3A_61] : memref<10016x128xf32, #tpu.memory_space<vmem_shared>> -> memref<16x128xf32, #tpu.memory_space<vmem_shared>>
            %dma_wait3A_63 = arith.constant 0 : i32
            %dma_wait3A_64 = arith.constant 0 : i32
            %dma_wait3A_65 = tpu.memref_slice %arg2[%cond3A_19, %dma_wait3A_63, %dma_wait3A_64] : memref<2x10000x128xf32, #tpu.memory_space<hbm>> -> memref<1x10000x128xf32, #tpu.memory_space<hbm>>
            %dma_wait3A_66 = tpu.memref_squeeze %dma_wait3A_65 : memref<1x10000x128xf32, #tpu.memory_space<hbm>> -> memref<10000x128xf32, #tpu.memory_space<hbm>>
            %dma_wait3A_67 = arith.constant 9984 : i32
            %dma_wait3A_68 = arith.constant 0 : i32
            %dma_wait3A_69 = tpu.memref_slice %dma_wait3A_66[%dma_wait3A_67, %dma_wait3A_68] : memref<10000x128xf32, #tpu.memory_space<hbm>> -> memref<16x128xf32, #tpu.memory_space<hbm>>
            tpu.wait_dma2 semaphore(%run_scoped3A_50 : memref<!tpu.dma_semaphore, #tpu.memory_space<semaphore_mem>>) src(%dma_wait3A_69 : memref<16x128xf32, #tpu.memory_space<hbm>>) dst(%dma_wait3A_62 : memref<16x128xf32, #tpu.memory_space<vmem_shared>>)
            tpu.yield
          }) : () -> ()
        } else {
        }
        %barrier3A = arith.constant 0 : index
        tpu.barrier barrier_id(%barrier3A)
        %dma_start3A = arith.constant 0 : i32
        %dma_start3A_22 = arith.constant 0 : i32
        %dma_start3A_23 = tpu.memref_slice %arg6[%dma_start3A_22] : memref<10240xi32, #tpu.memory_space<vmem>> -> memref<80xi32, #tpu.memory_space<vmem>>
        %dma_start3A_24 = arith.constant 0 : i32
        %dma_start3A_25 = arith.constant 0 : i32
        %dma_start3A_26 = tpu.memref_slice %arg2[%dma_start3A, %dma_start3A_24, %dma_start3A_25] : memref<2x10000x128xf32, #tpu.memory_space<hbm>> -> memref<1x10000x128xf32, #tpu.memory_space<hbm>>
        %dma_start3A_27 = tpu.memref_squeeze %dma_start3A_26 : memref<1x10000x128xf32, #tpu.memory_space<hbm>> -> memref<10000x128xf32, #tpu.memory_space<hbm>>
        %dma_start3A_28 = arith.constant 0 : i32
        %dma_start3A_29 = arith.constant 0 : i32
        %dma_start3A_30 = tpu.memref_slice %dma_start3A_27[%dma_start3A_28, %dma_start3A_29] : memref<10000x128xf32, #tpu.memory_space<hbm>> -> memref<10000x128xf32, #tpu.memory_space<hbm>>
        tpu.enqueue_indirect_dma source(%dma_start3A_30 : memref<10000x128xf32, #tpu.memory_space<hbm>>) target(%run_scoped3A : memref<80x128xf32, #tpu.memory_space<vmem>>) offsets(%dma_start3A_23 : memref<80xi32, #tpu.memory_space<vmem>>) semaphore(%arg9 : memref<!tpu.dma_semaphore, #tpu.memory_space<semaphore_mem>>)
        %scan3A = arith.constant 0 : i32
        %scan3A_31 = arith.constant 0 : i32
        %scan3A_32 = arith.constant 0 : i32
        %scan3A_33 = arith.constant 64 : i32
        %scan3A_34 = arith.addi %scan3A_32, %scan3A_33 : i32
        %scan3A_35 = arith.constant 1 : i32
        %scan3A_36 = scf.for %scan3A_50 = %scan3A_32 to %scan3A_34 step %scan3A_35 iter_args(%scan3A_51 = %scan3A_31) -> (i32)  : i32 {
          %mul3A_52 = arith.constant 2 : i32
          %mul3A_53 = arith.muli %mul3A_52, %scan3A_50 : i32
          %add3A = arith.constant 1 : i32
          %add3A_54 = arith.addi %mul3A_53, %add3A : i32
          %mul3A_55 = arith.constant 80 : i32
          %mul3A_56 = arith.muli %add3A_54, %mul3A_55 : i32
          %dma_start3A_57 = tpu.memref_slice %arg6[%mul3A_56] : memref<10240xi32, #tpu.memory_space<vmem>> -> memref<80xi32, #tpu.memory_space<vmem>>
          %dma_start3A_58 = arith.constant 0 : i32
          %dma_start3A_59 = arith.constant 0 : i32
          %dma_start3A_60 = tpu.memref_slice %arg2[%scan3A, %dma_start3A_58, %dma_start3A_59] : memref<2x10000x128xf32, #tpu.memory_space<hbm>> -> memref<1x10000x128xf32, #tpu.memory_space<hbm>>
          %dma_start3A_61 = tpu.memref_squeeze %dma_start3A_60 : memref<1x10000x128xf32, #tpu.memory_space<hbm>> -> memref<10000x128xf32, #tpu.memory_space<hbm>>
          %dma_start3A_62 = arith.constant 0 : i32
          %dma_start3A_63 = arith.constant 0 : i32
          %dma_start3A_64 = tpu.memref_slice %dma_start3A_61[%dma_start3A_62, %dma_start3A_63] : memref<10000x128xf32, #tpu.memory_space<hbm>> -> memref<10000x128xf32, #tpu.memory_space<hbm>>
          tpu.enqueue_indirect_dma source(%dma_start3A_64 : memref<10000x128xf32, #tpu.memory_space<hbm>>) target(%run_scoped3A_3 : memref<80x128xf32, #tpu.memory_space<vmem>>) offsets(%dma_start3A_57 : memref<80xi32, #tpu.memory_space<vmem>>) semaphore(%arg10 : memref<!tpu.dma_semaphore, #tpu.memory_space<semaphore_mem>>)
          %mul3A_65 = arith.constant 80 : i32
          %mul3A_66 = arith.muli %mul3A_53, %mul3A_65 : i32
          %dma_wait3A = tpu.memref_slice %arg6[%mul3A_66] : memref<10240xi32, #tpu.memory_space<vmem>> -> memref<80xi32, #tpu.memory_space<vmem>>
          %dma_wait3A_67 = arith.constant 0 : i32
          %dma_wait3A_68 = arith.constant 0 : i32
          %dma_wait3A_69 = tpu.memref_slice %arg2[%scan3A, %dma_wait3A_67, %dma_wait3A_68] : memref<2x10000x128xf32, #tpu.memory_space<hbm>> -> memref<1x10000x128xf32, #tpu.memory_space<hbm>>
          %dma_wait3A_70 = tpu.memref_squeeze %dma_wait3A_69 : memref<1x10000x128xf32, #tpu.memory_space<hbm>> -> memref<10000x128xf32, #tpu.memory_space<hbm>>
          %dma_wait3A_71 = arith.constant 0 : i32
          %dma_wait3A_72 = arith.constant 0 : i32
          %dma_wait3A_73 = tpu.memref_slice %dma_wait3A_70[%dma_wait3A_71, %dma_wait3A_72] : memref<10000x128xf32, #tpu.memory_space<hbm>> -> memref<10000x128xf32, #tpu.memory_space<hbm>>
          tpu.wait_indirect_dma semaphore(%arg9 : memref<!tpu.dma_semaphore, #tpu.memory_space<semaphore_mem>>) src(%dma_wait3A_73 : memref<10000x128xf32, #tpu.memory_space<hbm>>) dst(%run_scoped3A : memref<80x128xf32, #tpu.memory_space<vmem>>)
          "tpu.region"() ({
            %run_scoped3A_93 = tpu.sem_alloc : memref<!tpu.dma_semaphore, #tpu.memory_space<semaphore_mem>>
            %dma_start3A_94 = arith.constant 0 : i32
            %dma_start3A_95 = tpu.memref_slice %arg7[%mul3A_53, %dma_start3A_94] : memref<128x80xi32, #tpu.memory_space<vmem>> -> memref<1x80xi32, #tpu.memory_space<vmem>>
            %dma_start3A_96 = tpu.memref_squeeze %dma_start3A_95 : memref<1x80xi32, #tpu.memory_space<vmem>> -> memref<80xi32, #tpu.memory_space<vmem>>
            %dma_start3A_97 = arith.constant 0 : i32
            %dma_start3A_98 = arith.constant 0 : i32
            %dma_start3A_99 = tpu.memref_slice %arg8[%dma_start3A_97, %dma_start3A_98] : memref<10016x128xf32, #tpu.memory_space<vmem_shared>> -> memref<10016x128xf32, #tpu.memory_space<vmem_shared>>
            tpu.enqueue_indirect_dma source(%run_scoped3A : memref<80x128xf32, #tpu.memory_space<vmem>>) target(%dma_start3A_99 : memref<10016x128xf32, #tpu.memory_space<vmem_shared>>) offsets(%dma_start3A_96 : memref<80xi32, #tpu.memory_space<vmem>>) semaphore(%run_scoped3A_93 : memref<!tpu.dma_semaphore, #tpu.memory_space<semaphore_mem>>) {add = true}
            %dma_wait3A_100 = arith.constant 0 : i32
            %dma_wait3A_101 = tpu.memref_slice %arg7[%mul3A_53, %dma_wait3A_100] : memref<128x80xi32, #tpu.memory_space<vmem>> -> memref<1x80xi32, #tpu.memory_space<vmem>>
            %dma_wait3A_102 = tpu.memref_squeeze %dma_wait3A_101 : memref<1x80xi32, #tpu.memory_space<vmem>> -> memref<80xi32, #tpu.memory_space<vmem>>
            %dma_wait3A_103 = arith.constant 0 : i32
            %dma_wait3A_104 = arith.constant 0 : i32
            %dma_wait3A_105 = tpu.memref_slice %arg8[%dma_wait3A_103, %dma_wait3A_104] : memref<10016x128xf32, #tpu.memory_space<vmem_shared>> -> memref<10016x128xf32, #tpu.memory_space<vmem_shared>>
            tpu.wait_indirect_dma semaphore(%run_scoped3A_93 : memref<!tpu.dma_semaphore, #tpu.memory_space<semaphore_mem>>) src(%run_scoped3A : memref<80x128xf32, #tpu.memory_space<vmem>>) dst(%dma_wait3A_105 : memref<10016x128xf32, #tpu.memory_space<vmem_shared>>)
            tpu.yield
          }) : () -> ()
          %lt3A = arith.constant 63 : i32
          %lt3A_74 = arith.cmpi slt, %scan3A_50, %lt3A : i32
          %convert_element_type3A_75 = arith.extui %lt3A_74 : i1 to i32
          %cond3A_76 = arith.constant 0 : i32
          %cond3A_77 = arith.cmpi ne, %convert_element_type3A_75, %cond3A_76 : i32
          scf.if %cond3A_77 {
            %add3A_93 = arith.constant 2 : i32
            %add3A_94 = arith.addi %mul3A_53, %add3A_93 : i32
            %mul3A_95 = arith.constant 80 : i32
            %mul3A_96 = arith.muli %add3A_94, %mul3A_95 : i32
            %dma_start3A_97 = tpu.memref_slice %arg6[%mul3A_96] : memref<10240xi32, #tpu.memory_space<vmem>> -> memref<80xi32, #tpu.memory_space<vmem>>
            %dma_start3A_98 = arith.constant 0 : i32
            %dma_start3A_99 = arith.constant 0 : i32
            %dma_start3A_100 = tpu.memref_slice %arg2[%scan3A, %dma_start3A_98, %dma_start3A_99] : memref<2x10000x128xf32, #tpu.memory_space<hbm>> -> memref<1x10000x128xf32, #tpu.memory_space<hbm>>
            %dma_start3A_101 = tpu.memref_squeeze %dma_start3A_100 : memref<1x10000x128xf32, #tpu.memory_space<hbm>> -> memref<10000x128xf32, #tpu.memory_space<hbm>>
            %dma_start3A_102 = arith.constant 0 : i32
            %dma_start3A_103 = arith.constant 0 : i32
            %dma_start3A_104 = tpu.memref_slice %dma_start3A_101[%dma_start3A_102, %dma_start3A_103] : memref<10000x128xf32, #tpu.memory_space<hbm>> -> memref<10000x128xf32, #tpu.memory_space<hbm>>
            tpu.enqueue_indirect_dma source(%dma_start3A_104 : memref<10000x128xf32, #tpu.memory_space<hbm>>) target(%run_scoped3A : memref<80x128xf32, #tpu.memory_space<vmem>>) offsets(%dma_start3A_97 : memref<80xi32, #tpu.memory_space<vmem>>) semaphore(%arg9 : memref<!tpu.dma_semaphore, #tpu.memory_space<semaphore_mem>>)
          } else {
          }
          %add3A_78 = arith.constant 1 : i32
          %add3A_79 = arith.addi %mul3A_53, %add3A_78 : i32
          %mul3A_80 = arith.constant 80 : i32
          %mul3A_81 = arith.muli %add3A_79, %mul3A_80 : i32
          %dma_wait3A_82 = tpu.memref_slice %arg6[%mul3A_81] : memref<10240xi32, #tpu.memory_space<vmem>> -> memref<80xi32, #tpu.memory_space<vmem>>
          %dma_wait3A_83 = arith.constant 0 : i32
          %dma_wait3A_84 = arith.constant 0 : i32
          %dma_wait3A_85 = tpu.memref_slice %arg2[%scan3A, %dma_wait3A_83, %dma_wait3A_84] : memref<2x10000x128xf32, #tpu.memory_space<hbm>> -> memref<1x10000x128xf32, #tpu.memory_space<hbm>>
          %dma_wait3A_86 = tpu.memref_squeeze %dma_wait3A_85 : memref<1x10000x128xf32, #tpu.memory_space<hbm>> -> memref<10000x128xf32, #tpu.memory_space<hbm>>
          %dma_wait3A_87 = arith.constant 0 : i32
          %dma_wait3A_88 = arith.constant 0 : i32
          %dma_wait3A_89 = tpu.memref_slice %dma_wait3A_86[%dma_wait3A_87, %dma_wait3A_88] : memref<10000x128xf32, #tpu.memory_space<hbm>> -> memref<10000x128xf32, #tpu.memory_space<hbm>>
          tpu.wait_indirect_dma semaphore(%arg10 : memref<!tpu.dma_semaphore, #tpu.memory_space<semaphore_mem>>) src(%dma_wait3A_89 : memref<10000x128xf32, #tpu.memory_space<hbm>>) dst(%run_scoped3A_3 : memref<80x128xf32, #tpu.memory_space<vmem>>)
          %add3A_90 = arith.constant 1 : i32
          %add3A_91 = arith.addi %mul3A_53, %add3A_90 : i32
          "tpu.region"() ({
            %run_scoped3A_93 = tpu.sem_alloc : memref<!tpu.dma_semaphore, #tpu.memory_space<semaphore_mem>>
            %dma_start3A_94 = arith.constant 0 : i32
            %dma_start3A_95 = tpu.memref_slice %arg7[%add3A_91, %dma_start3A_94] : memref<128x80xi32, #tpu.memory_space<vmem>> -> memref<1x80xi32, #tpu.memory_space<vmem>>
            %dma_start3A_96 = tpu.memref_squeeze %dma_start3A_95 : memref<1x80xi32, #tpu.memory_space<vmem>> -> memref<80xi32, #tpu.memory_space<vmem>>
            %dma_start3A_97 = arith.constant 0 : i32
            %dma_start3A_98 = arith.constant 0 : i32
            %dma_start3A_99 = tpu.memref_slice %arg8[%dma_start3A_97, %dma_start3A_98] : memref<10016x128xf32, #tpu.memory_space<vmem_shared>> -> memref<10016x128xf32, #tpu.memory_space<vmem_shared>>
            tpu.enqueue_indirect_dma source(%run_scoped3A_3 : memref<80x128xf32, #tpu.memory_space<vmem>>) target(%dma_start3A_99 : memref<10016x128xf32, #tpu.memory_space<vmem_shared>>) offsets(%dma_start3A_96 : memref<80xi32, #tpu.memory_space<vmem>>) semaphore(%run_scoped3A_93 : memref<!tpu.dma_semaphore, #tpu.memory_space<semaphore_mem>>) {add = true}
            %dma_wait3A_100 = arith.constant 0 : i32
            %dma_wait3A_101 = tpu.memref_slice %arg7[%add3A_91, %dma_wait3A_100] : memref<128x80xi32, #tpu.memory_space<vmem>> -> memref<1x80xi32, #tpu.memory_space<vmem>>
            %dma_wait3A_102 = tpu.memref_squeeze %dma_wait3A_101 : memref<1x80xi32, #tpu.memory_space<vmem>> -> memref<80xi32, #tpu.memory_space<vmem>>
            %dma_wait3A_103 = arith.constant 0 : i32
            %dma_wait3A_104 = arith.constant 0 : i32
            %dma_wait3A_105 = tpu.memref_slice %arg8[%dma_wait3A_103, %dma_wait3A_104] : memref<10016x128xf32, #tpu.memory_space<vmem_shared>> -> memref<10016x128xf32, #tpu.memory_space<vmem_shared>>
            tpu.wait_indirect_dma semaphore(%run_scoped3A_93 : memref<!tpu.dma_semaphore, #tpu.memory_space<semaphore_mem>>) src(%run_scoped3A_3 : memref<80x128xf32, #tpu.memory_space<vmem>>) dst(%dma_wait3A_105 : memref<10016x128xf32, #tpu.memory_space<vmem_shared>>)
            tpu.yield
          }) : () -> ()
          %scan3A_92 = arith.constant 0 : i32
          scf.yield %scan3A_92 : i32
        }
        %scan3A_37 = arith.constant 64 : i32
        %barrier3A_38 = arith.constant 0 : index
        tpu.barrier barrier_id(%barrier3A_38)
        %mul3A_39 = arith.constant 624 : i32
        %mul3A_40 = arith.muli %arg1, %mul3A_39 : i32
        %mul3A_41 = arith.constant 624 : i32
        %mul3A_42 = arith.muli %arg1, %mul3A_41 : i32
        %run_scoped3A_43 = arith.constant 0 : i32
        "tpu.region"() ({
          %run_scoped3A_50 = tpu.sem_alloc : memref<!tpu.dma_semaphore, #tpu.memory_space<semaphore_mem>>
          %dma_start3A_51 = arith.constant 0 : i32
          %dma_start3A_52 = arith.constant 0 : i32
          %dma_start3A_53 = tpu.memref_slice %arg5[%run_scoped3A_43, %dma_start3A_51, %dma_start3A_52] : memref<2x10000x128xf32, #tpu.memory_space<hbm>> -> memref<1x10000x128xf32, #tpu.memory_space<hbm>>
          %dma_start3A_54 = tpu.memref_squeeze %dma_start3A_53 : memref<1x10000x128xf32, #tpu.memory_space<hbm>> -> memref<10000x128xf32, #tpu.memory_space<hbm>>
          %dma_start3A_55 = arith.constant 0 : i32
          %dma_start3A_56 = tpu.memref_slice %dma_start3A_54[%mul3A_42, %dma_start3A_55] : memref<10000x128xf32, #tpu.memory_space<hbm>> -> memref<624x128xf32, #tpu.memory_space<hbm>>
          %dma_start3A_57 = arith.constant 0 : i32
          %dma_start3A_58 = tpu.memref_slice %arg8[%mul3A_40, %dma_start3A_57] : memref<10016x128xf32, #tpu.memory_space<vmem_shared>> -> memref<624x128xf32, #tpu.memory_space<vmem_shared>>
          tpu.enqueue_dma source(%dma_start3A_58 : memref<624x128xf32, #tpu.memory_space<vmem_shared>>) target(%dma_start3A_56 : memref<624x128xf32, #tpu.memory_space<hbm>>) target_semaphore(%run_scoped3A_50 : memref<!tpu.dma_semaphore, #tpu.memory_space<semaphore_mem>>)
          %dma_wait3A = arith.constant 0 : i32
          %dma_wait3A_59 = arith.constant 0 : i32
          %dma_wait3A_60 = tpu.memref_slice %arg5[%run_scoped3A_43, %dma_wait3A, %dma_wait3A_59] : memref<2x10000x128xf32, #tpu.memory_space<hbm>> -> memref<1x10000x128xf32, #tpu.memory_space<hbm>>
          %dma_wait3A_61 = tpu.memref_squeeze %dma_wait3A_60 : memref<1x10000x128xf32, #tpu.memory_space<hbm>> -> memref<10000x128xf32, #tpu.memory_space<hbm>>
          %dma_wait3A_62 = arith.constant 0 : i32
          %dma_wait3A_63 = tpu.memref_slice %dma_wait3A_61[%mul3A_42, %dma_wait3A_62] : memref<10000x128xf32, #tpu.memory_space<hbm>> -> memref<624x128xf32, #tpu.memory_space<hbm>>
          %dma_wait3A_64 = arith.constant 0 : i32
          %dma_wait3A_65 = tpu.memref_slice %arg8[%mul3A_40, %dma_wait3A_64] : memref<10016x128xf32, #tpu.memory_space<vmem_shared>> -> memref<624x128xf32, #tpu.memory_space<vmem_shared>>
          tpu.wait_dma2 semaphore(%run_scoped3A_50 : memref<!tpu.dma_semaphore, #tpu.memory_space<semaphore_mem>>) src(%dma_wait3A_65 : memref<624x128xf32, #tpu.memory_space<vmem_shared>>) dst(%dma_wait3A_63 : memref<624x128xf32, #tpu.memory_space<hbm>>)
          tpu.yield
        }) : () -> ()
        %eq3A_44 = arith.constant 15 : i32
        %eq3A_45 = arith.cmpi eq, %arg1, %eq3A_44 : i32
        %convert_element_type3A_46 = arith.extui %eq3A_45 : i1 to i32
        %cond3A_47 = arith.constant 0 : i32
        %cond3A_48 = arith.constant 0 : i32
        %cond3A_49 = arith.cmpi ne, %convert_element_type3A_46, %cond3A_48 : i32
        scf.if %cond3A_49 {
          "tpu.region"() ({
            %run_scoped3A_50 = tpu.sem_alloc : memref<!tpu.dma_semaphore, #tpu.memory_space<semaphore_mem>>
            %dma_start3A_51 = arith.constant 0 : i32
            %dma_start3A_52 = arith.constant 0 : i32
            %dma_start3A_53 = tpu.memref_slice %arg5[%cond3A_47, %dma_start3A_51, %dma_start3A_52] : memref<2x10000x128xf32, #tpu.memory_space<hbm>> -> memref<1x10000x128xf32, #tpu.memory_space<hbm>>
            %dma_start3A_54 = tpu.memref_squeeze %dma_start3A_53 : memref<1x10000x128xf32, #tpu.memory_space<hbm>> -> memref<10000x128xf32, #tpu.memory_space<hbm>>
            %dma_start3A_55 = arith.constant 9984 : i32
            %dma_start3A_56 = arith.constant 0 : i32
            %dma_start3A_57 = tpu.memref_slice %dma_start3A_54[%dma_start3A_55, %dma_start3A_56] : memref<10000x128xf32, #tpu.memory_space<hbm>> -> memref<16x128xf32, #tpu.memory_space<hbm>>
            %dma_start3A_58 = arith.constant 9984 : i32
            %dma_start3A_59 = arith.constant 0 : i32
            %dma_start3A_60 = tpu.memref_slice %arg8[%dma_start3A_58, %dma_start3A_59] : memref<10016x128xf32, #tpu.memory_space<vmem_shared>> -> memref<16x128xf32, #tpu.memory_space<vmem_shared>>
            tpu.enqueue_dma source(%dma_start3A_60 : memref<16x128xf32, #tpu.memory_space<vmem_shared>>) target(%dma_start3A_57 : memref<16x128xf32, #tpu.memory_space<hbm>>) target_semaphore(%run_scoped3A_50 : memref<!tpu.dma_semaphore, #tpu.memory_space<semaphore_mem>>)
            %dma_wait3A = arith.constant 0 : i32
            %dma_wait3A_61 = arith.constant 0 : i32
            %dma_wait3A_62 = tpu.memref_slice %arg5[%cond3A_47, %dma_wait3A, %dma_wait3A_61] : memref<2x10000x128xf32, #tpu.memory_space<hbm>> -> memref<1x10000x128xf32, #tpu.memory_space<hbm>>
            %dma_wait3A_63 = tpu.memref_squeeze %dma_wait3A_62 : memref<1x10000x128xf32, #tpu.memory_space<hbm>> -> memref<10000x128xf32, #tpu.memory_space<hbm>>
            %dma_wait3A_64 = arith.constant 9984 : i32
            %dma_wait3A_65 = arith.constant 0 : i32
            %dma_wait3A_66 = tpu.memref_slice %dma_wait3A_63[%dma_wait3A_64, %dma_wait3A_65] : memref<10000x128xf32, #tpu.memory_space<hbm>> -> memref<16x128xf32, #tpu.memory_space<hbm>>
            %dma_wait3A_67 = arith.constant 9984 : i32
            %dma_wait3A_68 = arith.constant 0 : i32
            %dma_wait3A_69 = tpu.memref_slice %arg8[%dma_wait3A_67, %dma_wait3A_68] : memref<10016x128xf32, #tpu.memory_space<vmem_shared>> -> memref<16x128xf32, #tpu.memory_space<vmem_shared>>
            tpu.wait_dma2 semaphore(%run_scoped3A_50 : memref<!tpu.dma_semaphore, #tpu.memory_space<semaphore_mem>>) src(%dma_wait3A_69 : memref<16x128xf32, #tpu.memory_space<vmem_shared>>) dst(%dma_wait3A_66 : memref<16x128xf32, #tpu.memory_space<hbm>>)
            tpu.yield
          }) : () -> ()
        } else {
        }
      } else {
      }
      %eq3A_6 = arith.constant 1 : i32
      %eq3A_7 = arith.cmpi eq, %arg0, %eq3A_6 : i32
      %convert_element_type3A_8 = arith.extui %eq3A_7 : i1 to i32
      %cond3A_9 = arith.constant 0 : i32
      %cond3A_10 = arith.cmpi ne, %convert_element_type3A_8, %cond3A_9 : i32
      scf.if %cond3A_10 {
        %mul3A_11 = arith.constant 624 : i32
        %mul3A_12 = arith.muli %arg1, %mul3A_11 : i32
        %mul3A_13 = arith.constant 624 : i32
        %mul3A_14 = arith.muli %arg1, %mul3A_13 : i32
        %run_scoped3A_15 = arith.constant 1 : i32
        "tpu.region"() ({
          %run_scoped3A_50 = tpu.sem_alloc : memref<!tpu.dma_semaphore, #tpu.memory_space<semaphore_mem>>
          %dma_start3A_51 = arith.constant 0 : i32
          %dma_start3A_52 = tpu.memref_slice %arg8[%mul3A_14, %dma_start3A_51] : memref<10016x128xf32, #tpu.memory_space<vmem_shared>> -> memref<624x128xf32, #tpu.memory_space<vmem_shared>>
          %dma_start3A_53 = arith.constant 0 : i32
          %dma_start3A_54 = arith.constant 0 : i32
          %dma_start3A_55 = tpu.memref_slice %arg2[%run_scoped3A_15, %dma_start3A_53, %dma_start3A_54] : memref<2x10000x128xf32, #tpu.memory_space<hbm>> -> memref<1x10000x128xf32, #tpu.memory_space<hbm>>
          %dma_start3A_56 = tpu.memref_squeeze %dma_start3A_55 : memref<1x10000x128xf32, #tpu.memory_space<hbm>> -> memref<10000x128xf32, #tpu.memory_space<hbm>>
          %dma_start3A_57 = arith.constant 0 : i32
          %dma_start3A_58 = tpu.memref_slice %dma_start3A_56[%mul3A_12, %dma_start3A_57] : memref<10000x128xf32, #tpu.memory_space<hbm>> -> memref<624x128xf32, #tpu.memory_space<hbm>>
          tpu.enqueue_dma source(%dma_start3A_58 : memref<624x128xf32, #tpu.memory_space<hbm>>) target(%dma_start3A_52 : memref<624x128xf32, #tpu.memory_space<vmem_shared>>) target_semaphore(%run_scoped3A_50 : memref<!tpu.dma_semaphore, #tpu.memory_space<semaphore_mem>>)
          %dma_wait3A = arith.constant 0 : i32
          %dma_wait3A_59 = tpu.memref_slice %arg8[%mul3A_14, %dma_wait3A] : memref<10016x128xf32, #tpu.memory_space<vmem_shared>> -> memref<624x128xf32, #tpu.memory_space<vmem_shared>>
          %dma_wait3A_60 = arith.constant 0 : i32
          %dma_wait3A_61 = arith.constant 0 : i32
          %dma_wait3A_62 = tpu.memref_slice %arg2[%run_scoped3A_15, %dma_wait3A_60, %dma_wait3A_61] : memref<2x10000x128xf32, #tpu.memory_space<hbm>> -> memref<1x10000x128xf32, #tpu.memory_space<hbm>>
          %dma_wait3A_63 = tpu.memref_squeeze %dma_wait3A_62 : memref<1x10000x128xf32, #tpu.memory_space<hbm>> -> memref<10000x128xf32, #tpu.memory_space<hbm>>
          %dma_wait3A_64 = arith.constant 0 : i32
          %dma_wait3A_65 = tpu.memref_slice %dma_wait3A_63[%mul3A_12, %dma_wait3A_64] : memref<10000x128xf32, #tpu.memory_space<hbm>> -> memref<624x128xf32, #tpu.memory_space<hbm>>
          tpu.wait_dma2 semaphore(%run_scoped3A_50 : memref<!tpu.dma_semaphore, #tpu.memory_space<semaphore_mem>>) src(%dma_wait3A_65 : memref<624x128xf32, #tpu.memory_space<hbm>>) dst(%dma_wait3A_59 : memref<624x128xf32, #tpu.memory_space<vmem_shared>>)
          tpu.yield
        }) : () -> ()
        %eq3A_16 = arith.constant 15 : i32
        %eq3A_17 = arith.cmpi eq, %arg1, %eq3A_16 : i32
        %convert_element_type3A_18 = arith.extui %eq3A_17 : i1 to i32
        %cond3A_19 = arith.constant 1 : i32
        %cond3A_20 = arith.constant 0 : i32
        %cond3A_21 = arith.cmpi ne, %convert_element_type3A_18, %cond3A_20 : i32
        scf.if %cond3A_21 {
          "tpu.region"() ({
            %run_scoped3A_50 = tpu.sem_alloc : memref<!tpu.dma_semaphore, #tpu.memory_space<semaphore_mem>>
            %dma_start3A_51 = arith.constant 9984 : i32
            %dma_start3A_52 = arith.constant 0 : i32
            %dma_start3A_53 = tpu.memref_slice %arg8[%dma_start3A_51, %dma_start3A_52] : memref<10016x128xf32, #tpu.memory_space<vmem_shared>> -> memref<16x128xf32, #tpu.memory_space<vmem_shared>>
            %dma_start3A_54 = arith.constant 0 : i32
            %dma_start3A_55 = arith.constant 0 : i32
            %dma_start3A_56 = tpu.memref_slice %arg2[%cond3A_19, %dma_start3A_54, %dma_start3A_55] : memref<2x10000x128xf32, #tpu.memory_space<hbm>> -> memref<1x10000x128xf32, #tpu.memory_space<hbm>>
            %dma_start3A_57 = tpu.memref_squeeze %dma_start3A_56 : memref<1x10000x128xf32, #tpu.memory_space<hbm>> -> memref<10000x128xf32, #tpu.memory_space<hbm>>
            %dma_start3A_58 = arith.constant 9984 : i32
            %dma_start3A_59 = arith.constant 0 : i32
            %dma_start3A_60 = tpu.memref_slice %dma_start3A_57[%dma_start3A_58, %dma_start3A_59] : memref<10000x128xf32, #tpu.memory_space<hbm>> -> memref<16x128xf32, #tpu.memory_space<hbm>>
            tpu.enqueue_dma source(%dma_start3A_60 : memref<16x128xf32, #tpu.memory_space<hbm>>) target(%dma_start3A_53 : memref<16x128xf32, #tpu.memory_space<vmem_shared>>) target_semaphore(%run_scoped3A_50 : memref<!tpu.dma_semaphore, #tpu.memory_space<semaphore_mem>>)
            %dma_wait3A = arith.constant 9984 : i32
            %dma_wait3A_61 = arith.constant 0 : i32
            %dma_wait3A_62 = tpu.memref_slice %arg8[%dma_wait3A, %dma_wait3A_61] : memref<10016x128xf32, #tpu.memory_space<vmem_shared>> -> memref<16x128xf32, #tpu.memory_space<vmem_shared>>
            %dma_wait3A_63 = arith.constant 0 : i32
            %dma_wait3A_64 = arith.constant 0 : i32
            %dma_wait3A_65 = tpu.memref_slice %arg2[%cond3A_19, %dma_wait3A_63, %dma_wait3A_64] : memref<2x10000x128xf32, #tpu.memory_space<hbm>> -> memref<1x10000x128xf32, #tpu.memory_space<hbm>>
            %dma_wait3A_66 = tpu.memref_squeeze %dma_wait3A_65 : memref<1x10000x128xf32, #tpu.memory_space<hbm>> -> memref<10000x128xf32, #tpu.memory_space<hbm>>
            %dma_wait3A_67 = arith.constant 9984 : i32
            %dma_wait3A_68 = arith.constant 0 : i32
            %dma_wait3A_69 = tpu.memref_slice %dma_wait3A_66[%dma_wait3A_67, %dma_wait3A_68] : memref<10000x128xf32, #tpu.memory_space<hbm>> -> memref<16x128xf32, #tpu.memory_space<hbm>>
            tpu.wait_dma2 semaphore(%run_scoped3A_50 : memref<!tpu.dma_semaphore, #tpu.memory_space<semaphore_mem>>) src(%dma_wait3A_69 : memref<16x128xf32, #tpu.memory_space<hbm>>) dst(%dma_wait3A_62 : memref<16x128xf32, #tpu.memory_space<vmem_shared>>)
            tpu.yield
          }) : () -> ()
        } else {
        }
        %barrier3A = arith.constant 0 : index
        tpu.barrier barrier_id(%barrier3A)
        %dma_start3A = arith.constant 1 : i32
        %dma_start3A_22 = arith.constant 0 : i32
        %dma_start3A_23 = tpu.memref_slice %arg6[%dma_start3A_22] : memref<10240xi32, #tpu.memory_space<vmem>> -> memref<80xi32, #tpu.memory_space<vmem>>
        %dma_start3A_24 = arith.constant 0 : i32
        %dma_start3A_25 = arith.constant 0 : i32
        %dma_start3A_26 = tpu.memref_slice %arg2[%dma_start3A, %dma_start3A_24, %dma_start3A_25] : memref<2x10000x128xf32, #tpu.memory_space<hbm>> -> memref<1x10000x128xf32, #tpu.memory_space<hbm>>
        %dma_start3A_27 = tpu.memref_squeeze %dma_start3A_26 : memref<1x10000x128xf32, #tpu.memory_space<hbm>> -> memref<10000x128xf32, #tpu.memory_space<hbm>>
        %dma_start3A_28 = arith.constant 0 : i32
        %dma_start3A_29 = arith.constant 0 : i32
        %dma_start3A_30 = tpu.memref_slice %dma_start3A_27[%dma_start3A_28, %dma_start3A_29] : memref<10000x128xf32, #tpu.memory_space<hbm>> -> memref<10000x128xf32, #tpu.memory_space<hbm>>
        tpu.enqueue_indirect_dma source(%dma_start3A_30 : memref<10000x128xf32, #tpu.memory_space<hbm>>) target(%run_scoped3A : memref<80x128xf32, #tpu.memory_space<vmem>>) offsets(%dma_start3A_23 : memref<80xi32, #tpu.memory_space<vmem>>) semaphore(%arg9 : memref<!tpu.dma_semaphore, #tpu.memory_space<semaphore_mem>>)
        %scan3A = arith.constant 1 : i32
        %scan3A_31 = arith.constant 0 : i32
        %scan3A_32 = arith.constant 0 : i32
        %scan3A_33 = arith.constant 64 : i32
        %scan3A_34 = arith.addi %scan3A_32, %scan3A_33 : i32
        %scan3A_35 = arith.constant 1 : i32
        %scan3A_36 = scf.for %scan3A_50 = %scan3A_32 to %scan3A_34 step %scan3A_35 iter_args(%scan3A_51 = %scan3A_31) -> (i32)  : i32 {
          %mul3A_52 = arith.constant 2 : i32
          %mul3A_53 = arith.muli %mul3A_52, %scan3A_50 : i32
          %add3A = arith.constant 1 : i32
          %add3A_54 = arith.addi %mul3A_53, %add3A : i32
          %mul3A_55 = arith.constant 80 : i32
          %mul3A_56 = arith.muli %add3A_54, %mul3A_55 : i32
          %dma_start3A_57 = tpu.memref_slice %arg6[%mul3A_56] : memref<10240xi32, #tpu.memory_space<vmem>> -> memref<80xi32, #tpu.memory_space<vmem>>
          %dma_start3A_58 = arith.constant 0 : i32
          %dma_start3A_59 = arith.constant 0 : i32
          %dma_start3A_60 = tpu.memref_slice %arg2[%scan3A, %dma_start3A_58, %dma_start3A_59] : memref<2x10000x128xf32, #tpu.memory_space<hbm>> -> memref<1x10000x128xf32, #tpu.memory_space<hbm>>
          %dma_start3A_61 = tpu.memref_squeeze %dma_start3A_60 : memref<1x10000x128xf32, #tpu.memory_space<hbm>> -> memref<10000x128xf32, #tpu.memory_space<hbm>>
          %dma_start3A_62 = arith.constant 0 : i32
          %dma_start3A_63 = arith.constant 0 : i32
          %dma_start3A_64 = tpu.memref_slice %dma_start3A_61[%dma_start3A_62, %dma_start3A_63] : memref<10000x128xf32, #tpu.memory_space<hbm>> -> memref<10000x128xf32, #tpu.memory_space<hbm>>
          tpu.enqueue_indirect_dma source(%dma_start3A_64 : memref<10000x128xf32, #tpu.memory_space<hbm>>) target(%run_scoped3A_3 : memref<80x128xf32, #tpu.memory_space<vmem>>) offsets(%dma_start3A_57 : memref<80xi32, #tpu.memory_space<vmem>>) semaphore(%arg10 : memref<!tpu.dma_semaphore, #tpu.memory_space<semaphore_mem>>)
          %mul3A_65 = arith.constant 80 : i32
          %mul3A_66 = arith.muli %mul3A_53, %mul3A_65 : i32
          %dma_wait3A = tpu.memref_slice %arg6[%mul3A_66] : memref<10240xi32, #tpu.memory_space<vmem>> -> memref<80xi32, #tpu.memory_space<vmem>>
          %dma_wait3A_67 = arith.constant 0 : i32
          %dma_wait3A_68 = arith.constant 0 : i32
          %dma_wait3A_69 = tpu.memref_slice %arg2[%scan3A, %dma_wait3A_67, %dma_wait3A_68] : memref<2x10000x128xf32, #tpu.memory_space<hbm>> -> memref<1x10000x128xf32, #tpu.memory_space<hbm>>
          %dma_wait3A_70 = tpu.memref_squeeze %dma_wait3A_69 : memref<1x10000x128xf32, #tpu.memory_space<hbm>> -> memref<10000x128xf32, #tpu.memory_space<hbm>>
          %dma_wait3A_71 = arith.constant 0 : i32
          %dma_wait3A_72 = arith.constant 0 : i32
          %dma_wait3A_73 = tpu.memref_slice %dma_wait3A_70[%dma_wait3A_71, %dma_wait3A_72] : memref<10000x128xf32, #tpu.memory_space<hbm>> -> memref<10000x128xf32, #tpu.memory_space<hbm>>
          tpu.wait_indirect_dma semaphore(%arg9 : memref<!tpu.dma_semaphore, #tpu.memory_space<semaphore_mem>>) src(%dma_wait3A_73 : memref<10000x128xf32, #tpu.memory_space<hbm>>) dst(%run_scoped3A : memref<80x128xf32, #tpu.memory_space<vmem>>)
          "tpu.region"() ({
            %run_scoped3A_93 = tpu.sem_alloc : memref<!tpu.dma_semaphore, #tpu.memory_space<semaphore_mem>>
            %dma_start3A_94 = arith.constant 0 : i32
            %dma_start3A_95 = tpu.memref_slice %arg7[%mul3A_53, %dma_start3A_94] : memref<128x80xi32, #tpu.memory_space<vmem>> -> memref<1x80xi32, #tpu.memory_space<vmem>>
            %dma_start3A_96 = tpu.memref_squeeze %dma_start3A_95 : memref<1x80xi32, #tpu.memory_space<vmem>> -> memref<80xi32, #tpu.memory_space<vmem>>
            %dma_start3A_97 = arith.constant 0 : i32
            %dma_start3A_98 = arith.constant 0 : i32
            %dma_start3A_99 = tpu.memref_slice %arg8[%dma_start3A_97, %dma_start3A_98] : memref<10016x128xf32, #tpu.memory_space<vmem_shared>> -> memref<10016x128xf32, #tpu.memory_space<vmem_shared>>
            tpu.enqueue_indirect_dma source(%run_scoped3A : memref<80x128xf32, #tpu.memory_space<vmem>>) target(%dma_start3A_99 : memref<10016x128xf32, #tpu.memory_space<vmem_shared>>) offsets(%dma_start3A_96 : memref<80xi32, #tpu.memory_space<vmem>>) semaphore(%run_scoped3A_93 : memref<!tpu.dma_semaphore, #tpu.memory_space<semaphore_mem>>) {add = true}
            %dma_wait3A_100 = arith.constant 0 : i32
            %dma_wait3A_101 = tpu.memref_slice %arg7[%mul3A_53, %dma_wait3A_100] : memref<128x80xi32, #tpu.memory_space<vmem>> -> memref<1x80xi32, #tpu.memory_space<vmem>>
            %dma_wait3A_102 = tpu.memref_squeeze %dma_wait3A_101 : memref<1x80xi32, #tpu.memory_space<vmem>> -> memref<80xi32, #tpu.memory_space<vmem>>
            %dma_wait3A_103 = arith.constant 0 : i32
            %dma_wait3A_104 = arith.constant 0 : i32
            %dma_wait3A_105 = tpu.memref_slice %arg8[%dma_wait3A_103, %dma_wait3A_104] : memref<10016x128xf32, #tpu.memory_space<vmem_shared>> -> memref<10016x128xf32, #tpu.memory_space<vmem_shared>>
            tpu.wait_indirect_dma semaphore(%run_scoped3A_93 : memref<!tpu.dma_semaphore, #tpu.memory_space<semaphore_mem>>) src(%run_scoped3A : memref<80x128xf32, #tpu.memory_space<vmem>>) dst(%dma_wait3A_105 : memref<10016x128xf32, #tpu.memory_space<vmem_shared>>)
            tpu.yield
          }) : () -> ()
          %lt3A = arith.constant 63 : i32
          %lt3A_74 = arith.cmpi slt, %scan3A_50, %lt3A : i32
          %convert_element_type3A_75 = arith.extui %lt3A_74 : i1 to i32
          %cond3A_76 = arith.constant 0 : i32
          %cond3A_77 = arith.cmpi ne, %convert_element_type3A_75, %cond3A_76 : i32
          scf.if %cond3A_77 {
            %add3A_93 = arith.constant 2 : i32
            %add3A_94 = arith.addi %mul3A_53, %add3A_93 : i32
            %mul3A_95 = arith.constant 80 : i32
            %mul3A_96 = arith.muli %add3A_94, %mul3A_95 : i32
            %dma_start3A_97 = tpu.memref_slice %arg6[%mul3A_96] : memref<10240xi32, #tpu.memory_space<vmem>> -> memref<80xi32, #tpu.memory_space<vmem>>
            %dma_start3A_98 = arith.constant 0 : i32
            %dma_start3A_99 = arith.constant 0 : i32
            %dma_start3A_100 = tpu.memref_slice %arg2[%scan3A, %dma_start3A_98, %dma_start3A_99] : memref<2x10000x128xf32, #tpu.memory_space<hbm>> -> memref<1x10000x128xf32, #tpu.memory_space<hbm>>
            %dma_start3A_101 = tpu.memref_squeeze %dma_start3A_100 : memref<1x10000x128xf32, #tpu.memory_space<hbm>> -> memref<10000x128xf32, #tpu.memory_space<hbm>>
            %dma_start3A_102 = arith.constant 0 : i32
            %dma_start3A_103 = arith.constant 0 : i32
            %dma_start3A_104 = tpu.memref_slice %dma_start3A_101[%dma_start3A_102, %dma_start3A_103] : memref<10000x128xf32, #tpu.memory_space<hbm>> -> memref<10000x128xf32, #tpu.memory_space<hbm>>
            tpu.enqueue_indirect_dma source(%dma_start3A_104 : memref<10000x128xf32, #tpu.memory_space<hbm>>) target(%run_scoped3A : memref<80x128xf32, #tpu.memory_space<vmem>>) offsets(%dma_start3A_97 : memref<80xi32, #tpu.memory_space<vmem>>) semaphore(%arg9 : memref<!tpu.dma_semaphore, #tpu.memory_space<semaphore_mem>>)
          } else {
          }
          %add3A_78 = arith.constant 1 : i32
          %add3A_79 = arith.addi %mul3A_53, %add3A_78 : i32
          %mul3A_80 = arith.constant 80 : i32
          %mul3A_81 = arith.muli %add3A_79, %mul3A_80 : i32
          %dma_wait3A_82 = tpu.memref_slice %arg6[%mul3A_81] : memref<10240xi32, #tpu.memory_space<vmem>> -> memref<80xi32, #tpu.memory_space<vmem>>
          %dma_wait3A_83 = arith.constant 0 : i32
          %dma_wait3A_84 = arith.constant 0 : i32
          %dma_wait3A_85 = tpu.memref_slice %arg2[%scan3A, %dma_wait3A_83, %dma_wait3A_84] : memref<2x10000x128xf32, #tpu.memory_space<hbm>> -> memref<1x10000x128xf32, #tpu.memory_space<hbm>>
          %dma_wait3A_86 = tpu.memref_squeeze %dma_wait3A_85 : memref<1x10000x128xf32, #tpu.memory_space<hbm>> -> memref<10000x128xf32, #tpu.memory_space<hbm>>
          %dma_wait3A_87 = arith.constant 0 : i32
          %dma_wait3A_88 = arith.constant 0 : i32
          %dma_wait3A_89 = tpu.memref_slice %dma_wait3A_86[%dma_wait3A_87, %dma_wait3A_88] : memref<10000x128xf32, #tpu.memory_space<hbm>> -> memref<10000x128xf32, #tpu.memory_space<hbm>>
          tpu.wait_indirect_dma semaphore(%arg10 : memref<!tpu.dma_semaphore, #tpu.memory_space<semaphore_mem>>) src(%dma_wait3A_89 : memref<10000x128xf32, #tpu.memory_space<hbm>>) dst(%run_scoped3A_3 : memref<80x128xf32, #tpu.memory_space<vmem>>)
          %add3A_90 = arith.constant 1 : i32
          %add3A_91 = arith.addi %mul3A_53, %add3A_90 : i32
          "tpu.region"() ({
            %run_scoped3A_93 = tpu.sem_alloc : memref<!tpu.dma_semaphore, #tpu.memory_space<semaphore_mem>>
            %dma_start3A_94 = arith.constant 0 : i32
            %dma_start3A_95 = tpu.memref_slice %arg7[%add3A_91, %dma_start3A_94] : memref<128x80xi32, #tpu.memory_space<vmem>> -> memref<1x80xi32, #tpu.memory_space<vmem>>
            %dma_start3A_96 = tpu.memref_squeeze %dma_start3A_95 : memref<1x80xi32, #tpu.memory_space<vmem>> -> memref<80xi32, #tpu.memory_space<vmem>>
            %dma_start3A_97 = arith.constant 0 : i32
            %dma_start3A_98 = arith.constant 0 : i32
            %dma_start3A_99 = tpu.memref_slice %arg8[%dma_start3A_97, %dma_start3A_98] : memref<10016x128xf32, #tpu.memory_space<vmem_shared>> -> memref<10016x128xf32, #tpu.memory_space<vmem_shared>>
            tpu.enqueue_indirect_dma source(%run_scoped3A_3 : memref<80x128xf32, #tpu.memory_space<vmem>>) target(%dma_start3A_99 : memref<10016x128xf32, #tpu.memory_space<vmem_shared>>) offsets(%dma_start3A_96 : memref<80xi32, #tpu.memory_space<vmem>>) semaphore(%run_scoped3A_93 : memref<!tpu.dma_semaphore, #tpu.memory_space<semaphore_mem>>) {add = true}
            %dma_wait3A_100 = arith.constant 0 : i32
            %dma_wait3A_101 = tpu.memref_slice %arg7[%add3A_91, %dma_wait3A_100] : memref<128x80xi32, #tpu.memory_space<vmem>> -> memref<1x80xi32, #tpu.memory_space<vmem>>
            %dma_wait3A_102 = tpu.memref_squeeze %dma_wait3A_101 : memref<1x80xi32, #tpu.memory_space<vmem>> -> memref<80xi32, #tpu.memory_space<vmem>>
            %dma_wait3A_103 = arith.constant 0 : i32
            %dma_wait3A_104 = arith.constant 0 : i32
            %dma_wait3A_105 = tpu.memref_slice %arg8[%dma_wait3A_103, %dma_wait3A_104] : memref<10016x128xf32, #tpu.memory_space<vmem_shared>> -> memref<10016x128xf32, #tpu.memory_space<vmem_shared>>
            tpu.wait_indirect_dma semaphore(%run_scoped3A_93 : memref<!tpu.dma_semaphore, #tpu.memory_space<semaphore_mem>>) src(%run_scoped3A_3 : memref<80x128xf32, #tpu.memory_space<vmem>>) dst(%dma_wait3A_105 : memref<10016x128xf32, #tpu.memory_space<vmem_shared>>)
            tpu.yield
          }) : () -> ()
          %scan3A_92 = arith.constant 0 : i32
          scf.yield %scan3A_92 : i32
        }
        %scan3A_37 = arith.constant 64 : i32
        %barrier3A_38 = arith.constant 0 : index
        tpu.barrier barrier_id(%barrier3A_38)
        %mul3A_39 = arith.constant 624 : i32
        %mul3A_40 = arith.muli %arg1, %mul3A_39 : i32
        %mul3A_41 = arith.constant 624 : i32
        %mul3A_42 = arith.muli %arg1, %mul3A_41 : i32
        %run_scoped3A_43 = arith.constant 1 : i32
        "tpu.region"() ({
          %run_scoped3A_50 = tpu.sem_alloc : memref<!tpu.dma_semaphore, #tpu.memory_space<semaphore_mem>>
          %dma_start3A_51 = arith.constant 0 : i32
          %dma_start3A_52 = arith.constant 0 : i32
          %dma_start3A_53 = tpu.memref_slice %arg5[%run_scoped3A_43, %dma_start3A_51, %dma_start3A_52] : memref<2x10000x128xf32, #tpu.memory_space<hbm>> -> memref<1x10000x128xf32, #tpu.memory_space<hbm>>
          %dma_start3A_54 = tpu.memref_squeeze %dma_start3A_53 : memref<1x10000x128xf32, #tpu.memory_space<hbm>> -> memref<10000x128xf32, #tpu.memory_space<hbm>>
          %dma_start3A_55 = arith.constant 0 : i32
          %dma_start3A_56 = tpu.memref_slice %dma_start3A_54[%mul3A_42, %dma_start3A_55] : memref<10000x128xf32, #tpu.memory_space<hbm>> -> memref<624x128xf32, #tpu.memory_space<hbm>>
          %dma_start3A_57 = arith.constant 0 : i32
          %dma_start3A_58 = tpu.memref_slice %arg8[%mul3A_40, %dma_start3A_57] : memref<10016x128xf32, #tpu.memory_space<vmem_shared>> -> memref<624x128xf32, #tpu.memory_space<vmem_shared>>
          tpu.enqueue_dma source(%dma_start3A_58 : memref<624x128xf32, #tpu.memory_space<vmem_shared>>) target(%dma_start3A_56 : memref<624x128xf32, #tpu.memory_space<hbm>>) target_semaphore(%run_scoped3A_50 : memref<!tpu.dma_semaphore, #tpu.memory_space<semaphore_mem>>)
          %dma_wait3A = arith.constant 0 : i32
          %dma_wait3A_59 = arith.constant 0 : i32
          %dma_wait3A_60 = tpu.memref_slice %arg5[%run_scoped3A_43, %dma_wait3A, %dma_wait3A_59] : memref<2x10000x128xf32, #tpu.memory_space<hbm>> -> memref<1x10000x128xf32, #tpu.memory_space<hbm>>
          %dma_wait3A_61 = tpu.memref_squeeze %dma_wait3A_60 : memref<1x10000x128xf32, #tpu.memory_space<hbm>> -> memref<10000x128xf32, #tpu.memory_space<hbm>>
          %dma_wait3A_62 = arith.constant 0 : i32
          %dma_wait3A_63 = tpu.memref_slice %dma_wait3A_61[%mul3A_42, %dma_wait3A_62] : memref<10000x128xf32, #tpu.memory_space<hbm>> -> memref<624x128xf32, #tpu.memory_space<hbm>>
          %dma_wait3A_64 = arith.constant 0 : i32
          %dma_wait3A_65 = tpu.memref_slice %arg8[%mul3A_40, %dma_wait3A_64] : memref<10016x128xf32, #tpu.memory_space<vmem_shared>> -> memref<624x128xf32, #tpu.memory_space<vmem_shared>>
          tpu.wait_dma2 semaphore(%run_scoped3A_50 : memref<!tpu.dma_semaphore, #tpu.memory_space<semaphore_mem>>) src(%dma_wait3A_65 : memref<624x128xf32, #tpu.memory_space<vmem_shared>>) dst(%dma_wait3A_63 : memref<624x128xf32, #tpu.memory_space<hbm>>)
          tpu.yield
        }) : () -> ()
        %eq3A_44 = arith.constant 15 : i32
        %eq3A_45 = arith.cmpi eq, %arg1, %eq3A_44 : i32
        %convert_element_type3A_46 = arith.extui %eq3A_45 : i1 to i32
        %cond3A_47 = arith.constant 1 : i32
        %cond3A_48 = arith.constant 0 : i32
        %cond3A_49 = arith.cmpi ne, %convert_element_type3A_46, %cond3A_48 : i32
        scf.if %cond3A_49 {
          "tpu.region"() ({
            %run_scoped3A_50 = tpu.sem_alloc : memref<!tpu.dma_semaphore, #tpu.memory_space<semaphore_mem>>
            %dma_start3A_51 = arith.constant 0 : i32
            %dma_start3A_52 = arith.constant 0 : i32
            %dma_start3A_53 = tpu.memref_slice %arg5[%cond3A_47, %dma_start3A_51, %dma_start3A_52] : memref<2x10000x128xf32, #tpu.memory_space<hbm>> -> memref<1x10000x128xf32, #tpu.memory_space<hbm>>
            %dma_start3A_54 = tpu.memref_squeeze %dma_start3A_53 : memref<1x10000x128xf32, #tpu.memory_space<hbm>> -> memref<10000x128xf32, #tpu.memory_space<hbm>>
            %dma_start3A_55 = arith.constant 9984 : i32
            %dma_start3A_56 = arith.constant 0 : i32
            %dma_start3A_57 = tpu.memref_slice %dma_start3A_54[%dma_start3A_55, %dma_start3A_56] : memref<10000x128xf32, #tpu.memory_space<hbm>> -> memref<16x128xf32, #tpu.memory_space<hbm>>
            %dma_start3A_58 = arith.constant 9984 : i32
            %dma_start3A_59 = arith.constant 0 : i32
            %dma_start3A_60 = tpu.memref_slice %arg8[%dma_start3A_58, %dma_start3A_59] : memref<10016x128xf32, #tpu.memory_space<vmem_shared>> -> memref<16x128xf32, #tpu.memory_space<vmem_shared>>
            tpu.enqueue_dma source(%dma_start3A_60 : memref<16x128xf32, #tpu.memory_space<vmem_shared>>) target(%dma_start3A_57 : memref<16x128xf32, #tpu.memory_space<hbm>>) target_semaphore(%run_scoped3A_50 : memref<!tpu.dma_semaphore, #tpu.memory_space<semaphore_mem>>)
            %dma_wait3A = arith.constant 0 : i32
            %dma_wait3A_61 = arith.constant 0 : i32
            %dma_wait3A_62 = tpu.memref_slice %arg5[%cond3A_47, %dma_wait3A, %dma_wait3A_61] : memref<2x10000x128xf32, #tpu.memory_space<hbm>> -> memref<1x10000x128xf32, #tpu.memory_space<hbm>>
            %dma_wait3A_63 = tpu.memref_squeeze %dma_wait3A_62 : memref<1x10000x128xf32, #tpu.memory_space<hbm>> -> memref<10000x128xf32, #tpu.memory_space<hbm>>
            %dma_wait3A_64 = arith.constant 9984 : i32
            %dma_wait3A_65 = arith.constant 0 : i32
            %dma_wait3A_66 = tpu.memref_slice %dma_wait3A_63[%dma_wait3A_64, %dma_wait3A_65] : memref<10000x128xf32, #tpu.memory_space<hbm>> -> memref<16x128xf32, #tpu.memory_space<hbm>>
            %dma_wait3A_67 = arith.constant 9984 : i32
            %dma_wait3A_68 = arith.constant 0 : i32
            %dma_wait3A_69 = tpu.memref_slice %arg8[%dma_wait3A_67, %dma_wait3A_68] : memref<10016x128xf32, #tpu.memory_space<vmem_shared>> -> memref<16x128xf32, #tpu.memory_space<vmem_shared>>
            tpu.wait_dma2 semaphore(%run_scoped3A_50 : memref<!tpu.dma_semaphore, #tpu.memory_space<semaphore_mem>>) src(%dma_wait3A_69 : memref<16x128xf32, #tpu.memory_space<vmem_shared>>) dst(%dma_wait3A_66 : memref<16x128xf32, #tpu.memory_space<hbm>>)
            tpu.yield
          }) : () -> ()
        } else {
        }
      } else {
      }
      tpu.yield
    }) : () -> ()
    return
  }
}

module attributes {stable_mosaic.version = 14 : i64} {
  func.func @_k2_body(%arg0: i32, %arg1: i32, %arg2: memref<1000x256xf32, #tpu.memory_space<vmem>>, %arg3: memref<256x128xf32, #tpu.memory_space<vmem>>, %arg4: memref<1000x2xf32, #tpu.memory_space<vmem>>, %arg5: memref<1x1000x128xf32, #tpu.memory_space<vmem>>) attributes {dimension_semantics = [#tpu.dimension_semantics<arbitrary>, #tpu.dimension_semantics<arbitrary>], iteration_bounds = array<i64: 2, 10>, scalar_prefetch = 0 : i64, scratch_operands = 0 : i64, tpu.core_type = #tpu.core_type<tc>, window_params = [{transform_indices = @transform_0, window_bounds = array<i64: 1000, 256>}, {transform_indices = @transform_1, window_bounds = array<i64: 256, 128>}, {transform_indices = @transform_2, window_bounds = array<i64: 1000, 2>}, {transform_indices = @transform_3, window_bounds = array<i64: 1, 1000, 128>}]} {
    %get3A = arith.constant 0 : index
    %get3A_0 = arith.constant 0 : index
    %get3A_1 = vector.load %arg4[%get3A, %get3A_0] : memref<1000x2xf32, #tpu.memory_space<vmem>>, vector<1000x1xf32>
    %get3A_2 = vector.shape_cast %get3A_1 : vector<1000x1xf32> to vector<1000xf32>
    %get3A_3 = arith.constant 0 : index
    %get3A_4 = arith.constant 1 : index
    %get3A_5 = vector.load %arg4[%get3A_3, %get3A_4] : memref<1000x2xf32, #tpu.memory_space<vmem>>, vector<1000x1xf32>
    %get3A_6 = vector.shape_cast %get3A_5 : vector<1000x1xf32> to vector<1000xf32>
    %add3A = arith.addf %get3A_2, %get3A_6 : vector<1000xf32>
    %add3A_7 = arith.constant 1.000000e+00 : f32
    %add3A_8 = vector.broadcast %add3A_7 : f32 to vector<1000xf32>
    %add3A_9 = arith.addf %add3A, %add3A_8 : vector<1000xf32>
    %rsqrt3A = math.rsqrt %add3A_9 : vector<1000xf32>
    %get3A_10 = arith.constant 0 : index
    %get3A_11 = arith.constant 0 : index
    %get3A_12 = vector.load %arg2[%get3A_10, %get3A_11] : memref<1000x256xf32, #tpu.memory_space<vmem>>, vector<1000x256xf32>
    %get3A_13 = arith.constant 0 : index
    %get3A_14 = arith.constant 0 : index
    %get3A_15 = vector.load %arg3[%get3A_13, %get3A_14] : memref<256x128xf32, #tpu.memory_space<vmem>>, vector<256x128xf32>
    %dot_general3A = arith.constant dense<0.000000e+00> : vector<1000x128xf32>
    %dot_general3A_16 = tpu.matmul %get3A_12, %get3A_15, %dot_general3A {dimension_numbers = #tpu.dot_dimension_numbers<[1], [0], [0], [1], [0, 0, 1, 1], [], []>, transpose_lhs_hint = false} : vector<1000x256xf32>, vector<256x128xf32>, vector<1000x128xf32> -> vector<1000x128xf32>
    %broadcast_in_dim3A = vector.shape_cast %rsqrt3A : vector<1000xf32> to vector<1000x1xf32>
    %mul3A = vector.broadcast %broadcast_in_dim3A : vector<1000x1xf32> to vector<1000x128xf32>
    %mul3A_17 = arith.mulf %dot_general3A_16, %mul3A : vector<1000x128xf32>
    %swap3A = arith.constant 0 : index
    %swap3A_18 = arith.constant 0 : index
    %swap3A_19 = arith.constant 0 : index
    %swap3A_20 = vector.load %arg5[%swap3A, %swap3A_18, %swap3A_19] : memref<1x1000x128xf32, #tpu.memory_space<vmem>>, vector<1x1000x128xf32>
    %swap3A_21 = vector.shape_cast %swap3A_20 : vector<1x1000x128xf32> to vector<1000x128xf32>
    %swap3A_22 = vector.shape_cast %mul3A_17 : vector<1000x128xf32> to vector<1x1000x128xf32>
    tpu.vector_store %arg5[%swap3A, %swap3A_18, %swap3A_19], %swap3A_22 {strides = array<i32>} : memref<1x1000x128xf32, #tpu.memory_space<vmem>>, vector<1x1000x128xf32>,
    return
  }
  func.func @transform_0(%arg0: i32, %arg1: i32) -> (i32, i32) {
    %c0_i32 = arith.constant 0 : i32
    %c0_i32_0 = arith.constant 0 : i32
    return %arg1, %c0_i32 : i32, i32
  }
  func.func @transform_1(%arg0: i32, %arg1: i32) -> (i32, i32) {
    %c0_i32 = arith.constant 0 : i32
    %c0_i32_0 = arith.constant 0 : i32
    return %c0_i32, %arg0 : i32, i32
  }
  func.func @transform_2(%arg0: i32, %arg1: i32) -> (i32, i32) {
    %c0_i32 = arith.constant 0 : i32
    %c0_i32_0 = arith.constant 0 : i32
    return %arg1, %c0_i32 : i32, i32
  }
  func.func @transform_3(%arg0: i32, %arg1: i32) -> (i32, i32, i32) {
    %c0_i32 = arith.constant 0 : i32
    %c0_i32_0 = arith.constant 0 : i32
    return %arg0, %arg1, %c0_i32 : i32, i32, i32
  }
}

module attributes {stable_mosaic.version = 14 : i64} {
  func.func @_k4_body(%arg0: i32, %arg1: i32, %arg2: memref<1x1000x128xf32, #tpu.memory_space<vmem>>, %arg3: memref<1x1000x128xf32, #tpu.memory_space<vmem>>, %arg4: memref<256x128xf32, #tpu.memory_space<vmem>>, %arg5: memref<1x256xf32, #tpu.memory_space<vmem>>, %arg6: memref<1000x2xf32, #tpu.memory_space<vmem>>, %arg7: memref<1x1000x128xf32, #tpu.memory_space<vmem>>) attributes {dimension_semantics = [#tpu.dimension_semantics<arbitrary>, #tpu.dimension_semantics<arbitrary>], iteration_bounds = array<i64: 2, 10>, scalar_prefetch = 0 : i64, scratch_operands = 0 : i64, tpu.core_type = #tpu.core_type<tc>, window_params = [{transform_indices = @transform_0, window_bounds = array<i64: 1, 1000, 128>}, {transform_indices = @transform_1, window_bounds = array<i64: 1, 1000, 128>}, {transform_indices = @transform_2, window_bounds = array<i64: 256, 128>}, {pipeline_mode = #tpu.pipeline_mode<synchronous>, transform_indices = @transform_3, window_bounds = array<i64: 1, 256>}, {transform_indices = @transform_4, window_bounds = array<i64: 1000, 2>}, {transform_indices = @transform_5, window_bounds = array<i64: 1, 1000, 128>}]} {
    %get3A = arith.constant 0 : index
    %get3A_0 = arith.constant 0 : index
    %get3A_1 = vector.load %arg6[%get3A, %get3A_0] : memref<1000x2xf32, #tpu.memory_space<vmem>>, vector<1000x1xf32>
    %get3A_2 = vector.shape_cast %get3A_1 : vector<1000x1xf32> to vector<1000xf32>
    %get3A_3 = arith.constant 0 : index
    %get3A_4 = arith.constant 1 : index
    %get3A_5 = vector.load %arg6[%get3A_3, %get3A_4] : memref<1000x2xf32, #tpu.memory_space<vmem>>, vector<1000x1xf32>
    %get3A_6 = vector.shape_cast %get3A_5 : vector<1000x1xf32> to vector<1000xf32>
    %add3A = arith.addf %get3A_2, %get3A_6 : vector<1000xf32>
    %add3A_7 = arith.constant 1.000000e+00 : f32
    %add3A_8 = vector.broadcast %add3A_7 : f32 to vector<1000xf32>
    %add3A_9 = arith.addf %add3A, %add3A_8 : vector<1000xf32>
    %rsqrt3A = math.rsqrt %add3A_9 : vector<1000xf32>
    %get3A_10 = arith.constant 0 : index
    %get3A_11 = arith.constant 0 : index
    %get3A_12 = arith.constant 0 : index
    %get3A_13 = vector.load %arg2[%get3A_10, %get3A_11, %get3A_12] : memref<1x1000x128xf32, #tpu.memory_space<vmem>>, vector<1x1000x128xf32>
    %get3A_14 = vector.shape_cast %get3A_13 : vector<1x1000x128xf32> to vector<1000x128xf32>
    %get3A_15 = arith.constant 0 : index
    %get3A_16 = arith.constant 0 : index
    %get3A_17 = arith.constant 0 : index
    %get3A_18 = vector.load %arg3[%get3A_15, %get3A_16, %get3A_17] : memref<1x1000x128xf32, #tpu.memory_space<vmem>>, vector<1x1000x128xf32>
    %get3A_19 = vector.shape_cast %get3A_18 : vector<1x1000x128xf32> to vector<1000x128xf32>
    %concatenate3A = tpu.concatenate %get3A_14, %get3A_19 in 1 : vector<1000x128xf32>, vector<1000x128xf32> -> vector<1000x256xf32>
    %broadcast_in_dim3A = vector.shape_cast %rsqrt3A : vector<1000xf32> to vector<1000x1xf32>
    %mul3A = vector.broadcast %broadcast_in_dim3A : vector<1000x1xf32> to vector<1000x256xf32>
    %mul3A_20 = arith.mulf %concatenate3A, %mul3A : vector<1000x256xf32>
    %get3A_21 = arith.constant 0 : index
    %get3A_22 = arith.constant 0 : index
    %get3A_23 = vector.load %arg5[%get3A_21, %get3A_22] : memref<1x256xf32, #tpu.memory_space<vmem>>, vector<1x256xf32>
    %add3A_24 = vector.broadcast %get3A_23 : vector<1x256xf32> to vector<1000x256xf32>
    %add3A_25 = arith.addf %mul3A_20, %add3A_24 : vector<1000x256xf32>
    %mul3A_26 = arith.constant 5.000000e-01 : f32
    %mul3A_27 = vector.broadcast %mul3A_26 : f32 to vector<1000x256xf32>
    %mul3A_28 = arith.mulf %mul3A_27, %add3A_25 : vector<1000x256xf32>
    %mul3A_29 = arith.constant 0.707106769 : f32
    %mul3A_30 = vector.broadcast %mul3A_29 : f32 to vector<1000x256xf32>
    %mul3A_31 = arith.mulf %add3A_25, %mul3A_30 : vector<1000x256xf32>
    %erf3A = math.erf %mul3A_31 : vector<1000x256xf32>
    %add3A_32 = arith.constant 1.000000e+00 : f32
    %add3A_33 = vector.broadcast %add3A_32 : f32 to vector<1000x256xf32>
    %add3A_34 = arith.addf %add3A_33, %erf3A : vector<1000x256xf32>
    %mul3A_35 = arith.mulf %mul3A_28, %add3A_34 : vector<1000x256xf32>
    %get3A_36 = arith.constant 0 : index
    %get3A_37 = arith.constant 0 : index
    %get3A_38 = vector.load %arg4[%get3A_36, %get3A_37] : memref<256x128xf32, #tpu.memory_space<vmem>>, vector<256x128xf32>
    %dot_general3A = arith.constant dense<0.000000e+00> : vector<1000x128xf32>
    %dot_general3A_39 = tpu.matmul %mul3A_35, %get3A_38, %dot_general3A {dimension_numbers = #tpu.dot_dimension_numbers<[1], [0], [0], [1], [0, 0, 1, 1], [], []>, transpose_lhs_hint = false} : vector<1000x256xf32>, vector<256x128xf32>, vector<1000x128xf32> -> vector<1000x128xf32>
    %broadcast_in_dim3A_40 = vector.shape_cast %rsqrt3A : vector<1000xf32> to vector<1000x1xf32>
    %mul3A_41 = vector.broadcast %broadcast_in_dim3A_40 : vector<1000x1xf32> to vector<1000x128xf32>
    %mul3A_42 = arith.mulf %dot_general3A_39, %mul3A_41 : vector<1000x128xf32>
    %swap3A = arith.constant 0 : index
    %swap3A_43 = arith.constant 0 : index
    %swap3A_44 = arith.constant 0 : index
    %swap3A_45 = vector.load %arg7[%swap3A, %swap3A_43, %swap3A_44] : memref<1x1000x128xf32, #tpu.memory_space<vmem>>, vector<1x1000x128xf32>
    %swap3A_46 = vector.shape_cast %swap3A_45 : vector<1x1000x128xf32> to vector<1000x128xf32>
    %swap3A_47 = vector.shape_cast %mul3A_42 : vector<1000x128xf32> to vector<1x1000x128xf32>
    tpu.vector_store %arg7[%swap3A, %swap3A_43, %swap3A_44], %swap3A_47 {strides = array<i32>} : memref<1x1000x128xf32, #tpu.memory_space<vmem>>, vector<1x1000x128xf32>,
    return
  }
  func.func @transform_0(%arg0: i32, %arg1: i32) -> (i32, i32, i32) {
    %c0_i32 = arith.constant 0 : i32
    %c0_i32_0 = arith.constant 0 : i32
    %c0_i32_1 = arith.constant 0 : i32
    return %c0_i32, %arg1, %c0_i32_0 : i32, i32, i32
  }
  func.func @transform_1(%arg0: i32, %arg1: i32) -> (i32, i32, i32) {
    %c1_i32 = arith.constant 1 : i32
    %c0_i32 = arith.constant 0 : i32
    %c0_i32_0 = arith.constant 0 : i32
    return %c1_i32, %arg1, %c0_i32 : i32, i32, i32
  }
  func.func @transform_2(%arg0: i32, %arg1: i32) -> (i32, i32) {
    %c0_i32 = arith.constant 0 : i32
    %c0_i32_0 = arith.constant 0 : i32
    return %c0_i32, %arg0 : i32, i32
  }
  func.func @transform_3(%arg0: i32, %arg1: i32) -> (i32, i32) {
    %c0_i32 = arith.constant 0 : i32
    %c0_i32_0 = arith.constant 0 : i32
    %c0_i32_1 = arith.constant 0 : i32
    return %c0_i32, %c0_i32_0 : i32, i32
  }
  func.func @transform_4(%arg0: i32, %arg1: i32) -> (i32, i32) {
    %c0_i32 = arith.constant 0 : i32
    %c0_i32_0 = arith.constant 0 : i32
    return %arg1, %c0_i32 : i32, i32
  }
  func.func @transform_5(%arg0: i32, %arg1: i32) -> (i32, i32, i32) {
    %c0_i32 = arith.constant 0 : i32
    %c0_i32_0 = arith.constant 0 : i32
    return %arg0, %arg1, %c0_i32 : i32, i32, i32
  }
}

module attributes {stable_mosaic.version = 14 : i64} {
  func.func @_k6_body(%arg0: i32, %arg1: memref<1x1000x128xf32, #tpu.memory_space<vmem>>, %arg2: memref<1x1000x128xf32, #tpu.memory_space<vmem>>, %arg3: memref<1x256xf32, #tpu.memory_space<vmem>>, %arg4: memref<1000x2xf32, #tpu.memory_space<vmem>>, %arg5: memref<1000x256xf32, #tpu.memory_space<vmem>>) attributes {dimension_semantics = [#tpu.dimension_semantics<arbitrary>], iteration_bounds = array<i64: 10>, scalar_prefetch = 0 : i64, scratch_operands = 0 : i64, tpu.core_type = #tpu.core_type<tc>, window_params = [{transform_indices = @transform_0, window_bounds = array<i64: 1, 1000, 128>}, {transform_indices = @transform_1, window_bounds = array<i64: 1, 1000, 128>}, {pipeline_mode = #tpu.pipeline_mode<synchronous>, transform_indices = @transform_2, window_bounds = array<i64: 1, 256>}, {transform_indices = @transform_3, window_bounds = array<i64: 1000, 2>}, {transform_indices = @transform_4, window_bounds = array<i64: 1000, 256>}]} {
    %get3A = arith.constant 0 : index
    %get3A_0 = arith.constant 0 : index
    %get3A_1 = vector.load %arg4[%get3A, %get3A_0] : memref<1000x2xf32, #tpu.memory_space<vmem>>, vector<1000x1xf32>
    %get3A_2 = vector.shape_cast %get3A_1 : vector<1000x1xf32> to vector<1000xf32>
    %get3A_3 = arith.constant 0 : index
    %get3A_4 = arith.constant 1 : index
    %get3A_5 = vector.load %arg4[%get3A_3, %get3A_4] : memref<1000x2xf32, #tpu.memory_space<vmem>>, vector<1000x1xf32>
    %get3A_6 = vector.shape_cast %get3A_5 : vector<1000x1xf32> to vector<1000xf32>
    %add3A = arith.addf %get3A_2, %get3A_6 : vector<1000xf32>
    %add3A_7 = arith.constant 1.000000e+00 : f32
    %add3A_8 = vector.broadcast %add3A_7 : f32 to vector<1000xf32>
    %add3A_9 = arith.addf %add3A, %add3A_8 : vector<1000xf32>
    %rsqrt3A = math.rsqrt %add3A_9 : vector<1000xf32>
    %get3A_10 = arith.constant 0 : index
    %get3A_11 = arith.constant 0 : index
    %get3A_12 = arith.constant 0 : index
    %get3A_13 = vector.load %arg1[%get3A_10, %get3A_11, %get3A_12] : memref<1x1000x128xf32, #tpu.memory_space<vmem>>, vector<1x1000x128xf32>
    %get3A_14 = vector.shape_cast %get3A_13 : vector<1x1000x128xf32> to vector<1000x128xf32>
    %broadcast_in_dim3A = vector.shape_cast %rsqrt3A : vector<1000xf32> to vector<1000x1xf32>
    %mul3A = vector.broadcast %broadcast_in_dim3A : vector<1000x1xf32> to vector<1000x128xf32>
    %mul3A_15 = arith.mulf %get3A_14, %mul3A : vector<1000x128xf32>
    %get3A_16 = arith.constant 0 : index
    %get3A_17 = arith.constant 0 : index
    %get3A_18 = vector.load %arg3[%get3A_16, %get3A_17] : memref<1x256xf32, #tpu.memory_space<vmem>>, vector<1x128xf32>
    %add3A_19 = vector.broadcast %get3A_18 : vector<1x128xf32> to vector<1000x128xf32>
    %add3A_20 = arith.addf %mul3A_15, %add3A_19 : vector<1000x128xf32>
    %swap3A = arith.constant 0 : index
    %swap3A_21 = arith.constant 0 : index
    %swap3A_22 = vector.load %arg5[%swap3A, %swap3A_21] : memref<1000x256xf32, #tpu.memory_space<vmem>>, vector<1000x128xf32>
    tpu.vector_store %arg5[%swap3A, %swap3A_21], %add3A_20 {strides = array<i32>} : memref<1000x256xf32, #tpu.memory_space<vmem>>, vector<1000x128xf32>,
    %get3A_23 = arith.constant 0 : index
    %get3A_24 = arith.constant 0 : index
    %get3A_25 = arith.constant 0 : index
    %get3A_26 = vector.load %arg2[%get3A_23, %get3A_24, %get3A_25] : memref<1x1000x128xf32, #tpu.memory_space<vmem>>, vector<1x1000x128xf32>
    %get3A_27 = vector.shape_cast %get3A_26 : vector<1x1000x128xf32> to vector<1000x128xf32>
    %broadcast_in_dim3A_28 = vector.shape_cast %rsqrt3A : vector<1000xf32> to vector<1000x1xf32>
    %mul3A_29 = vector.broadcast %broadcast_in_dim3A_28 : vector<1000x1xf32> to vector<1000x128xf32>
    %mul3A_30 = arith.mulf %get3A_27, %mul3A_29 : vector<1000x128xf32>
    %get3A_31 = arith.constant 0 : index
    %get3A_32 = arith.constant 128 : index
    %get3A_33 = vector.load %arg3[%get3A_31, %get3A_32] : memref<1x256xf32, #tpu.memory_space<vmem>>, vector<1x128xf32>
    %add3A_34 = vector.broadcast %get3A_33 : vector<1x128xf32> to vector<1000x128xf32>
    %add3A_35 = arith.addf %mul3A_30, %add3A_34 : vector<1000x128xf32>
    %swap3A_36 = arith.constant 0 : index
    %swap3A_37 = arith.constant 128 : index
    %swap3A_38 = vector.load %arg5[%swap3A_36, %swap3A_37] : memref<1000x256xf32, #tpu.memory_space<vmem>>, vector<1000x128xf32>
    tpu.vector_store %arg5[%swap3A_36, %swap3A_37], %add3A_35 {strides = array<i32>} : memref<1000x256xf32, #tpu.memory_space<vmem>>, vector<1000x128xf32>,
    return
  }
  func.func @transform_0(%arg0: i32) -> (i32, i32, i32) {
    %c0_i32 = arith.constant 0 : i32
    %c0_i32_0 = arith.constant 0 : i32
    %c0_i32_1 = arith.constant 0 : i32
    return %c0_i32, %arg0, %c0_i32_0 : i32, i32, i32
  }
  func.func @transform_1(%arg0: i32) -> (i32, i32, i32) {
    %c1_i32 = arith.constant 1 : i32
    %c0_i32 = arith.constant 0 : i32
    %c0_i32_0 = arith.constant 0 : i32
    return %c1_i32, %arg0, %c0_i32 : i32, i32, i32
  }
  func.func @transform_2(%arg0: i32) -> (i32, i32) {
    %c0_i32 = arith.constant 0 : i32
    %c0_i32_0 = arith.constant 0 : i32
    %c0_i32_1 = arith.constant 0 : i32
    return %c0_i32, %c0_i32_0 : i32, i32
  }
  func.func @transform_3(%arg0: i32) -> (i32, i32) {
    %c0_i32 = arith.constant 0 : i32
    %c0_i32_0 = arith.constant 0 : i32
    return %arg0, %c0_i32 : i32, i32
  }
  func.func @transform_4(%arg0: i32) -> (i32, i32) {
    %c0_i32 = arith.constant 0 : i32
    %c0_i32_0 = arith.constant 0 : i32
    return %arg0, %c0_i32 : i32, i32
  }
}

</mosaic_0001>

<sc_bundles>
// kernel: kernel.11.cloned.1.call-start
scs
__scs_entry_jumppad:
0x0: {  	(pc) =	sbr.rel $0x88, $3  }
0x1: {  	(tag) =	ssettag $0x0;
	lr =	simm.s32 $0x1  }
0x2: {  	[smem:$0x3F9B] =	sst lr;
	_ =	strace $0xD0000000  }
0x3: {  	_ = 	snop  }
0x4: {  	_ = 	snop  }
0x5: {  	_ = 	snop  }
0x6: {  	_ = 	snop  }
0x7: {  	_ = 	snop  }
__scs_overlays_trampoline_lowered:
0x8: {  	[smem:$0x3FAA] =	sst s0  }
0x9: {  	[smem:$0x3FAB] =	sst s1  }
0xa: {  	[smem:$0x3FAC] =	sst s2  }
0xb: {  	[smem:$0x3FAD] =	sst s3  }
0xc: {  	[smem:$0x3FAE] =	sst s4  }
0xd: {  	[smem:$0x3FAF] =	sst s5  }
0xe: {  	[smem:$0x3FB0] =	sst s6  }
0xf: {  	[smem:$0x3FB1] =	sst s7  }
0x10: {  	[smem:$0x3FB2] =	sst s8  }
0x11: {  	[smem:$0x3FB3] =	sst s9;
	s0 =	simm.s32 @!p0 $0x0  }
0x12: {  	s1 =	sld [smem:$0x3F99];
	s0 =	simm.s32 @p0 $0x1  }
0x13: {  	[smem:$0x3FB4] =	sst s0;
	s0 =	simm.s32 @!p1 $0x0  }
0x14: {  	s2 =	sld [smem:$0x3F98];
	s0 =	simm.s32 @p1 $0x1  }
0x15: {  	[smem:$0x3FB5] =	sst s0;
	s0 =	simm.s32 @!p2 $0x0  }
0x16: {  	s3 =	sld [smem:$0x3FDB];
	s0 =	simm.s32 @p2 $0x1  }
0x17: {  	s4 =	simm.s32 $0x1BF5;
	[smem:$0x3FB7] =	sst s0  }
0x18: {  	s0 =	sld [smem:$0x3F9A];
	_ =	swait.ge [sflag:s4], $0x0  }
0x19: {  	s7 =	sld [smem:$0x3F9B]  }
0x1a: {  	s8 =	sadd.s32 $0xFFFFE003, lr  }
0x1b: {  	s9 =	sadd.s32 $0xFFFFFEF7, lr;
	s5 =	simm.s32 $0xFFFFFFFF;
	p2 =	slt.u32 s8, $0xFFFFF086  }
0x1c: {  	p1 =	slt.u32 s9, $0xF7A;
	s5 =	simm.s32 @!p2 $0x0  }
0x1d: {  	s5 =	simm.s32 @p1 $0x1;
	p0 =	seq.s32 s7, s2  }
0x1e: {  	s7 =	smul.u32 @!p0 $0xF7A, s2;
	p2 =	seq.s32 @!p0 s5, $0x0  }
0x1f: {  	s9 =	smul.u32 $0xF7A, s1;
	s8 =	simm.s32 @!p0 $0x1BF5;
	p2 =	por !p2, p0  }
0x20: {  	[sflag:s8] =	ssyncset.s32 @!p0 $0xFFFFF086;
	s6 =	sadd.s32 @!p0 s3, s7;
	s7 =	simm.s32 @!p0 $0x108  }
0x21: {  	s3 =	sadd.s32 s3, s9;
	s6 =	sadd.s32 @!p0 $0x88, s6;
	s7 =	simm.s32 @p2 $0x1082  }
0x22: {  	[simem:s7], [sflag:s8] =	dma.local @!p0 [hbm:s6], $0xF7A  }
0x23: {  	s9 =	sor.u32 $0xD0000000, s2;
	s6 =	simm.s32 $0x108;
	_ =	swait.ge @!p0 [sflag:s8], $0x0  }
0x24: {  	s3 =	sadd.s32 $0x88, s3;
	s6 =	simm.s32 @!p1 $0x1082;
	[sflag:s4] =	ssyncset.s32 $0xFFFFF086  }
0x25: {  	[simem:s6], [sflag:s4] =	dma.local [hbm:s3], $0xF7A  }
0x26: {  	[smem:$0x3F9B] =	sst s1;
	(tag) =	ssettag s2;
	_ =	strace s9  }
0x27: {  	s1 =	sld [smem:$0x3FAB]  }
0x28: {  	s2 =	sld [smem:$0x3FAC]  }
0x29: {  	s4 =	sld [smem:$0x3FAE]  }
0x2a: {  	p0 =	seq.s32 s5, $0x0;
	s5 =	sld [smem:$0x3FAF]  }
0x2b: {  	s6 =	sld [smem:$0x3FB0]  }
0x2c: {  	s7 =	sld [smem:$0x3FB1]  }
0x2d: {  	s3 =	simm.s32 $0x108;
	s8 =	sld [smem:$0x3FB2]  }
0x2e: {  	s3 =	simm.s32 @!p0 $0x1082;
	s9 =	sld [smem:$0x3FB3]  }
0x2f: {  	lr =	sadd.s32 s0, s3;
	s0 =	sld [smem:$0x3FAA]  }
0x30: {  	s3 =	sld [smem:$0x3FAD]  }
0x31: {  	[smem:$0x3FB6] =	sst s10  }
0x32: {  	s10 =	sld [smem:$0x3FB4];
	_ =	sdelay $0x3  }
0x33: {  	p0 =	seq.s32 s10, $0x1;
	s10 =	sld [smem:$0x3FB6];
	_ =	sdelay $0x3  }
0x34: {  	[smem:$0x3FB6] =	sst s10  }
0x35: {  	s10 =	sld [smem:$0x3FB5];
	_ =	sdelay $0x3  }
0x36: {  	p1 =	seq.s32 s10, $0x1;
	s10 =	sld [smem:$0x3FB6];
	_ =	sdelay $0x3  }
0x37: {  	[smem:$0x3FB6] =	sst s10  }
0x38: {  	s10 =	sld [smem:$0x3FB7]  }
0x39: {  	_ = 	snop;
	(pc) =	sbr.ind lr, $3  }
0x3a: {  	_ = 	snop  }
0x3b: {  	_ = 	snop  }
0x3c: {  	p2 =	seq.s32 s10, $0x1;
	s10 =	sld [smem:$0x3FB6]  }
0x3d: {  	_ =	shalt  }
0x3e: {  	_ =	shalt  }
0x3f: {  	_ =	shalt  }
0x40: {  	_ =	shalt  }
0x41: {  	_ =	shalt  }
0x42: {  	_ =	shalt  }
0x43: {  	_ =	shalt  }
0x44: {  	_ =	shalt  }
0x45: {  	_ =	shalt  }
0x46: {  	_ =	shalt  }
0x47: {  	_ =	shalt  }
0x48: {  	_ =	shalt  }
0x49: {  	_ =	shalt  }
0x4a: {  	_ =	shalt  }
0x4b: {  	_ =	shalt  }
0x4c: {  	_ =	shalt  }
0x4d: {  	_ =	shalt  }
0x4e: {  	_ =	shalt  }
0x4f: {  	_ =	shalt  }
0x50: {  	_ =	shalt  }
0x51: {  	_ =	shalt  }
0x52: {  	_ =	shalt  }
0x53: {  	_ =	shalt  }
0x54: {  	_ =	shalt  }
0x55: {  	_ =	shalt  }
0x56: {  	_ =	shalt  }
0x57: {  	_ =	shalt  }
0x58: {  	_ =	shalt  }
0x59: {  	_ =	shalt  }
0x5a: {  	_ =	shalt  }
0x5b: {  	_ =	shalt  }
0x5c: {  	_ =	shalt  }
0x5d: {  	_ =	shalt  }
0x5e: {  	_ =	shalt  }
0x5f: {  	_ =	shalt  }
0x60: {  	_ =	shalt  }
0x61: {  	_ =	shalt  }
0x62: {  	_ =	shalt  }
0x63: {  	_ =	shalt  }
0x64: {  	_ =	shalt  }
0x65: {  	_ =	shalt  }
0x66: {  	_ =	shalt  }
0x67: {  	_ =	shalt  }
0x68: {  	_ =	shalt  }
0x69: {  	_ =	shalt  }
0x6a: {  	_ =	shalt  }
0x6b: {  	_ =	shalt  }
0x6c: {  	_ =	shalt  }
0x6d: {  	_ =	shalt  }
0x6e: {  	_ =	shalt  }
0x6f: {  	_ =	shalt  }
0x70: {  	_ =	shalt  }
0x71: {  	_ =	shalt  }
0x72: {  	_ =	shalt  }
0x73: {  	_ =	shalt  }
0x74: {  	_ =	shalt  }
0x75: {  	_ =	shalt  }
0x76: {  	_ =	shalt  }
0x77: {  	_ =	shalt  }
0x78: {  	_ =	shalt  }
0x79: {  	_ =	shalt  }
0x7a: {  	_ =	shalt  }
0x7b: {  	_ =	shalt  }
0x7c: {  	_ =	shalt  }
0x7d: {  	_ =	shalt  }
0x7e: {  	_ =	shalt  }
0x7f: {  	_ =	shalt  }
0x80: {  	_ =	shalt  }
0x81: {  	_ =	shalt  }
0x82: {  	_ =	shalt  }
0x83: {  	_ =	shalt  }
0x84: {  	_ =	shalt  }
0x85: {  	_ =	shalt  }
0x86: {  	_ =	shalt  }
0x87: {  	_ =	shalt  }
.Lfunc_end0:
.L_simem_size_0:
called_computation.1_lowered:
.L_overlay_start_0:
0x88: {  	s2 =	sld [smem:$0x3FD9]  }
0x89: {  	s3 =	sld [smem:$0x3FFE];
	_ =	sdelay $0x1  }
0x8a: {  	s1 =	srdreg.scid  }
0x8b: {  	s0 =	sand.u32 $0x1, s1  }
0x8c: {  	s17 =	sshll.u32 s0, $0xA;
	s2 =	sadd.s32 s3, s2  }
0x8d: {  	s2 =	sadd.s32 s2, s17  }
0x8e: {  	[smem:$0x3FC2] =	sst s2  }
0x8f: {  	_ = 	snop  }
0x90: {  	s2 =	sld [smem:$0x3FD0];
	(tm) =	ssettm $0x1  }
0x91: {  	s18 =	sld [smem:$0x3FFB];
	_ =	sdelay $0x3  }
0x92: {  	_ =	strace s18  }
0x93: {  	s3 =	sld [smem:$0x3FFC];
	_ =	sdelay $0x3  }
0x94: {  	_ =	strace s3  }
0x95: {  	s3 =	sld [smem:$0x3FFD];
	_ =	sdelay $0x3  }
0x96: {  	_ =	strace s3  }
0x97: {  	_ =	strace $0x8FFFFFFF  }
0x98: {  	s19 =	sld [smem:$0x3FDB];
	_ =	sdelay $0x1  }
0x99: {  	s4 =	simm.s32 $_scs_section_size  }
0x9a: {  	s5 =	simm.s32 $_size__tile_overlayer_lowered;
	s6 =	simm.s32 $_tile_overlayer_lowered  }
0x9b: {  	s22 =	simm.s32 $0x1BFF;
	s21 =	sshll.u32 s6, $0x1;
	s3 =	sadd.s32 s4, s19  }
0x9c: {  	s7 =	simm.s32 $0x0;
	s20 =	sshll.u32 s5, $0x1;
	s5 =	sadd.s32 s21, s3  }
0x9d: {  	[timem:s7], [sflag:s22] =	dma.local [hbm:s5], s20  }
0x9e: {  	_ =	swait.ge [sflag:s22], s20  }
0x9f: {  	s4 =	ssub.s32 $0x0, s20;
	[sflag:s22] =	ssyncset.done $0x0  }
0xa0: {  	[sflag:s22] =	ssyncadd.s32 s4;
	_ =	sdelay $0x1  }
0xa1: {  	s23 =	simm.s32 $0x1B8B  }
0xa2: {  	_ =	swait.ge [sflag:s23], $0x1  }
0xa3: {  	[sflag:s23] =	ssyncset.done $0x0  }
0xa4: {  	s25 =	simm.s32 $0x1B8E;
	s24 =	sld [smem:$0x3FFE];
	[sflag:s23] =	ssyncadd.s32 $0xFFFFFFFF  }
0xa5: {  	s26 =	simm.s32 $execute0_lowered;
	[smem:$0x3FD2] =	sst s25  }
0xa6: {  	s5 =	sshll.u32 s26, $0x1;
	_ =	strace $0x80000049;
	[dreg:$0x1] =	wrdreg $0xFFFFFFFF  }
0xa7: {  	s28 =	simm.s32 $_size_execute0_lowered;
	s3 =	sadd.s32 s3, s5;
	[dreg:$0x0] =	wrdreg $0x0  }
0xa8: {  	s5 =	sshll.u32 s28, $0x1;
	[dreg:$0x2] =	wrdreg s3  }
0xa9: {  	[dreg:$0x3] =	wrdreg s5  }
0xaa: {  	[dreg:$0x4] =	wrdreg $0xC0  }
0xab: {  	_ =	task [dreg:s7], $0x5FFFF  }
0xac: {  	[dreg:$0x1] =	wrdreg $0xFFFFFFFF  }
0xad: {  	[dreg:$0x0] =	wrdreg $0x60  }
0xae: {  	[dreg:$0x2] =	wrdreg s2  }
0xaf: {  	[dreg:$0x3] =	wrdreg s24  }
0xb0: {  	[dreg:$0x4] =	wrdreg $0x68000  }
0xb1: {  	[dreg:$0x5] =	wrdreg $0x9  }
0xb2: {  	_ =	task.clear_ibuf [dreg:s7], $0x6FFFF;
	_ =	strace $0x90000049  }
0xb3: {  	s29 =	simm.s32 $0x9;
	_ =	strace $0x8000004B  }
0xb4: {  	_ =	swait.ge [sflag:s29], $0x1  }
0xb5: {  	[sflag:s29] =	ssyncadd.s32 $0xFFFFFFFF  }
0xb6: {  	_ =	strace $0x9000004B  }
0xb7: {  	_ =	sfence  }
0xb8: {  	s30 =	sld [smem:$0x0];
	_ =	sdelay $0x2  }
0xb9: {  	s31 =	sshll.u32 s1, $0xD;
	s1 =	sshrl.u32 s1, $0x2  }
0xba: {  	s3 =	sand.u32 $0x4000, s31;
	s1 =	sadd.s32 s1, s30  }
0xbb: {  	s0 =	sor.u32 s3, s0;
	s1 =	sshll.u32 s1, $0x11  }
0xbc: {  	s0 =	sor.u32 s1, s0  }
0xbd: {  	s0 =	sadd.s32 $0x8F2B, s0  }
0xbe: {  	[sflag:s0] =	ssyncadd.remote.s32 $0x1  }
0xbf: {  	_ =	sfence.sel $0xFFFF  }
0xc0: {  	[dreg:$0x0] =	wrdreg $0xFFFFFFFF;
	(pc) =	sbr.abs _section_cstart, $3  }
0xc1: {  	[dreg:$0x1] =	wrdreg $0xFFFFFFFF  }
0xc2: {  	_ =	task.clear_ibuf [dreg:s7], $0x2FFFF;
	_ =	strace $0x9FFFFFFF  }
0xc3: {  	(tm) =	ssettm $0x7FFFFFFF  }
tec
execute0_lowered:
.L_overlay_start_1:
0x0: {  	(tag) =	ssettag $0x1  }
0x1: {  	s1 =	rddreg [dreg:$0x0]  }
0x2: {  	s0 =	rddreg [dreg:$0x1]  }
0x3: {  	s3 =	rddreg [dreg:$0x2];
	s4 =	simm.s32 $0x0;
	s14 =	stileid.u32  }
0x4: {  	s6 =	srdreg.scid;
	s20 =	simm.s32 $0x4;
	s22 =	simm.s32 $0x1A100  }
0x5: {  	s23 =	simm.s32 $0x50;
	s28 =	simm.s32 $0x27B0;
	s29 =	simm.s32 $0x6700  }
0x6: {  	s30 =	simm.s32 $0x6780;
	[smem:$0x7FF] =	sst s4;
	s2 =	smul.u32 $0x500, s14  }
0x7: {  	s5 =	smul.u32 $0x2700, s14;
	s16 =	sand.u32 $0x1, s6;
	s24 =	sshll.u32 s14, $0xB  }
0x8: {  	s8 =	smul.u32 $0x4E000, s14;
	s10 =	sadd.s32 $0x36500, s0;
	s12 =	sadd.s32 $0x27000, s1  }
0x9: {  	s31 =	sshll.u32 s14, $0x6;
	p1 =	sne.s32 s14, $0xF;
	_ =	strace $0x8000004A  }
0xa: {  	s7 =	ssub.s32 $0x2, s16;
	s9 =	sadd.s32 s24, s0;
	p0 =	sne.s32 s16, $0x0  }
0xb: {  	s16 =	simm.s32 $0x3;
	s18 =	sor.u32 $0x1C04, s31;
	s24 =	simm.s32 $0x1C900  }
0xc: {  	s2 =	sadd.s32 s2, s0;
	s25 =	sshrl.u32 s7, $0x1;
	s13 =	sadd.s32 s5, s0  }
0xd: {  	s8 =	sshrl.u32 s8, $0x2;
	s11 =	sadd.s32 s1, s5;
	s0 =	sadd.s32 $0x36400, s0  }
.Ltmp0:
0xe: {  	s15 =	ssub.s32 s7, s25;
	s6 =	sadd.s32 $0x2400, s2;
	(pc) =	sbr.rel .LBB2_1-.Ltmp0, $4  }
0xf: {  	s7 =	sadd.s32 $0x7400, s9;
	s26 =	sadd.s32 s8, s3;
	s8 =	sadd.s32 $0x27100, s1  }
0x10: {  	s9 =	sadd.s32 $0x138000, s3;
	s13 =	sadd.s32 $0xF400, s13;
	[dreg:$0x4] =	wrdreg s0  }
0x11: {  	s25 =	simm.s32 $0x1;
	s0 =	simm.s32 $0x0;
	s15 =	smax.u32 s15, $0x1  }
0x12: {  	s19 =	sshrl.u32 s26, $0x3;
	s21 =	sshrl.u32 @!p1 s9, $0x3;
	s26 =	simm.s32 $0x2  }
.LBB2_10:
0x13: {  	_ =	swait.ge [sflag:s2], $0x100  }
0x14: {  	[sflag:s2] =	ssyncset.done $0x0  }
0x15: {  	[sflag:s2] =	ssyncadd.s32 $0xFFFFFF00  }
.LBB2_11:
0x16: {  	s0 =	sadd.s32 $0x1, s0  }
0x17: {  	p2 =	sne.s32 s0, s15  }
.Ltmp1:
0x18: {  	_ = 	snop;
	(pc) =	sbr.rel @!p2 .LBB2_12-.Ltmp1, $1  }
0x19: {  	_ =	sdelay $0x3  }
.LBB2_1:
0x1a: {  	[tilespmem:s4], [sflag:$0x3] =	stream.linear.gather [hbm4b:s6+s4], $0x2800, $0x38;
	[tilespmem:$0x1F100] =	vst v63  }
0x1b: {  	_ =	swait.ge [sflag:s16], $0x2800  }
0x1c: {  	[sflag:s16] =	ssyncset.done $0x0  }
.Ltmp2:
0x1d: {  	s2 =	simm.s32 $0x2800;
	[sflag:s16] =	ssyncadd.s32 $0xFFFFD800;
	(pc) =	sbr.rel @p0 .LBB2_6-.Ltmp2, $4  }
0x1e: {  	[tilespmem:s2], [sflag:$0x3] =	stream.linear.gather [hbm4b:s7+s4], $0x4000, $0x38;
	[tilespmem:$0x1F100] =	vst v63  }
0x1f: {  	_ =	swait.ge [sflag:s16], $0x4000  }
0x20: {  	[sflag:s16] =	ssyncset.done $0x0  }
0x21: {  	[sflag:s16] =	ssyncadd.s32 $0xFFFFC000  }
0x22: {  	[spmem:s19], [sflag:s18] =	dma.local [hbm:s11], $0x2700  }
0x23: {  	_ =	swait.ge [sflag:s20], $0x2700  }
0x24: {  	[sflag:s20] =	ssyncset.done $0x0  }
0x25: {  	s2 =	simm.s32 @!p1 $0x4;
	[sflag:s20] =	ssyncadd.s32 $0xFFFFD900  }
0x26: {  	[spmem:s21], [sflag:s18] =	dma.local @!p1 [hbm:s12], $0x100  }
0x27: {  	_ =	swait.ge @!p1 [sflag:s2], $0x100  }
0x28: {  	[sflag:s2] =	ssyncset.done @!p1 $0x0  }
0x29: {  	[sflag:s2] =	ssyncadd.s32 @!p1 $0xFFFFFF00  }
0x2a: {  	s31 =	simm.s32 $0x0;
	s2 =	simm.s32 $0x50;
	[bflag:$0x0] =	sbarrier.arrive $0xFFFF  }
0x2b: {  	[tilespmem:s22], [sflag:$0x1] =	stream.indirect.gather [hbm4b:s1+s2], $0x80, s31, s2, $0xb8;
	[tilespmem:$0x1F100] =	vst v63  }
0x2c: {  	_ = 	snop  }
0x2d: {  	[tilespmem:s24], [sflag:$0x2] =	stream.indirect.gather [hbm4b:s1+s23], $0x80, s2, s23, $0xb8;
	[tilespmem:$0x1F100] =	vst v63  }
0x2e: {  	_ =	swait.ge [sflag:s25], $0x2800  }
0x2f: {  	[sflag:s25] =	ssyncset.done $0x0  }
0x30: {  	s31 =	simm.s32 $0x2800;
	[sflag:s25] =	ssyncadd.s32 $0xFFFFD800  }
0x31: {  	[spmem:s3] =	stream.indirect.scatter.add.f32 [tilespmem:s22], [sflag:$0x4], $0x80, s31, s23, $0xb8;
	[tilespmem:$0x1F100] =	vst v63  }
0x32: {  	_ =	swait.ge [sflag:s20], $0x2800  }
0x33: {  	[sflag:s20] =	ssyncset.done $0x0  }
0x34: {  	s31 =	simm.s32 $0xA0;
	[sflag:s20] =	ssyncadd.s32 $0xFFFFD800  }
0x35: {  	[tilespmem:s22], [sflag:$0x1] =	stream.indirect.gather [hbm4b:s1+s23], $0x80, s31, s23, $0xb8;
	[tilespmem:$0x1F100] =	vst v63  }
0x36: {  	_ =	swait.ge [sflag:s26], $0x2800  }
0x37: {  	[sflag:s26] =	ssyncset.done $0x0  }
0x38: {  	s31 =	simm.s32 $0x2880;
	[sflag:s26] =	ssyncadd.s32 $0xFFFFD800  }
0x39: {  	[spmem:s3] =	stream.indirect.scatter.add.f32 [tilespmem:s24], [sflag:$0x4], $0x80, s31, s23, $0xb8;
	[tilespmem:$0x1F100] =	vst v63  }
0x3a: {  	_ =	swait.ge [sflag:s20], $0x2800  }
0x3b: {  	s31 =	simm.s32 $0x400;
	[sflag:s20] =	ssyncset.done $0x0  }
.LBB2_3:
0x3c: {  	p2 =	sne.s32 s31, $0xF800;
	[sflag:s20] =	ssyncadd.s32 $0xFFFFD800;
	s2 =	sadd.s32 $0xA0, s2  }
0x3d: {  	[tilespmem:s24], [sflag:$0x2] =	stream.indirect.gather [hbm4b:s1+s23], $0x80, s2, s23, $0xb8;
	[tilespmem:$0x1F100] =	vst v63  }
0x3e: {  	s14 =	smov.u32 s31;
	s31 =	sadd.s32 $0x400, s31;
	_ =	swait.ge [sflag:s25], $0x2800  }
0x3f: {  	s14 =	sshra.s32 s14, $0x2;
	[sflag:s25] =	ssyncset.done $0x0  }
0x40: {  	s17 =	sadd.s32 $0x2800, s14;
	[sflag:s25] =	ssyncadd.s32 $0xFFFFD800  }
0x41: {  	[spmem:s3] =	stream.indirect.scatter.add.f32 [tilespmem:s22], [sflag:$0x4], $0x80, s17, s23, $0xb8;
	[tilespmem:$0x1F100] =	vst v63  }
0x42: {  	_ =	swait.ge [sflag:s20], $0x2800  }
0x43: {  	[sflag:s20] =	ssyncset.done $0x0  }
0x44: {  	s17 =	sadd.s32 $0x50, s2;
	[sflag:s20] =	ssyncadd.s32 $0xFFFFD800  }
0x45: {  	[tilespmem:s22], [sflag:$0x1] =	stream.indirect.gather [hbm4b:s1+s23], $0x80, s17, s23, $0xb8;
	[tilespmem:$0x1F100] =	vst v63  }
0x46: {  	_ =	swait.ge [sflag:s26], $0x2800  }
.Ltmp3:
0x47: {  	[sflag:s26] =	ssyncset.done $0x0;
	(pc) =	sbr.rel @p2 .LBB2_3-.Ltmp3, $4  }
0x48: {  	s14 =	sadd.s32 $0x2880, s14;
	[sflag:s26] =	ssyncadd.s32 $0xFFFFD800  }
0x49: {  	[spmem:s3] =	stream.indirect.scatter.add.f32 [tilespmem:s24], [sflag:$0x4], $0x80, s14, s23, $0xb8;
	[tilespmem:$0x1F100] =	vst v63  }
0x4a: {  	_ =	swait.ge [sflag:s20], $0x2800  }
0x4b: {  	[sflag:s20] =	ssyncset.done $0x0  }
0x4c: {  	[sflag:s20] =	ssyncadd.s32 $0xFFFFD800  }
0x4d: {  	[tilespmem:s24], [sflag:$0x2] =	stream.indirect.gather [hbm4b:s1+s23], $0x80, s28, s23, $0xb8;
	[tilespmem:$0x1F100] =	vst v63  }
0x4e: {  	_ =	swait.ge [sflag:s25], $0x2800  }
0x4f: {  	[sflag:s25] =	ssyncset.done $0x0  }
0x50: {  	[sflag:s25] =	ssyncadd.s32 $0xFFFFD800  }
0x51: {  	[spmem:s3] =	stream.indirect.scatter.add.f32 [tilespmem:s22], [sflag:$0x4], $0x80, s29, s23, $0xb8;
	[tilespmem:$0x1F100] =	vst v63  }
0x52: {  	_ =	swait.ge [sflag:s20], $0x2800  }
0x53: {  	[sflag:s20] =	ssyncset.done $0x0  }
0x54: {  	[sflag:s20] =	ssyncadd.s32 $0xFFFFD800  }
0x55: {  	_ =	swait.ge [sflag:s26], $0x2800  }
0x56: {  	[sflag:s26] =	ssyncset.done $0x0  }
0x57: {  	[sflag:s26] =	ssyncadd.s32 $0xFFFFD800  }
0x58: {  	[spmem:s3] =	stream.indirect.scatter.add.f32 [tilespmem:s24], [sflag:$0x4], $0x80, s30, s23, $0xb8;
	[tilespmem:$0x1F100] =	vst v63  }
0x59: {  	_ =	swait.ge [sflag:s20], $0x2800  }
0x5a: {  	[sflag:s20] =	ssyncset.done $0x0  }
0x5b: {  	[sflag:s20] =	ssyncadd.s32 $0xFFFFD800  }
.Ltmp4:
0x5c: {  	[bflag:$0x0] =	sbarrier.arrive $0xFFFF;
	(pc) =	sbr.rel @p1 .LBB2_11-.Ltmp4, $4  }
0x5d: {  	[hbm:s13], [sflag:s18] =	dma.local [spmem:s19], $0x2700  }
0x5e: {  	_ =	swait.ge [sflag:s20], $0x2700  }
0x5f: {  	[sflag:s20] =	ssyncset.done $0x0  }
0x60: {  	[sflag:s20] =	ssyncadd.s32 $0xFFFFD900  }
.Ltmp5:
0x61: {  	(pc) =	sbr.rel .LBB2_10-.Ltmp5, $4  }
0x62: {  	_ = 	snop  }
0x63: {  	s2 =	sshrl.u32 s9, $0x3;
	s14 =	rddreg [dreg:$0x4]  }
0x64: {  	[hbm:s14], [sflag:s18] =	dma.local [spmem:s2], $0x100  }
0x65: {  	s2 =	simm.s32 $0x4  }
.LBB2_6:
0x66: {  	s2 =	sadd.s32 s5, s8  }
0x67: {  	[spmem:s19], [sflag:s18] =	dma.local [hbm:s2], $0x2700  }
0x68: {  	_ =	swait.ge [sflag:s20], $0x2700  }
0x69: {  	[sflag:s20] =	ssyncset.done $0x0  }
0x6a: {  	s2 =	sadd.s32 @!p1 $0x27000, s8;
	[sflag:s20] =	ssyncadd.s32 $0xFFFFD900  }
0x6b: {  	[spmem:s21], [sflag:s18] =	dma.local @!p1 [hbm:s2], $0x100  }
0x6c: {  	s2 =	simm.s32 @!p1 $0x4  }
0x6d: {  	_ =	swait.ge @!p1 [sflag:s2], $0x100  }
0x6e: {  	[sflag:s2] =	ssyncset.done @!p1 $0x0  }
0x6f: {  	[sflag:s2] =	ssyncadd.s32 @!p1 $0xFFFFFF00  }
0x70: {  	s14 =	simm.s32 $0x0;
	s2 =	simm.s32 $0x50;
	[bflag:$0x0] =	sbarrier.arrive $0xFFFF  }
0x71: {  	[tilespmem:s22], [sflag:$0x1] =	stream.indirect.gather [hbm4b:s8+s2], $0x80, s14, s2, $0xb8;
	[tilespmem:$0x1F100] =	vst v63  }
0x72: {  	_ = 	snop  }
0x73: {  	[tilespmem:s24], [sflag:$0x2] =	stream.indirect.gather [hbm4b:s8+s23], $0x80, s2, s23, $0xb8;
	[tilespmem:$0x1F100] =	vst v63  }
0x74: {  	_ =	swait.ge [sflag:s25], $0x2800  }
0x75: {  	[sflag:s25] =	ssyncset.done $0x0  }
0x76: {  	s17 =	simm.s32 $0x2800;
	[sflag:s25] =	ssyncadd.s32 $0xFFFFD800  }
0x77: {  	[spmem:s3] =	stream.indirect.scatter.add.f32 [tilespmem:s22], [sflag:$0x4], $0x80, s17, s23, $0xb8;
	[tilespmem:$0x1F100] =	vst v63  }
0x78: {  	_ =	swait.ge [sflag:s20], $0x2800  }
0x79: {  	[sflag:s20] =	ssyncset.done $0x0  }
0x7a: {  	s17 =	simm.s32 $0xA0;
	[sflag:s20] =	ssyncadd.s32 $0xFFFFD800  }
0x7b: {  	[tilespmem:s22], [sflag:$0x1] =	stream.indirect.gather [hbm4b:s8+s23], $0x80, s17, s23, $0xb8;
	[tilespmem:$0x1F100] =	vst v63  }
0x7c: {  	_ =	swait.ge [sflag:s26], $0x2800  }
0x7d: {  	[sflag:s26] =	ssyncset.done $0x0  }
0x7e: {  	s17 =	simm.s32 $0x2880;
	[sflag:s26] =	ssyncadd.s32 $0xFFFFD800  }
0x7f: {  	[spmem:s3] =	stream.indirect.scatter.add.f32 [tilespmem:s24], [sflag:$0x4], $0x80, s17, s23, $0xb8;
	[tilespmem:$0x1F100] =	vst v63  }
0x80: {  	_ =	swait.ge [sflag:s20], $0x2800  }
0x81: {  	s31 =	simm.s32 $0x400;
	[sflag:s20] =	ssyncset.done $0x0  }
.LBB2_7:
0x82: {  	p2 =	sne.s32 s31, $0xF800;
	[sflag:s20] =	ssyncadd.s32 $0xFFFFD800;
	s2 =	sadd.s32 $0xA0, s2  }
0x83: {  	[tilespmem:s24], [sflag:$0x2] =	stream.indirect.gather [hbm4b:s8+s23], $0x80, s2, s23, $0xb8;
	[tilespmem:$0x1F100] =	vst v63  }
0x84: {  	s14 =	smov.u32 s31;
	s31 =	sadd.s32 $0x400, s31;
	_ =	swait.ge [sflag:s25], $0x2800  }
0x85: {  	s14 =	sshra.s32 s14, $0x2;
	[sflag:s25] =	ssyncset.done $0x0  }
0x86: {  	s17 =	sadd.s32 $0x2800, s14;
	[sflag:s25] =	ssyncadd.s32 $0xFFFFD800  }
0x87: {  	[spmem:s3] =	stream.indirect.scatter.add.f32 [tilespmem:s22], [sflag:$0x4], $0x80, s17, s23, $0xb8;
	[tilespmem:$0x1F100] =	vst v63  }
0x88: {  	_ =	swait.ge [sflag:s20], $0x2800  }
0x89: {  	[sflag:s20] =	ssyncset.done $0x0  }
0x8a: {  	s17 =	sadd.s32 $0x50, s2;
	[sflag:s20] =	ssyncadd.s32 $0xFFFFD800  }
0x8b: {  	[tilespmem:s22], [sflag:$0x1] =	stream.indirect.gather [hbm4b:s8+s23], $0x80, s17, s23, $0xb8;
	[tilespmem:$0x1F100] =	vst v63  }
0x8c: {  	_ =	swait.ge [sflag:s26], $0x2800  }
.Ltmp6:
0x8d: {  	[sflag:s26] =	ssyncset.done $0x0;
	(pc) =	sbr.rel @p2 .LBB2_7-.Ltmp6, $4  }
0x8e: {  	s14 =	sadd.s32 $0x2880, s14;
	[sflag:s26] =	ssyncadd.s32 $0xFFFFD800  }
0x8f: {  	[spmem:s3] =	stream.indirect.scatter.add.f32 [tilespmem:s24], [sflag:$0x4], $0x80, s14, s23, $0xb8;
	[tilespmem:$0x1F100] =	vst v63  }
0x90: {  	_ =	swait.ge [sflag:s20], $0x2800  }
0x91: {  	[sflag:s20] =	ssyncset.done $0x0  }
0x92: {  	[sflag:s20] =	ssyncadd.s32 $0xFFFFD800  }
0x93: {  	[tilespmem:s24], [sflag:$0x2] =	stream.indirect.gather [hbm4b:s8+s23], $0x80, s28, s23, $0xb8;
	[tilespmem:$0x1F100] =	vst v63  }
0x94: {  	_ =	swait.ge [sflag:s25], $0x2800  }
0x95: {  	[sflag:s25] =	ssyncset.done $0x0  }
0x96: {  	[sflag:s25] =	ssyncadd.s32 $0xFFFFD800  }
0x97: {  	[spmem:s3] =	stream.indirect.scatter.add.f32 [tilespmem:s22], [sflag:$0x4], $0x80, s29, s23, $0xb8;
	[tilespmem:$0x1F100] =	vst v63  }
0x98: {  	_ =	swait.ge [sflag:s20], $0x2800  }
0x99: {  	[sflag:s20] =	ssyncset.done $0x0  }
0x9a: {  	[sflag:s20] =	ssyncadd.s32 $0xFFFFD800  }
0x9b: {  	_ =	swait.ge [sflag:s26], $0x2800  }
0x9c: {  	[sflag:s26] =	ssyncset.done $0x0  }
0x9d: {  	[sflag:s26] =	ssyncadd.s32 $0xFFFFD800  }
0x9e: {  	[spmem:s3] =	stream.indirect.scatter.add.f32 [tilespmem:s24], [sflag:$0x4], $0x80, s30, s23, $0xb8;
	[tilespmem:$0x1F100] =	vst v63  }
0x9f: {  	_ =	swait.ge [sflag:s20], $0x2800  }
0xa0: {  	[sflag:s20] =	ssyncset.done $0x0  }
0xa1: {  	[sflag:s20] =	ssyncadd.s32 $0xFFFFD800  }
.Ltmp7:
0xa2: {  	s2 =	sadd.s32 s5, s10;
	[bflag:$0x0] =	sbarrier.arrive $0xFFFF;
	(pc) =	sbr.rel @p1 .LBB2_11-.Ltmp7, $4  }
0xa3: {  	[hbm:s2], [sflag:s18] =	dma.local [spmem:s19], $0x2700  }
0xa4: {  	_ =	swait.ge [sflag:s20], $0x2700  }
0xa5: {  	[sflag:s20] =	ssyncset.done $0x0  }
0xa6: {  	[sflag:s20] =	ssyncadd.s32 $0xFFFFD900  }
.Ltmp8:
0xa7: {  	(pc) =	sbr.rel .LBB2_10-.Ltmp8, $4  }
0xa8: {  	_ = 	snop  }
0xa9: {  	s2 =	sadd.s32 $0x27000, s10;
	s14 =	sshrl.u32 s9, $0x3;
	s17 =	simm.s32 $0x1FC3  }
0xaa: {  	[hbm:s2], [sflag:s17] =	dma.local [spmem:s14], $0x100  }
0xab: {  	s2 =	simm.s32 $0x3  }
.LBB2_12:
0xac: {  	_ =	sfence.sel $0x180000  }
0xad: {  	[bflag:$0x0] =	sbarrier.arrive $0xFFFF  }
0xae: {  	_ =	strace $0x9000004A  }
0xaf: {  	s0 =	stileid.u32;
	[bflag:$0x2] =	sbarrier.arrive $0xFFFF  }
0xb0: {  	p0 =	sne.s32 s0, $0x0;
	s0 =	rddreg [dreg:$0x3]  }
0xb1: {  	s0 =	sadd.s32 @!p0 $0x100000, s0  }
0xb2: {  	[sflag:s0] =	ssyncadd.tile.s32 @!p0 $0x1;
	_ =	shalt  }
.Lfunc_end2:
_tile_overlayer_lowered:
.L_overlay_start_2:
0xb3: {  	(tag) =	ssettag $0x2  }
0xb4: {  	s0 =	rddreg [dreg:$0x0];
	s2 =	stileid.u32  }
0xb5: {  	s1 =	rddreg [dreg:$0x1];
	p0 =	sne.s32 s2, $0x0  }
0xb6: {  	s3 =	rddreg [dreg:$0x2];
	[bflag:$0x3] =	sbarrier.arrive $0xFFFF;
	s2 =	simm.s32 @!p0 $0x1C03  }
0xb7: {  	[timem:s3], [sflag:s2] =	dma.local @!p0 [hbm:s0], s1  }
0xb8: {  	s0 =	simm.s32 @!p0 $0x3  }
0xb9: {  	_ =	swait.ge @!p0 [sflag:s0], s1  }
0xba: {  	s1 =	ssub.s32 @!p0 $0x0, s1;
	[sflag:s0] =	ssyncset.done @!p0 $0x0  }
0xbb: {  	[sflag:s0] =	ssyncadd.s32 @!p0 s1  }
0xbc: {  	[bflag:$0x3] =	sbarrier.arrive $0xFFFF  }
0xbd: {  	_ =	shalt  }

// kernel: kernel.14.cloned.1.call-start
scs
__scs_entry_jumppad:
0x0: {  	(pc) =	sbr.rel $0x88, $3  }
0x1: {  	(tag) =	ssettag $0x0;
	lr =	simm.s32 $0x1  }
0x2: {  	[smem:$0x3F9B] =	sst lr;
	_ =	strace $0xD0000000  }
0x3: {  	_ = 	snop  }
0x4: {  	_ = 	snop  }
0x5: {  	_ = 	snop  }
0x6: {  	_ = 	snop  }
0x7: {  	_ = 	snop  }
__scs_overlays_trampoline_lowered:
0x8: {  	[smem:$0x3FAA] =	sst s0  }
0x9: {  	[smem:$0x3FAB] =	sst s1  }
0xa: {  	[smem:$0x3FAC] =	sst s2  }
0xb: {  	[smem:$0x3FAD] =	sst s3  }
0xc: {  	[smem:$0x3FAE] =	sst s4  }
0xd: {  	[smem:$0x3FAF] =	sst s5  }
0xe: {  	[smem:$0x3FB0] =	sst s6  }
0xf: {  	[smem:$0x3FB1] =	sst s7  }
0x10: {  	[smem:$0x3FB2] =	sst s8  }
0x11: {  	[smem:$0x3FB3] =	sst s9;
	s0 =	simm.s32 @!p0 $0x0  }
0x12: {  	s1 =	sld [smem:$0x3F99];
	s0 =	simm.s32 @p0 $0x1  }
0x13: {  	[smem:$0x3FB4] =	sst s0;
	s0 =	simm.s32 @!p1 $0x0  }
0x14: {  	s2 =	sld [smem:$0x3F98];
	s0 =	simm.s32 @p1 $0x1  }
0x15: {  	[smem:$0x3FB5] =	sst s0;
	s0 =	simm.s32 @!p2 $0x0  }
0x16: {  	s3 =	sld [smem:$0x3FDB];
	s0 =	simm.s32 @p2 $0x1  }
0x17: {  	s4 =	simm.s32 $0x1BF5;
	[smem:$0x3FB7] =	sst s0  }
0x18: {  	s0 =	sld [smem:$0x3F9A];
	_ =	swait.ge [sflag:s4], $0x0  }
0x19: {  	s7 =	sld [smem:$0x3F9B]  }
0x1a: {  	s8 =	sadd.s32 $0xFFFFE003, lr  }
0x1b: {  	s9 =	sadd.s32 $0xFFFFFEF7, lr;
	s5 =	simm.s32 $0xFFFFFFFF;
	p2 =	slt.u32 s8, $0xFFFFF086  }
0x1c: {  	p1 =	slt.u32 s9, $0xF7A;
	s5 =	simm.s32 @!p2 $0x0  }
0x1d: {  	s5 =	simm.s32 @p1 $0x1;
	p0 =	seq.s32 s7, s2  }
0x1e: {  	s7 =	smul.u32 @!p0 $0xF7A, s2;
	p2 =	seq.s32 @!p0 s5, $0x0  }
0x1f: {  	s9 =	smul.u32 $0xF7A, s1;
	s8 =	simm.s32 @!p0 $0x1BF5;
	p2 =	por !p2, p0  }
0x20: {  	[sflag:s8] =	ssyncset.s32 @!p0 $0xFFFFF086;
	s6 =	sadd.s32 @!p0 s3, s7;
	s7 =	simm.s32 @!p0 $0x108  }
0x21: {  	s3 =	sadd.s32 s3, s9;
	s6 =	sadd.s32 @!p0 $0x88, s6;
	s7 =	simm.s32 @p2 $0x1082  }
0x22: {  	[simem:s7], [sflag:s8] =	dma.local @!p0 [hbm:s6], $0xF7A  }
0x23: {  	s9 =	sor.u32 $0xD0000000, s2;
	s6 =	simm.s32 $0x108;
	_ =	swait.ge @!p0 [sflag:s8], $0x0  }
0x24: {  	s3 =	sadd.s32 $0x88, s3;
	s6 =	simm.s32 @!p1 $0x1082;
	[sflag:s4] =	ssyncset.s32 $0xFFFFF086  }
0x25: {  	[simem:s6], [sflag:s4] =	dma.local [hbm:s3], $0xF7A  }
0x26: {  	[smem:$0x3F9B] =	sst s1;
	(tag) =	ssettag s2;
	_ =	strace s9  }
0x27: {  	s1 =	sld [smem:$0x3FAB]  }
0x28: {  	s2 =	sld [smem:$0x3FAC]  }
0x29: {  	s4 =	sld [smem:$0x3FAE]  }
0x2a: {  	p0 =	seq.s32 s5, $0x0;
	s5 =	sld [smem:$0x3FAF]  }
0x2b: {  	s6 =	sld [smem:$0x3FB0]  }
0x2c: {  	s7 =	sld [smem:$0x3FB1]  }
0x2d: {  	s3 =	simm.s32 $0x108;
	s8 =	sld [smem:$0x3FB2]  }
0x2e: {  	s3 =	simm.s32 @!p0 $0x1082;
	s9 =	sld [smem:$0x3FB3]  }
0x2f: {  	lr =	sadd.s32 s0, s3;
	s0 =	sld [smem:$0x3FAA]  }
0x30: {  	s3 =	sld [smem:$0x3FAD]  }
0x31: {  	[smem:$0x3FB6] =	sst s10  }
0x32: {  	s10 =	sld [smem:$0x3FB4];
	_ =	sdelay $0x3  }
0x33: {  	p0 =	seq.s32 s10, $0x1;
	s10 =	sld [smem:$0x3FB6];
	_ =	sdelay $0x3  }
0x34: {  	[smem:$0x3FB6] =	sst s10  }
0x35: {  	s10 =	sld [smem:$0x3FB5];
	_ =	sdelay $0x3  }
0x36: {  	p1 =	seq.s32 s10, $0x1;
	s10 =	sld [smem:$0x3FB6];
	_ =	sdelay $0x3  }
0x37: {  	[smem:$0x3FB6] =	sst s10  }
0x38: {  	s10 =	sld [smem:$0x3FB7]  }
0x39: {  	_ = 	snop;
	(pc) =	sbr.ind lr, $3  }
0x3a: {  	_ = 	snop  }
0x3b: {  	_ = 	snop  }
0x3c: {  	p2 =	seq.s32 s10, $0x1;
	s10 =	sld [smem:$0x3FB6]  }
0x3d: {  	_ =	shalt  }
0x3e: {  	_ =	shalt  }
0x3f: {  	_ =	shalt  }
0x40: {  	_ =	shalt  }
0x41: {  	_ =	shalt  }
0x42: {  	_ =	shalt  }
0x43: {  	_ =	shalt  }
0x44: {  	_ =	shalt  }
0x45: {  	_ =	shalt  }
0x46: {  	_ =	shalt  }
0x47: {  	_ =	shalt  }
0x48: {  	_ =	shalt  }
0x49: {  	_ =	shalt  }
0x4a: {  	_ =	shalt  }
0x4b: {  	_ =	shalt  }
0x4c: {  	_ =	shalt  }
0x4d: {  	_ =	shalt  }
0x4e: {  	_ =	shalt  }
0x4f: {  	_ =	shalt  }
0x50: {  	_ =	shalt  }
0x51: {  	_ =	shalt  }
0x52: {  	_ =	shalt  }
0x53: {  	_ =	shalt  }
0x54: {  	_ =	shalt  }
0x55: {  	_ =	shalt  }
0x56: {  	_ =	shalt  }
0x57: {  	_ =	shalt  }
0x58: {  	_ =	shalt  }
0x59: {  	_ =	shalt  }
0x5a: {  	_ =	shalt  }
0x5b: {  	_ =	shalt  }
0x5c: {  	_ =	shalt  }
0x5d: {  	_ =	shalt  }
0x5e: {  	_ =	shalt  }
0x5f: {  	_ =	shalt  }
0x60: {  	_ =	shalt  }
0x61: {  	_ =	shalt  }
0x62: {  	_ =	shalt  }
0x63: {  	_ =	shalt  }
0x64: {  	_ =	shalt  }
0x65: {  	_ =	shalt  }
0x66: {  	_ =	shalt  }
0x67: {  	_ =	shalt  }
0x68: {  	_ =	shalt  }
0x69: {  	_ =	shalt  }
0x6a: {  	_ =	shalt  }
0x6b: {  	_ =	shalt  }
0x6c: {  	_ =	shalt  }
0x6d: {  	_ =	shalt  }
0x6e: {  	_ =	shalt  }
0x6f: {  	_ =	shalt  }
0x70: {  	_ =	shalt  }
0x71: {  	_ =	shalt  }
0x72: {  	_ =	shalt  }
0x73: {  	_ =	shalt  }
0x74: {  	_ =	shalt  }
0x75: {  	_ =	shalt  }
0x76: {  	_ =	shalt  }
0x77: {  	_ =	shalt  }
0x78: {  	_ =	shalt  }
0x79: {  	_ =	shalt  }
0x7a: {  	_ =	shalt  }
0x7b: {  	_ =	shalt  }
0x7c: {  	_ =	shalt  }
0x7d: {  	_ =	shalt  }
0x7e: {  	_ =	shalt  }
0x7f: {  	_ =	shalt  }
0x80: {  	_ =	shalt  }
0x81: {  	_ =	shalt  }
0x82: {  	_ =	shalt  }
0x83: {  	_ =	shalt  }
0x84: {  	_ =	shalt  }
0x85: {  	_ =	shalt  }
0x86: {  	_ =	shalt  }
0x87: {  	_ =	shalt  }
.Lfunc_end0:
.L_simem_size_0:
called_computation.2_lowered:
.L_overlay_start_0:
0x88: {  	s2 =	sld [smem:$0x3FD9]  }
0x89: {  	s3 =	sld [smem:$0x3FFE];
	_ =	sdelay $0x1  }
0x8a: {  	s1 =	srdreg.scid  }
0x8b: {  	s0 =	sand.u32 $0x1, s1  }
0x8c: {  	s17 =	sshll.u32 s0, $0xA;
	s2 =	sadd.s32 s3, s2  }
0x8d: {  	s2 =	sadd.s32 s2, s17  }
0x8e: {  	[smem:$0x3FC2] =	sst s2  }
0x8f: {  	_ = 	snop  }
0x90: {  	s2 =	sld [smem:$0x3FD0];
	(tm) =	ssettm $0x1  }
0x91: {  	s18 =	sld [smem:$0x3FFB];
	_ =	sdelay $0x3  }
0x92: {  	_ =	strace s18  }
0x93: {  	s3 =	sld [smem:$0x3FFC];
	_ =	sdelay $0x3  }
0x94: {  	_ =	strace s3  }
0x95: {  	s3 =	sld [smem:$0x3FFD];
	_ =	sdelay $0x3  }
0x96: {  	_ =	strace s3  }
0x97: {  	_ =	strace $0x8FFFFFFF  }
0x98: {  	s19 =	sld [smem:$0x3FDB];
	_ =	sdelay $0x1  }
0x99: {  	s4 =	simm.s32 $_scs_section_size  }
0x9a: {  	s5 =	simm.s32 $_size__tile_overlayer_lowered;
	s6 =	simm.s32 $_tile_overlayer_lowered  }
0x9b: {  	s22 =	simm.s32 $0x1BFF;
	s21 =	sshll.u32 s6, $0x1;
	s3 =	sadd.s32 s4, s19  }
0x9c: {  	s7 =	simm.s32 $0x0;
	s20 =	sshll.u32 s5, $0x1;
	s5 =	sadd.s32 s21, s3  }
0x9d: {  	[timem:s7], [sflag:s22] =	dma.local [hbm:s5], s20  }
0x9e: {  	_ =	swait.ge [sflag:s22], s20  }
0x9f: {  	s4 =	ssub.s32 $0x0, s20;
	[sflag:s22] =	ssyncset.done $0x0  }
0xa0: {  	[sflag:s22] =	ssyncadd.s32 s4;
	_ =	sdelay $0x1  }
0xa1: {  	s23 =	simm.s32 $0x1B8B  }
0xa2: {  	_ =	swait.ge [sflag:s23], $0x1  }
0xa3: {  	[sflag:s23] =	ssyncset.done $0x0  }
0xa4: {  	s25 =	simm.s32 $0x1B8E;
	s24 =	sld [smem:$0x3FFE];
	[sflag:s23] =	ssyncadd.s32 $0xFFFFFFFF  }
0xa5: {  	s26 =	simm.s32 $execute0_lowered;
	[smem:$0x3FD2] =	sst s25  }
0xa6: {  	s5 =	sshll.u32 s26, $0x1;
	_ =	strace $0x8000004C;
	[dreg:$0x1] =	wrdreg $0xFFFFFFFF  }
0xa7: {  	s28 =	simm.s32 $_size_execute0_lowered;
	s3 =	sadd.s32 s3, s5;
	[dreg:$0x0] =	wrdreg $0x0  }
0xa8: {  	s5 =	sshll.u32 s28, $0x1;
	[dreg:$0x2] =	wrdreg s3  }
0xa9: {  	[dreg:$0x3] =	wrdreg s5  }
0xaa: {  	[dreg:$0x4] =	wrdreg $0xC0  }
0xab: {  	_ =	task [dreg:s7], $0x5FFFF  }
0xac: {  	[dreg:$0x1] =	wrdreg $0xFFFFFFFF  }
0xad: {  	[dreg:$0x0] =	wrdreg $0x60  }
0xae: {  	[dreg:$0x2] =	wrdreg s2  }
0xaf: {  	[dreg:$0x3] =	wrdreg s24  }
0xb0: {  	[dreg:$0x4] =	wrdreg $0x68000  }
0xb1: {  	[dreg:$0x5] =	wrdreg $0x9  }
0xb2: {  	_ =	task.clear_ibuf [dreg:s7], $0x6FFFF;
	_ =	strace $0x9000004C  }
0xb3: {  	s29 =	simm.s32 $0x9;
	_ =	strace $0x8000004E  }
0xb4: {  	_ =	swait.ge [sflag:s29], $0x1  }
0xb5: {  	[sflag:s29] =	ssyncadd.s32 $0xFFFFFFFF  }
0xb6: {  	_ =	strace $0x9000004E  }
0xb7: {  	_ =	sfence  }
0xb8: {  	s30 =	sld [smem:$0x0];
	_ =	sdelay $0x2  }
0xb9: {  	s31 =	sshll.u32 s1, $0xD;
	s1 =	sshrl.u32 s1, $0x2  }
0xba: {  	s3 =	sand.u32 $0x4000, s31;
	s1 =	sadd.s32 s1, s30  }
0xbb: {  	s0 =	sor.u32 s3, s0;
	s1 =	sshll.u32 s1, $0x11  }
0xbc: {  	s0 =	sor.u32 s1, s0  }
0xbd: {  	s0 =	sadd.s32 $0x8F2B, s0  }
0xbe: {  	[sflag:s0] =	ssyncadd.remote.s32 $0x1  }
0xbf: {  	_ =	sfence.sel $0xFFFF  }
0xc0: {  	[dreg:$0x0] =	wrdreg $0xFFFFFFFF;
	(pc) =	sbr.abs _section_cstart, $3  }
0xc1: {  	[dreg:$0x1] =	wrdreg $0xFFFFFFFF  }
0xc2: {  	_ =	task.clear_ibuf [dreg:s7], $0x2FFFF;
	_ =	strace $0x9FFFFFFF  }
0xc3: {  	(tm) =	ssettm $0x7FFFFFFF  }
tec
execute0_lowered:
.L_overlay_start_1:
0x0: {  	(tag) =	ssettag $0x1  }
0x1: {  	s1 =	rddreg [dreg:$0x0]  }
0x2: {  	s0 =	rddreg [dreg:$0x1]  }
0x3: {  	s3 =	rddreg [dreg:$0x2];
	s4 =	simm.s32 $0x0;
	s14 =	stileid.u32  }
0x4: {  	s6 =	srdreg.scid;
	s20 =	simm.s32 $0x4;
	s22 =	simm.s32 $0x1A100  }
0x5: {  	s23 =	simm.s32 $0x50;
	s28 =	simm.s32 $0x27B0;
	s29 =	simm.s32 $0x6700  }
0x6: {  	s30 =	simm.s32 $0x6780;
	[smem:$0x7FF] =	sst s4;
	s2 =	smul.u32 $0x500, s14  }
0x7: {  	s5 =	smul.u32 $0x2700, s14;
	s16 =	sand.u32 $0x1, s6;
	s24 =	sshll.u32 s14, $0xB  }
0x8: {  	s8 =	smul.u32 $0x4E000, s14;
	s10 =	sadd.s32 $0x36500, s0;
	s12 =	sadd.s32 $0x27000, s1  }
0x9: {  	s31 =	sshll.u32 s14, $0x6;
	p1 =	sne.s32 s14, $0xF;
	_ =	strace $0x8000004D  }
0xa: {  	s7 =	ssub.s32 $0x2, s16;
	s9 =	sadd.s32 s24, s0;
	p0 =	sne.s32 s16, $0x0  }
0xb: {  	s16 =	simm.s32 $0x3;
	s18 =	sor.u32 $0x1C04, s31;
	s24 =	simm.s32 $0x1C900  }
0xc: {  	s2 =	sadd.s32 s2, s0;
	s25 =	sshrl.u32 s7, $0x1;
	s13 =	sadd.s32 s5, s0  }
0xd: {  	s8 =	sshrl.u32 s8, $0x2;
	s11 =	sadd.s32 s1, s5;
	s0 =	sadd.s32 $0x36400, s0  }
.Ltmp0:
0xe: {  	s15 =	ssub.s32 s7, s25;
	s6 =	sadd.s32 $0x2400, s2;
	(pc) =	sbr.rel .LBB2_1-.Ltmp0, $4  }
0xf: {  	s7 =	sadd.s32 $0x7400, s9;
	s26 =	sadd.s32 s8, s3;
	s8 =	sadd.s32 $0x27100, s1  }
0x10: {  	s9 =	sadd.s32 $0x138000, s3;
	s13 =	sadd.s32 $0xF400, s13;
	[dreg:$0x4] =	wrdreg s0  }
0x11: {  	s25 =	simm.s32 $0x1;
	s0 =	simm.s32 $0x0;
	s15 =	smax.u32 s15, $0x1  }
0x12: {  	s19 =	sshrl.u32 s26, $0x3;
	s21 =	sshrl.u32 @!p1 s9, $0x3;
	s26 =	simm.s32 $0x2  }
.LBB2_10:
0x13: {  	_ =	swait.ge [sflag:s2], $0x100  }
0x14: {  	[sflag:s2] =	ssyncset.done $0x0  }
0x15: {  	[sflag:s2] =	ssyncadd.s32 $0xFFFFFF00  }
.LBB2_11:
0x16: {  	s0 =	sadd.s32 $0x1, s0  }
0x17: {  	p2 =	sne.s32 s0, s15  }
.Ltmp1:
0x18: {  	_ = 	snop;
	(pc) =	sbr.rel @!p2 .LBB2_12-.Ltmp1, $1  }
0x19: {  	_ =	sdelay $0x3  }
.LBB2_1:
0x1a: {  	[tilespmem:s4], [sflag:$0x3] =	stream.linear.gather [hbm4b:s6+s4], $0x2800, $0x38;
	[tilespmem:$0x1F100] =	vst v63  }
0x1b: {  	_ =	swait.ge [sflag:s16], $0x2800  }
0x1c: {  	[sflag:s16] =	ssyncset.done $0x0  }
.Ltmp2:
0x1d: {  	s2 =	simm.s32 $0x2800;
	[sflag:s16] =	ssyncadd.s32 $0xFFFFD800;
	(pc) =	sbr.rel @p0 .LBB2_6-.Ltmp2, $4  }
0x1e: {  	[tilespmem:s2], [sflag:$0x3] =	stream.linear.gather [hbm4b:s7+s4], $0x4000, $0x38;
	[tilespmem:$0x1F100] =	vst v63  }
0x1f: {  	_ =	swait.ge [sflag:s16], $0x4000  }
0x20: {  	[sflag:s16] =	ssyncset.done $0x0  }
0x21: {  	[sflag:s16] =	ssyncadd.s32 $0xFFFFC000  }
0x22: {  	[spmem:s19], [sflag:s18] =	dma.local [hbm:s11], $0x2700  }
0x23: {  	_ =	swait.ge [sflag:s20], $0x2700  }
0x24: {  	[sflag:s20] =	ssyncset.done $0x0  }
0x25: {  	s2 =	simm.s32 @!p1 $0x4;
	[sflag:s20] =	ssyncadd.s32 $0xFFFFD900  }
0x26: {  	[spmem:s21], [sflag:s18] =	dma.local @!p1 [hbm:s12], $0x100  }
0x27: {  	_ =	swait.ge @!p1 [sflag:s2], $0x100  }
0x28: {  	[sflag:s2] =	ssyncset.done @!p1 $0x0  }
0x29: {  	[sflag:s2] =	ssyncadd.s32 @!p1 $0xFFFFFF00  }
0x2a: {  	s31 =	simm.s32 $0x0;
	s2 =	simm.s32 $0x50;
	[bflag:$0x0] =	sbarrier.arrive $0xFFFF  }
0x2b: {  	[tilespmem:s22], [sflag:$0x1] =	stream.indirect.gather [hbm4b:s1+s2], $0x80, s31, s2, $0xb8;
	[tilespmem:$0x1F100] =	vst v63  }
0x2c: {  	_ = 	snop  }
0x2d: {  	[tilespmem:s24], [sflag:$0x2] =	stream.indirect.gather [hbm4b:s1+s23], $0x80, s2, s23, $0xb8;
	[tilespmem:$0x1F100] =	vst v63  }
0x2e: {  	_ =	swait.ge [sflag:s25], $0x2800  }
0x2f: {  	[sflag:s25] =	ssyncset.done $0x0  }
0x30: {  	s31 =	simm.s32 $0x2800;
	[sflag:s25] =	ssyncadd.s32 $0xFFFFD800  }
0x31: {  	[spmem:s3] =	stream.indirect.scatter.add.f32 [tilespmem:s22], [sflag:$0x4], $0x80, s31, s23, $0xb8;
	[tilespmem:$0x1F100] =	vst v63  }
0x32: {  	_ =	swait.ge [sflag:s20], $0x2800  }
0x33: {  	[sflag:s20] =	ssyncset.done $0x0  }
0x34: {  	s31 =	simm.s32 $0xA0;
	[sflag:s20] =	ssyncadd.s32 $0xFFFFD800  }
0x35: {  	[tilespmem:s22], [sflag:$0x1] =	stream.indirect.gather [hbm4b:s1+s23], $0x80, s31, s23, $0xb8;
	[tilespmem:$0x1F100] =	vst v63  }
0x36: {  	_ =	swait.ge [sflag:s26], $0x2800  }
0x37: {  	[sflag:s26] =	ssyncset.done $0x0  }
0x38: {  	s31 =	simm.s32 $0x2880;
	[sflag:s26] =	ssyncadd.s32 $0xFFFFD800  }
0x39: {  	[spmem:s3] =	stream.indirect.scatter.add.f32 [tilespmem:s24], [sflag:$0x4], $0x80, s31, s23, $0xb8;
	[tilespmem:$0x1F100] =	vst v63  }
0x3a: {  	_ =	swait.ge [sflag:s20], $0x2800  }
0x3b: {  	s31 =	simm.s32 $0x400;
	[sflag:s20] =	ssyncset.done $0x0  }
.LBB2_3:
0x3c: {  	p2 =	sne.s32 s31, $0xF800;
	[sflag:s20] =	ssyncadd.s32 $0xFFFFD800;
	s2 =	sadd.s32 $0xA0, s2  }
0x3d: {  	[tilespmem:s24], [sflag:$0x2] =	stream.indirect.gather [hbm4b:s1+s23], $0x80, s2, s23, $0xb8;
	[tilespmem:$0x1F100] =	vst v63  }
0x3e: {  	s14 =	smov.u32 s31;
	s31 =	sadd.s32 $0x400, s31;
	_ =	swait.ge [sflag:s25], $0x2800  }
0x3f: {  	s14 =	sshra.s32 s14, $0x2;
	[sflag:s25] =	ssyncset.done $0x0  }
0x40: {  	s17 =	sadd.s32 $0x2800, s14;
	[sflag:s25] =	ssyncadd.s32 $0xFFFFD800  }
0x41: {  	[spmem:s3] =	stream.indirect.scatter.add.f32 [tilespmem:s22], [sflag:$0x4], $0x80, s17, s23, $0xb8;
	[tilespmem:$0x1F100] =	vst v63  }
0x42: {  	_ =	swait.ge [sflag:s20], $0x2800  }
0x43: {  	[sflag:s20] =	ssyncset.done $0x0  }
0x44: {  	s17 =	sadd.s32 $0x50, s2;
	[sflag:s20] =	ssyncadd.s32 $0xFFFFD800  }
0x45: {  	[tilespmem:s22], [sflag:$0x1] =	stream.indirect.gather [hbm4b:s1+s23], $0x80, s17, s23, $0xb8;
	[tilespmem:$0x1F100] =	vst v63  }
0x46: {  	_ =	swait.ge [sflag:s26], $0x2800  }
.Ltmp3:
0x47: {  	[sflag:s26] =	ssyncset.done $0x0;
	(pc) =	sbr.rel @p2 .LBB2_3-.Ltmp3, $4  }
0x48: {  	s14 =	sadd.s32 $0x2880, s14;
	[sflag:s26] =	ssyncadd.s32 $0xFFFFD800  }
0x49: {  	[spmem:s3] =	stream.indirect.scatter.add.f32 [tilespmem:s24], [sflag:$0x4], $0x80, s14, s23, $0xb8;
	[tilespmem:$0x1F100] =	vst v63  }
0x4a: {  	_ =	swait.ge [sflag:s20], $0x2800  }
0x4b: {  	[sflag:s20] =	ssyncset.done $0x0  }
0x4c: {  	[sflag:s20] =	ssyncadd.s32 $0xFFFFD800  }
0x4d: {  	[tilespmem:s24], [sflag:$0x2] =	stream.indirect.gather [hbm4b:s1+s23], $0x80, s28, s23, $0xb8;
	[tilespmem:$0x1F100] =	vst v63  }
0x4e: {  	_ =	swait.ge [sflag:s25], $0x2800  }
0x4f: {  	[sflag:s25] =	ssyncset.done $0x0  }
0x50: {  	[sflag:s25] =	ssyncadd.s32 $0xFFFFD800  }
0x51: {  	[spmem:s3] =	stream.indirect.scatter.add.f32 [tilespmem:s22], [sflag:$0x4], $0x80, s29, s23, $0xb8;
	[tilespmem:$0x1F100] =	vst v63  }
0x52: {  	_ =	swait.ge [sflag:s20], $0x2800  }
0x53: {  	[sflag:s20] =	ssyncset.done $0x0  }
0x54: {  	[sflag:s20] =	ssyncadd.s32 $0xFFFFD800  }
0x55: {  	_ =	swait.ge [sflag:s26], $0x2800  }
0x56: {  	[sflag:s26] =	ssyncset.done $0x0  }
0x57: {  	[sflag:s26] =	ssyncadd.s32 $0xFFFFD800  }
0x58: {  	[spmem:s3] =	stream.indirect.scatter.add.f32 [tilespmem:s24], [sflag:$0x4], $0x80, s30, s23, $0xb8;
	[tilespmem:$0x1F100] =	vst v63  }
0x59: {  	_ =	swait.ge [sflag:s20], $0x2800  }
0x5a: {  	[sflag:s20] =	ssyncset.done $0x0  }
0x5b: {  	[sflag:s20] =	ssyncadd.s32 $0xFFFFD800  }
.Ltmp4:
0x5c: {  	[bflag:$0x0] =	sbarrier.arrive $0xFFFF;
	(pc) =	sbr.rel @p1 .LBB2_11-.Ltmp4, $4  }
0x5d: {  	[hbm:s13], [sflag:s18] =	dma.local [spmem:s19], $0x2700  }
0x5e: {  	_ =	swait.ge [sflag:s20], $0x2700  }
0x5f: {  	[sflag:s20] =	ssyncset.done $0x0  }
0x60: {  	[sflag:s20] =	ssyncadd.s32 $0xFFFFD900  }
.Ltmp5:
0x61: {  	(pc) =	sbr.rel .LBB2_10-.Ltmp5, $4  }
0x62: {  	_ = 	snop  }
0x63: {  	s2 =	sshrl.u32 s9, $0x3;
	s14 =	rddreg [dreg:$0x4]  }
0x64: {  	[hbm:s14], [sflag:s18] =	dma.local [spmem:s2], $0x100  }
0x65: {  	s2 =	simm.s32 $0x4  }
.LBB2_6:
0x66: {  	s2 =	sadd.s32 s5, s8  }
0x67: {  	[spmem:s19], [sflag:s18] =	dma.local [hbm:s2], $0x2700  }
0x68: {  	_ =	swait.ge [sflag:s20], $0x2700  }
0x69: {  	[sflag:s20] =	ssyncset.done $0x0  }
0x6a: {  	s2 =	sadd.s32 @!p1 $0x27000, s8;
	[sflag:s20] =	ssyncadd.s32 $0xFFFFD900  }
0x6b: {  	[spmem:s21], [sflag:s18] =	dma.local @!p1 [hbm:s2], $0x100  }
0x6c: {  	s2 =	simm.s32 @!p1 $0x4  }
0x6d: {  	_ =	swait.ge @!p1 [sflag:s2], $0x100  }
0x6e: {  	[sflag:s2] =	ssyncset.done @!p1 $0x0  }
0x6f: {  	[sflag:s2] =	ssyncadd.s32 @!p1 $0xFFFFFF00  }
0x70: {  	s14 =	simm.s32 $0x0;
	s2 =	simm.s32 $0x50;
	[bflag:$0x0] =	sbarrier.arrive $0xFFFF  }
0x71: {  	[tilespmem:s22], [sflag:$0x1] =	stream.indirect.gather [hbm4b:s8+s2], $0x80, s14, s2, $0xb8;
	[tilespmem:$0x1F100] =	vst v63  }
0x72: {  	_ = 	snop  }
0x73: {  	[tilespmem:s24], [sflag:$0x2] =	stream.indirect.gather [hbm4b:s8+s23], $0x80, s2, s23, $0xb8;
	[tilespmem:$0x1F100] =	vst v63  }
0x74: {  	_ =	swait.ge [sflag:s25], $0x2800  }
0x75: {  	[sflag:s25] =	ssyncset.done $0x0  }
0x76: {  	s17 =	simm.s32 $0x2800;
	[sflag:s25] =	ssyncadd.s32 $0xFFFFD800  }
0x77: {  	[spmem:s3] =	stream.indirect.scatter.add.f32 [tilespmem:s22], [sflag:$0x4], $0x80, s17, s23, $0xb8;
	[tilespmem:$0x1F100] =	vst v63  }
0x78: {  	_ =	swait.ge [sflag:s20], $0x2800  }
0x79: {  	[sflag:s20] =	ssyncset.done $0x0  }
0x7a: {  	s17 =	simm.s32 $0xA0;
	[sflag:s20] =	ssyncadd.s32 $0xFFFFD800  }
0x7b: {  	[tilespmem:s22], [sflag:$0x1] =	stream.indirect.gather [hbm4b:s8+s23], $0x80, s17, s23, $0xb8;
	[tilespmem:$0x1F100] =	vst v63  }
0x7c: {  	_ =	swait.ge [sflag:s26], $0x2800  }
0x7d: {  	[sflag:s26] =	ssyncset.done $0x0  }
0x7e: {  	s17 =	simm.s32 $0x2880;
	[sflag:s26] =	ssyncadd.s32 $0xFFFFD800  }
0x7f: {  	[spmem:s3] =	stream.indirect.scatter.add.f32 [tilespmem:s24], [sflag:$0x4], $0x80, s17, s23, $0xb8;
	[tilespmem:$0x1F100] =	vst v63  }
0x80: {  	_ =	swait.ge [sflag:s20], $0x2800  }
0x81: {  	s31 =	simm.s32 $0x400;
	[sflag:s20] =	ssyncset.done $0x0  }
.LBB2_7:
0x82: {  	p2 =	sne.s32 s31, $0xF800;
	[sflag:s20] =	ssyncadd.s32 $0xFFFFD800;
	s2 =	sadd.s32 $0xA0, s2  }
0x83: {  	[tilespmem:s24], [sflag:$0x2] =	stream.indirect.gather [hbm4b:s8+s23], $0x80, s2, s23, $0xb8;
	[tilespmem:$0x1F100] =	vst v63  }
0x84: {  	s14 =	smov.u32 s31;
	s31 =	sadd.s32 $0x400, s31;
	_ =	swait.ge [sflag:s25], $0x2800  }
0x85: {  	s14 =	sshra.s32 s14, $0x2;
	[sflag:s25] =	ssyncset.done $0x0  }
0x86: {  	s17 =	sadd.s32 $0x2800, s14;
	[sflag:s25] =	ssyncadd.s32 $0xFFFFD800  }
0x87: {  	[spmem:s3] =	stream.indirect.scatter.add.f32 [tilespmem:s22], [sflag:$0x4], $0x80, s17, s23, $0xb8;
	[tilespmem:$0x1F100] =	vst v63  }
0x88: {  	_ =	swait.ge [sflag:s20], $0x2800  }
0x89: {  	[sflag:s20] =	ssyncset.done $0x0  }
0x8a: {  	s17 =	sadd.s32 $0x50, s2;
	[sflag:s20] =	ssyncadd.s32 $0xFFFFD800  }
0x8b: {  	[tilespmem:s22], [sflag:$0x1] =	stream.indirect.gather [hbm4b:s8+s23], $0x80, s17, s23, $0xb8;
	[tilespmem:$0x1F100] =	vst v63  }
0x8c: {  	_ =	swait.ge [sflag:s26], $0x2800  }
.Ltmp6:
0x8d: {  	[sflag:s26] =	ssyncset.done $0x0;
	(pc) =	sbr.rel @p2 .LBB2_7-.Ltmp6, $4  }
0x8e: {  	s14 =	sadd.s32 $0x2880, s14;
	[sflag:s26] =	ssyncadd.s32 $0xFFFFD800  }
0x8f: {  	[spmem:s3] =	stream.indirect.scatter.add.f32 [tilespmem:s24], [sflag:$0x4], $0x80, s14, s23, $0xb8;
	[tilespmem:$0x1F100] =	vst v63  }
0x90: {  	_ =	swait.ge [sflag:s20], $0x2800  }
0x91: {  	[sflag:s20] =	ssyncset.done $0x0  }
0x92: {  	[sflag:s20] =	ssyncadd.s32 $0xFFFFD800  }
0x93: {  	[tilespmem:s24], [sflag:$0x2] =	stream.indirect.gather [hbm4b:s8+s23], $0x80, s28, s23, $0xb8;
	[tilespmem:$0x1F100] =	vst v63  }
0x94: {  	_ =	swait.ge [sflag:s25], $0x2800  }
0x95: {  	[sflag:s25] =	ssyncset.done $0x0  }
0x96: {  	[sflag:s25] =	ssyncadd.s32 $0xFFFFD800  }
0x97: {  	[spmem:s3] =	stream.indirect.scatter.add.f32 [tilespmem:s22], [sflag:$0x4], $0x80, s29, s23, $0xb8;
	[tilespmem:$0x1F100] =	vst v63  }
0x98: {  	_ =	swait.ge [sflag:s20], $0x2800  }
0x99: {  	[sflag:s20] =	ssyncset.done $0x0  }
0x9a: {  	[sflag:s20] =	ssyncadd.s32 $0xFFFFD800  }
0x9b: {  	_ =	swait.ge [sflag:s26], $0x2800  }
0x9c: {  	[sflag:s26] =	ssyncset.done $0x0  }
0x9d: {  	[sflag:s26] =	ssyncadd.s32 $0xFFFFD800  }
0x9e: {  	[spmem:s3] =	stream.indirect.scatter.add.f32 [tilespmem:s24], [sflag:$0x4], $0x80, s30, s23, $0xb8;
	[tilespmem:$0x1F100] =	vst v63  }
0x9f: {  	_ =	swait.ge [sflag:s20], $0x2800  }
0xa0: {  	[sflag:s20] =	ssyncset.done $0x0  }
0xa1: {  	[sflag:s20] =	ssyncadd.s32 $0xFFFFD800  }
.Ltmp7:
0xa2: {  	s2 =	sadd.s32 s5, s10;
	[bflag:$0x0] =	sbarrier.arrive $0xFFFF;
	(pc) =	sbr.rel @p1 .LBB2_11-.Ltmp7, $4  }
0xa3: {  	[hbm:s2], [sflag:s18] =	dma.local [spmem:s19], $0x2700  }
0xa4: {  	_ =	swait.ge [sflag:s20], $0x2700  }
0xa5: {  	[sflag:s20] =	ssyncset.done $0x0  }
0xa6: {  	[sflag:s20] =	ssyncadd.s32 $0xFFFFD900  }
.Ltmp8:
0xa7: {  	(pc) =	sbr.rel .LBB2_10-.Ltmp8, $4  }
0xa8: {  	_ = 	snop  }
0xa9: {  	s2 =	sadd.s32 $0x27000, s10;
	s14 =	sshrl.u32 s9, $0x3;
	s17 =	simm.s32 $0x1FC3  }
0xaa: {  	[hbm:s2], [sflag:s17] =	dma.local [spmem:s14], $0x100  }
0xab: {  	s2 =	simm.s32 $0x3  }
.LBB2_12:
0xac: {  	_ =	sfence.sel $0x180000  }
0xad: {  	[bflag:$0x0] =	sbarrier.arrive $0xFFFF  }
0xae: {  	_ =	strace $0x9000004D  }
0xaf: {  	s0 =	stileid.u32;
	[bflag:$0x2] =	sbarrier.arrive $0xFFFF  }
0xb0: {  	p0 =	sne.s32 s0, $0x0;
	s0 =	rddreg [dreg:$0x3]  }
0xb1: {  	s0 =	sadd.s32 @!p0 $0x100000, s0  }
0xb2: {  	[sflag:s0] =	ssyncadd.tile.s32 @!p0 $0x1;
	_ =	shalt  }
.Lfunc_end2:
_tile_overlayer_lowered:
.L_overlay_start_2:
0xb3: {  	(tag) =	ssettag $0x2  }
0xb4: {  	s0 =	rddreg [dreg:$0x0];
	s2 =	stileid.u32  }
0xb5: {  	s1 =	rddreg [dreg:$0x1];
	p0 =	sne.s32 s2, $0x0  }
0xb6: {  	s3 =	rddreg [dreg:$0x2];
	[bflag:$0x3] =	sbarrier.arrive $0xFFFF;
	s2 =	simm.s32 @!p0 $0x1C03  }
0xb7: {  	[timem:s3], [sflag:s2] =	dma.local @!p0 [hbm:s0], s1  }
0xb8: {  	s0 =	simm.s32 @!p0 $0x3  }
0xb9: {  	_ =	swait.ge @!p0 [sflag:s0], s1  }
0xba: {  	s1 =	ssub.s32 @!p0 $0x0, s1;
	[sflag:s0] =	ssyncset.done @!p0 $0x0  }
0xbb: {  	[sflag:s0] =	ssyncadd.s32 @!p0 s1  }
0xbc: {  	[bflag:$0x3] =	sbarrier.arrive $0xFFFF  }
0xbd: {  	_ =	shalt  }

// kernel: kernel.8.cloned.1.call-start
scs
__scs_entry_jumppad:
0x0: {  	(pc) =	sbr.rel $0x88, $3  }
0x1: {  	(tag) =	ssettag $0x0;
	lr =	simm.s32 $0x1  }
0x2: {  	[smem:$0x3F9B] =	sst lr;
	_ =	strace $0xD0000000  }
0x3: {  	_ = 	snop  }
0x4: {  	_ = 	snop  }
0x5: {  	_ = 	snop  }
0x6: {  	_ = 	snop  }
0x7: {  	_ = 	snop  }
__scs_overlays_trampoline_lowered:
0x8: {  	[smem:$0x3FAA] =	sst s0  }
0x9: {  	[smem:$0x3FAB] =	sst s1  }
0xa: {  	[smem:$0x3FAC] =	sst s2  }
0xb: {  	[smem:$0x3FAD] =	sst s3  }
0xc: {  	[smem:$0x3FAE] =	sst s4  }
0xd: {  	[smem:$0x3FAF] =	sst s5  }
0xe: {  	[smem:$0x3FB0] =	sst s6  }
0xf: {  	[smem:$0x3FB1] =	sst s7  }
0x10: {  	[smem:$0x3FB2] =	sst s8  }
0x11: {  	[smem:$0x3FB3] =	sst s9;
	s0 =	simm.s32 @!p0 $0x0  }
0x12: {  	s1 =	sld [smem:$0x3F99];
	s0 =	simm.s32 @p0 $0x1  }
0x13: {  	[smem:$0x3FB4] =	sst s0;
	s0 =	simm.s32 @!p1 $0x0  }
0x14: {  	s2 =	sld [smem:$0x3F98];
	s0 =	simm.s32 @p1 $0x1  }
0x15: {  	[smem:$0x3FB5] =	sst s0;
	s0 =	simm.s32 @!p2 $0x0  }
0x16: {  	s3 =	sld [smem:$0x3FDB];
	s0 =	simm.s32 @p2 $0x1  }
0x17: {  	s4 =	simm.s32 $0x1BF5;
	[smem:$0x3FB7] =	sst s0  }
0x18: {  	s0 =	sld [smem:$0x3F9A];
	_ =	swait.ge [sflag:s4], $0x0  }
0x19: {  	s7 =	sld [smem:$0x3F9B]  }
0x1a: {  	s8 =	sadd.s32 $0xFFFFE003, lr  }
0x1b: {  	s9 =	sadd.s32 $0xFFFFFEF7, lr;
	s5 =	simm.s32 $0xFFFFFFFF;
	p2 =	slt.u32 s8, $0xFFFFF086  }
0x1c: {  	p1 =	slt.u32 s9, $0xF7A;
	s5 =	simm.s32 @!p2 $0x0  }
0x1d: {  	s5 =	simm.s32 @p1 $0x1;
	p0 =	seq.s32 s7, s2  }
0x1e: {  	s7 =	smul.u32 @!p0 $0xF7A, s2;
	p2 =	seq.s32 @!p0 s5, $0x0  }
0x1f: {  	s9 =	smul.u32 $0xF7A, s1;
	s8 =	simm.s32 @!p0 $0x1BF5;
	p2 =	por !p2, p0  }
0x20: {  	[sflag:s8] =	ssyncset.s32 @!p0 $0xFFFFF086;
	s6 =	sadd.s32 @!p0 s3, s7;
	s7 =	simm.s32 @!p0 $0x108  }
0x21: {  	s3 =	sadd.s32 s3, s9;
	s6 =	sadd.s32 @!p0 $0x88, s6;
	s7 =	simm.s32 @p2 $0x1082  }
0x22: {  	[simem:s7], [sflag:s8] =	dma.local @!p0 [hbm:s6], $0xF7A  }
0x23: {  	s9 =	sor.u32 $0xD0000000, s2;
	s6 =	simm.s32 $0x108;
	_ =	swait.ge @!p0 [sflag:s8], $0x0  }
0x24: {  	s3 =	sadd.s32 $0x88, s3;
	s6 =	simm.s32 @!p1 $0x1082;
	[sflag:s4] =	ssyncset.s32 $0xFFFFF086  }
0x25: {  	[simem:s6], [sflag:s4] =	dma.local [hbm:s3], $0xF7A  }
0x26: {  	[smem:$0x3F9B] =	sst s1;
	(tag) =	ssettag s2;
	_ =	strace s9  }
0x27: {  	s1 =	sld [smem:$0x3FAB]  }
0x28: {  	s2 =	sld [smem:$0x3FAC]  }
0x29: {  	s4 =	sld [smem:$0x3FAE]  }
0x2a: {  	p0 =	seq.s32 s5, $0x0;
	s5 =	sld [smem:$0x3FAF]  }
0x2b: {  	s6 =	sld [smem:$0x3FB0]  }
0x2c: {  	s7 =	sld [smem:$0x3FB1]  }
0x2d: {  	s3 =	simm.s32 $0x108;
	s8 =	sld [smem:$0x3FB2]  }
0x2e: {  	s3 =	simm.s32 @!p0 $0x1082;
	s9 =	sld [smem:$0x3FB3]  }
0x2f: {  	lr =	sadd.s32 s0, s3;
	s0 =	sld [smem:$0x3FAA]  }
0x30: {  	s3 =	sld [smem:$0x3FAD]  }
0x31: {  	[smem:$0x3FB6] =	sst s10  }
0x32: {  	s10 =	sld [smem:$0x3FB4];
	_ =	sdelay $0x3  }
0x33: {  	p0 =	seq.s32 s10, $0x1;
	s10 =	sld [smem:$0x3FB6];
	_ =	sdelay $0x3  }
0x34: {  	[smem:$0x3FB6] =	sst s10  }
0x35: {  	s10 =	sld [smem:$0x3FB5];
	_ =	sdelay $0x3  }
0x36: {  	p1 =	seq.s32 s10, $0x1;
	s10 =	sld [smem:$0x3FB6];
	_ =	sdelay $0x3  }
0x37: {  	[smem:$0x3FB6] =	sst s10  }
0x38: {  	s10 =	sld [smem:$0x3FB7]  }
0x39: {  	_ = 	snop;
	(pc) =	sbr.ind lr, $3  }
0x3a: {  	_ = 	snop  }
0x3b: {  	_ = 	snop  }
0x3c: {  	p2 =	seq.s32 s10, $0x1;
	s10 =	sld [smem:$0x3FB6]  }
0x3d: {  	_ =	shalt  }
0x3e: {  	_ =	shalt  }
0x3f: {  	_ =	shalt  }
0x40: {  	_ =	shalt  }
0x41: {  	_ =	shalt  }
0x42: {  	_ =	shalt  }
0x43: {  	_ =	shalt  }
0x44: {  	_ =	shalt  }
0x45: {  	_ =	shalt  }
0x46: {  	_ =	shalt  }
0x47: {  	_ =	shalt  }
0x48: {  	_ =	shalt  }
0x49: {  	_ =	shalt  }
0x4a: {  	_ =	shalt  }
0x4b: {  	_ =	shalt  }
0x4c: {  	_ =	shalt  }
0x4d: {  	_ =	shalt  }
0x4e: {  	_ =	shalt  }
0x4f: {  	_ =	shalt  }
0x50: {  	_ =	shalt  }
0x51: {  	_ =	shalt  }
0x52: {  	_ =	shalt  }
0x53: {  	_ =	shalt  }
0x54: {  	_ =	shalt  }
0x55: {  	_ =	shalt  }
0x56: {  	_ =	shalt  }
0x57: {  	_ =	shalt  }
0x58: {  	_ =	shalt  }
0x59: {  	_ =	shalt  }
0x5a: {  	_ =	shalt  }
0x5b: {  	_ =	shalt  }
0x5c: {  	_ =	shalt  }
0x5d: {  	_ =	shalt  }
0x5e: {  	_ =	shalt  }
0x5f: {  	_ =	shalt  }
0x60: {  	_ =	shalt  }
0x61: {  	_ =	shalt  }
0x62: {  	_ =	shalt  }
0x63: {  	_ =	shalt  }
0x64: {  	_ =	shalt  }
0x65: {  	_ =	shalt  }
0x66: {  	_ =	shalt  }
0x67: {  	_ =	shalt  }
0x68: {  	_ =	shalt  }
0x69: {  	_ =	shalt  }
0x6a: {  	_ =	shalt  }
0x6b: {  	_ =	shalt  }
0x6c: {  	_ =	shalt  }
0x6d: {  	_ =	shalt  }
0x6e: {  	_ =	shalt  }
0x6f: {  	_ =	shalt  }
0x70: {  	_ =	shalt  }
0x71: {  	_ =	shalt  }
0x72: {  	_ =	shalt  }
0x73: {  	_ =	shalt  }
0x74: {  	_ =	shalt  }
0x75: {  	_ =	shalt  }
0x76: {  	_ =	shalt  }
0x77: {  	_ =	shalt  }
0x78: {  	_ =	shalt  }
0x79: {  	_ =	shalt  }
0x7a: {  	_ =	shalt  }
0x7b: {  	_ =	shalt  }
0x7c: {  	_ =	shalt  }
0x7d: {  	_ =	shalt  }
0x7e: {  	_ =	shalt  }
0x7f: {  	_ =	shalt  }
0x80: {  	_ =	shalt  }
0x81: {  	_ =	shalt  }
0x82: {  	_ =	shalt  }
0x83: {  	_ =	shalt  }
0x84: {  	_ =	shalt  }
0x85: {  	_ =	shalt  }
0x86: {  	_ =	shalt  }
0x87: {  	_ =	shalt  }
.Lfunc_end0:
.L_simem_size_0:
called_computation_lowered:
.L_overlay_start_0:
0x88: {  	s2 =	sld [smem:$0x3FD9]  }
0x89: {  	s3 =	sld [smem:$0x3FFE];
	_ =	sdelay $0x1  }
0x8a: {  	s1 =	srdreg.scid  }
0x8b: {  	s0 =	sand.u32 $0x1, s1  }
0x8c: {  	s17 =	sshll.u32 s0, $0xA;
	s2 =	sadd.s32 s3, s2  }
0x8d: {  	s2 =	sadd.s32 s2, s17  }
0x8e: {  	[smem:$0x3FC2] =	sst s2  }
0x8f: {  	_ = 	snop  }
0x90: {  	s2 =	sld [smem:$0x3FD0];
	(tm) =	ssettm $0x1  }
0x91: {  	s18 =	sld [smem:$0x3FFB];
	_ =	sdelay $0x3  }
0x92: {  	_ =	strace s18  }
0x93: {  	s3 =	sld [smem:$0x3FFC];
	_ =	sdelay $0x3  }
0x94: {  	_ =	strace s3  }
0x95: {  	s3 =	sld [smem:$0x3FFD];
	_ =	sdelay $0x3  }
0x96: {  	_ =	strace s3  }
0x97: {  	_ =	strace $0x8FFFFFFF  }
0x98: {  	s19 =	sld [smem:$0x3FDB];
	_ =	sdelay $0x1  }
0x99: {  	s4 =	simm.s32 $_scs_section_size  }
0x9a: {  	s5 =	simm.s32 $_size__tile_overlayer_lowered;
	s6 =	simm.s32 $_tile_overlayer_lowered  }
0x9b: {  	s22 =	simm.s32 $0x1BFF;
	s21 =	sshll.u32 s6, $0x1;
	s3 =	sadd.s32 s4, s19  }
0x9c: {  	s7 =	simm.s32 $0x0;
	s20 =	sshll.u32 s5, $0x1;
	s5 =	sadd.s32 s21, s3  }
0x9d: {  	[timem:s7], [sflag:s22] =	dma.local [hbm:s5], s20  }
0x9e: {  	_ =	swait.ge [sflag:s22], s20  }
0x9f: {  	s4 =	ssub.s32 $0x0, s20;
	[sflag:s22] =	ssyncset.done $0x0  }
0xa0: {  	[sflag:s22] =	ssyncadd.s32 s4;
	_ =	sdelay $0x1  }
0xa1: {  	s23 =	simm.s32 $0x1B8B  }
0xa2: {  	_ =	swait.ge [sflag:s23], $0x1  }
0xa3: {  	[sflag:s23] =	ssyncset.done $0x0  }
0xa4: {  	s25 =	simm.s32 $0x1B8E;
	s24 =	sld [smem:$0x3FFE];
	[sflag:s23] =	ssyncadd.s32 $0xFFFFFFFF  }
0xa5: {  	s26 =	simm.s32 $execute0_lowered;
	[smem:$0x3FD2] =	sst s25  }
0xa6: {  	s5 =	sshll.u32 s26, $0x1;
	_ =	strace $0x80000046;
	[dreg:$0x1] =	wrdreg $0xFFFFFFFF  }
0xa7: {  	s28 =	simm.s32 $_size_execute0_lowered;
	s3 =	sadd.s32 s3, s5;
	[dreg:$0x0] =	wrdreg $0x0  }
0xa8: {  	s5 =	sshll.u32 s28, $0x1;
	[dreg:$0x2] =	wrdreg s3  }
0xa9: {  	[dreg:$0x3] =	wrdreg s5  }
0xaa: {  	[dreg:$0x4] =	wrdreg $0xC0  }
0xab: {  	_ =	task [dreg:s7], $0x5FFFF  }
0xac: {  	[dreg:$0x1] =	wrdreg $0xFFFFFFFF  }
0xad: {  	[dreg:$0x0] =	wrdreg $0x60  }
0xae: {  	[dreg:$0x2] =	wrdreg s2  }
0xaf: {  	[dreg:$0x3] =	wrdreg s24  }
0xb0: {  	[dreg:$0x4] =	wrdreg $0x64000  }
0xb1: {  	[dreg:$0x5] =	wrdreg $0x9  }
0xb2: {  	_ =	task.clear_ibuf [dreg:s7], $0x6FFFF;
	_ =	strace $0x90000046  }
0xb3: {  	s29 =	simm.s32 $0x9;
	_ =	strace $0x80000048  }
0xb4: {  	_ =	swait.ge [sflag:s29], $0x1  }
0xb5: {  	[sflag:s29] =	ssyncadd.s32 $0xFFFFFFFF  }
0xb6: {  	_ =	strace $0x90000048  }
0xb7: {  	_ =	sfence  }
0xb8: {  	s30 =	sld [smem:$0x0];
	_ =	sdelay $0x2  }
0xb9: {  	s31 =	sshll.u32 s1, $0xD;
	s1 =	sshrl.u32 s1, $0x2  }
0xba: {  	s3 =	sand.u32 $0x4000, s31;
	s1 =	sadd.s32 s1, s30  }
0xbb: {  	s0 =	sor.u32 s3, s0;
	s1 =	sshll.u32 s1, $0x11  }
0xbc: {  	s0 =	sor.u32 s1, s0  }
0xbd: {  	s0 =	sadd.s32 $0x8F2B, s0  }
0xbe: {  	[sflag:s0] =	ssyncadd.remote.s32 $0x1  }
0xbf: {  	_ =	sfence.sel $0xFFFF  }
0xc0: {  	[dreg:$0x0] =	wrdreg $0xFFFFFFFF;
	(pc) =	sbr.abs _section_cstart, $3  }
0xc1: {  	[dreg:$0x1] =	wrdreg $0xFFFFFFFF  }
0xc2: {  	_ =	task.clear_ibuf [dreg:s7], $0x2FFFF;
	_ =	strace $0x9FFFFFFF  }
0xc3: {  	(tm) =	ssettm $0x7FFFFFFF  }
tec
execute0_lowered:
.L_overlay_start_1:
0x0: {  	(tag) =	ssettag $0x1  }
0x1: {  	s3 =	rddreg [dreg:$0x0]  }
0x2: {  	s4 =	rddreg [dreg:$0x1];
	s1 =	srdreg.scid  }
0x3: {  	s0 =	stileid.u32;
	s5 =	rddreg [dreg:$0x2];
	s2 =	simm.s32 $0x0  }
0x4: {  	s11 =	simm.s32 $0x1400;
	s12 =	simm.s32 $0x400;
	s13 =	simm.s32 $0x14000  }
0x5: {  	s14 =	simm.s32 $0x3C00;
	s16 =	simm.s32 $0x4000;
	s18 =	simm.s32 $0x4400  }
0x6: {  	s20 =	simm.s32 $0x4800;
	s22 =	simm.s32 $0x4C00;
	s23 =	simm.s32 $0x0  }
0x7: {  	s6 =	sand.u32 $0x1, s1;
	s7 =	smul.u32 $0x280, s0;
	s1 =	rddreg [dreg:$0x3]  }
0x8: {  	[smem:$0x7FF] =	sst s2;
	s26 =	sshrl.u32 s0, $0x3;
	s28 =	smul.u32 $0x5000, s0  }
0x9: {  	s29 =	sshll.u32 s0, $0x7;
	s8 =	smul.u32 $0x2800, s6;
	s9 =	sshll.u32 s6, $0x4  }
0xa: {  	_ =	strace $0x80000047;
	s6 =	ssub.s32 $0x2, s6;
	s25 =	sor.u32 s0, s9  }
0xb: {  	s10 =	sshrl.u32 s6, $0x1;
	s9 =	smul.u32 $0x50000, s26;
	s31 =	sshrl.u32 s28, $0x2  }
0xc: {  	s7 =	sadd.s32 s7, s8;
	s8 =	smul.u32 $0x500, s25;
	s10 =	ssub.s32 s6, s10  }
0xd: {  	s6 =	sand.u32 $0x380, s29;
	s7 =	sshrl.u32 s7, $0x3;
	s30 =	sshrl.u32 s9, $0x2  }
0xe: {  	s9 =	simm.s32 $0x100;
	s7 =	sadd.s32 s7, s4;
	s3 =	sadd.s32 s8, s3  }
0xf: {  	s8 =	sadd.s32 s30, s5;
	s5 =	sadd.s32 s31, s5;
	s3 =	sadd.s32 $0x10, s3  }
0x10: {  	s4 =	sadd.s32 s6, s8;
	s6 =	sadd.s32 $0x1A00, s7;
	s7 =	smax.u32 s10, $0x1  }
0x11: {  	s8 =	simm.s32 $0x80;
	s10 =	simm.s32 $0x1;
	s15 =	sadd.s32 $0x10, s6  }
0x12: {  	v0 =	vimm.f32 $0.0e+00;
	v1 =	vimm.f32 $1.000000000e+00;
	s17 =	sadd.s32 $0x20, s6;
	s19 =	sadd.s32 $0x30, s6;
	s21 =	sadd.s32 $0x40, s6  }
.LBB2_1:
0x13: {  	[tilespmem:s2], [sflag:$0x1] =	stream.strided.gather [hbm4b:s3+s8], $0x1400, s9, s8, $0x38;
	[tilespmem:$0x8C00] =	vst v63  }
0x14: {  	_ =	swait.ge [sflag:s10], $0x1400  }
0x15: {  	[sflag:s10] =	ssyncset.done $0x0  }
0x16: {  	s24 =	simm.s32 $0x0;
	[sflag:s10] =	ssyncadd.s32 $0xFFFFEC00  }
.LBB2_2:
0x17: {  	p0 =	sne.s32 s24, $0x9FC0  }
.Ltmp0:
0x18: {  	_ = 	snop;
	(pc) =	sbr.rel @p0 .LBB2_2-.Ltmp0, $3  }
0x19: {  	_ =	sdelay $0x1  }
0x1a: {  	s25 =	sshra.s32 s24, $0x2  }
0x1b: {  	s24 =	sadd.s32 $0x40, s24;
	[tilespmem:s25+$0x1400] =	vst v0  }
0x1c: {  	s25 =	simm.s32 $0x0;
	s24 =	simm.s32 $0x40  }
.LBB2_4:
0x1d: {  	p0 =	sne.s32 s24, $0x4FC0;
	v2 =	vld [tilespmem:s25+$0x0];
	_ =	sdelay $0x3  }
.Ltmp1:
0x1e: {  	(pc) =	sbr.rel @p0 .LBB2_4-.Ltmp1, $2  }
0x1f: {  	_ =	sdelay $0x2  }
0x20: {  	s25 =	sshra.s32 s24, $0x2;
	s24 =	sadd.s32 $0x40, s24;
	[tilespmem:v2+s11+$0x0] =	vst.idx.add.f32.msk $0xffff, v1  }
0x21: {  	v2 =	vld [tilespmem:s25+$0x0];
	_ =	sdelay $0x7  }
0x22: {  	[tilespmem:v2+s11+$0x0] =	vst.idx.add.f32.msk $0xffff, v1  }
0x23: {  	[spmem:s4] =	stream.strided.scatter [tilespmem:s11], [sflag:$0x1], $0x2800, s12, s8, $0x38;
	[tilespmem:$0x8C00] =	vst v63  }
0x24: {  	_ =	swait.ge [sflag:s10], $0x2800  }
0x25: {  	[sflag:s10] =	ssyncset.done $0x0  }
0x26: {  	[sflag:s10] =	ssyncadd.s32 $0xFFFFD800  }
0x27: {  	[bflag:$0x0] =	sbarrier.arrive $0xFFFF  }
0x28: {  	[tilespmem:s14], [sflag:$0x1] =	stream.strided.gather [spmem:s5], $0x2800, s13, s11, $0x38;
	[tilespmem:$0x8C00] =	vst v63  }
0x29: {  	s31 =	simm.s32 $0x0;
	_ =	swait.ge [sflag:s10], $0x2800  }
0x2a: {  	s24 =	sand.u32 $0x70, s31;
	s26 =	sand.u32 $0x1C00, s31;
	[sflag:s10] =	ssyncset.done $0x0  }
0x2b: {  	s24 =	sor.u32 s24, s26;
	[sflag:s10] =	ssyncadd.s32 $0xFFFFD800  }
0x2c: {  	v2 =	vld [tilespmem:s24+$0x3C80]  }
0x2d: {  	v3 =	vld [tilespmem:s24+$0x3C00];
	_ =	sdelay $0x1  }
0x2e: {  	v4 =	vld [tilespmem:s24+$0x3D00];
	_ =	sdelay $0x1  }
0x2f: {  	v5 =	vld [tilespmem:s24+$0x3D80]  }
0x30: {  	v2 =	vadd.f32 v2, v3  }
0x31: {  	v3 =	vld [tilespmem:s24+$0x3E00]  }
0x32: {  	v2 =	vadd.f32 v4, v2  }
0x33: {  	v56 =	vld [tilespmem:s24+$0x3E80]  }
0x34: {  	v2 =	vadd.f32 v5, v2  }
0x35: {  	s25 =	sor.u32 s31, s31;
	v57 =	vld [tilespmem:s24+$0x3F00]  }
0x36: {  	s25 =	sor.u32 $0x380, s25;
	v2 =	vadd.f32 v3, v2  }
0x37: {  	v3 =	vld [tilespmem:s25+$0x3C00]  }
0x38: {  	v2 =	vadd.f32 v56, v2  }
0x39: {  	v58 =	vld [tilespmem:s24+$0x5000]  }
0x3a: {  	v2 =	vadd.f32 v57, v2  }
0x3b: {  	v59 =	vld [tilespmem:s24+$0x5080]  }
0x3c: {  	v2 =	vadd.f32 v3, v2  }
0x3d: {  	v3 =	vld [tilespmem:s24+$0x5100]  }
0x3e: {  	v2 =	vadd.f32 v58, v2  }
0x3f: {  	v60 =	vld [tilespmem:s24+$0x5180]  }
0x40: {  	v2 =	vadd.f32 v59, v2  }
0x41: {  	v61 =	vld [tilespmem:s24+$0x5200]  }
0x42: {  	v2 =	vadd.f32 v3, v2  }
0x43: {  	v3 =	vld [tilespmem:s24+$0x5280]  }
0x44: {  	v2 =	vadd.f32 v60, v2  }
0x45: {  	v62 =	vld [tilespmem:s24+$0x5300]  }
0x46: {  	v2 =	vadd.f32 v61, v2  }
0x47: {  	v63 =	vld [tilespmem:s24+$0x5380]  }
0x48: {  	v2 =	vadd.f32 v3, v2;
	_ =	sdelay $0x1  }
0x49: {  	v2 =	vadd.f32 v62, v2  }
0x4a: {  	s26 =	simm.s32 $0x80;
	s25 =	simm.s32 $0x10  }
0x4b: {  	s29 =	sand.u32 $0x1C00, s26;
	s28 =	sand.u32 $0x70, s25;
	v2 =	vadd.f32 v63, v2  }
0x4c: {  	s29 =	sor.u32 s28, s29;
	s28 =	simm.s32 $0x20  }
.LBB2_6:
0x4d: {  	p0 =	sne.s32 s28, $0x270;
	v3 =	vld [tilespmem:s29+$0x3C80];
	[tilespmem:s24+$0x3C00] =	vst v2;
	s24 =	smov.u32 s29  }
0x4e: {  	v2 =	vld [tilespmem:s24+$0x3C00];
	_ =	sdelay $0x1  }
0x4f: {  	v4 =	vld [tilespmem:s24+$0x3D00];
	_ =	sdelay $0x1  }
0x50: {  	v5 =	vld [tilespmem:s24+$0x3D80]  }
0x51: {  	v2 =	vadd.f32 v3, v2  }
0x52: {  	v3 =	vld [tilespmem:s24+$0x3E00]  }
0x53: {  	v2 =	vadd.f32 v4, v2  }
0x54: {  	v4 =	vld [tilespmem:s24+$0x3E80]  }
0x55: {  	v2 =	vadd.f32 v5, v2  }
0x56: {  	s29 =	sor.u32 s26, s25;
	s25 =	smov.u32 s28;
	v5 =	vld [tilespmem:s24+$0x3F00]  }
0x57: {  	s29 =	sor.u32 $0x380, s29;
	v2 =	vadd.f32 v3, v2  }
0x58: {  	v3 =	vld [tilespmem:s29+$0x3C00]  }
0x59: {  	v2 =	vadd.f32 v4, v2  }
0x5a: {  	v4 =	vld [tilespmem:s24+$0x5000]  }
0x5b: {  	v2 =	vadd.f32 v5, v2  }
0x5c: {  	v5 =	vld [tilespmem:s24+$0x5080]  }
0x5d: {  	v2 =	vadd.f32 v3, v2  }
0x5e: {  	v3 =	vld [tilespmem:s24+$0x5100]  }
0x5f: {  	v2 =	vadd.f32 v4, v2  }
0x60: {  	v4 =	vld [tilespmem:s24+$0x5180]  }
0x61: {  	v2 =	vadd.f32 v5, v2  }
0x62: {  	v5 =	vld [tilespmem:s24+$0x5200]  }
0x63: {  	v2 =	vadd.f32 v3, v2  }
0x64: {  	v3 =	vld [tilespmem:s24+$0x5280]  }
0x65: {  	v2 =	vadd.f32 v4, v2  }
0x66: {  	v4 =	vld [tilespmem:s24+$0x5300]  }
0x67: {  	v2 =	vadd.f32 v5, v2  }
0x68: {  	v5 =	vld [tilespmem:s24+$0x5380]  }
0x69: {  	v2 =	vadd.f32 v3, v2  }
.Ltmp2:
0x6a: {  	(pc) =	sbr.rel @p0 .LBB2_6-.Ltmp2, $4  }
0x6b: {  	v2 =	vadd.f32 v4, v2  }
0x6c: {  	s26 =	sadd.s32 $0x80, s26  }
0x6d: {  	s30 =	sand.u32 $0x1C00, s26;
	s29 =	sand.u32 $0x70, s28;
	v2 =	vadd.f32 v5, v2  }
0x6e: {  	s28 =	sadd.s32 $0x10, s28;
	s29 =	sor.u32 s29, s30  }
0x6f: {  	v3 =	vld [tilespmem:s29+$0x3C80];
	[tilespmem:s24+$0x3C00] =	vst v2  }
0x70: {  	v2 =	vld [tilespmem:s29+$0x3C00];
	_ =	sdelay $0x1  }
0x71: {  	v4 =	vld [tilespmem:s29+$0x3D00];
	_ =	sdelay $0x1  }
0x72: {  	v5 =	vld [tilespmem:s29+$0x3D80]  }
0x73: {  	v2 =	vadd.f32 v3, v2  }
0x74: {  	v3 =	vld [tilespmem:s29+$0x3E00]  }
0x75: {  	v2 =	vadd.f32 v4, v2  }
0x76: {  	v56 =	vld [tilespmem:s29+$0x3E80]  }
0x77: {  	v2 =	vadd.f32 v5, v2  }
0x78: {  	v57 =	vld [tilespmem:s29+$0x3F00];
	s31 =	sor.u32 s26, s25  }
0x79: {  	s24 =	sor.u32 $0x380, s31;
	v2 =	vadd.f32 v3, v2  }
0x7a: {  	v3 =	vld [tilespmem:s24+$0x3C00]  }
0x7b: {  	v2 =	vadd.f32 v56, v2  }
0x7c: {  	v58 =	vld [tilespmem:s29+$0x5000]  }
0x7d: {  	v2 =	vadd.f32 v57, v2  }
0x7e: {  	v59 =	vld [tilespmem:s29+$0x5080]  }
0x7f: {  	v2 =	vadd.f32 v3, v2  }
0x80: {  	v3 =	vld [tilespmem:s29+$0x5100]  }
0x81: {  	v2 =	vadd.f32 v58, v2  }
0x82: {  	v60 =	vld [tilespmem:s29+$0x5180]  }
0x83: {  	v2 =	vadd.f32 v59, v2  }
0x84: {  	v61 =	vld [tilespmem:s29+$0x5200]  }
0x85: {  	v2 =	vadd.f32 v3, v2  }
0x86: {  	v3 =	vld [tilespmem:s29+$0x5280]  }
0x87: {  	v2 =	vadd.f32 v60, v2  }
0x88: {  	v62 =	vld [tilespmem:s29+$0x5300]  }
0x89: {  	v2 =	vadd.f32 v61, v2  }
0x8a: {  	v63 =	vld [tilespmem:s29+$0x5380]  }
0x8b: {  	v2 =	vadd.f32 v3, v2;
	_ =	sdelay $0x1  }
0x8c: {  	v2 =	vadd.f32 v62, v2;
	_ =	sdelay $0x1  }
0x8d: {  	v2 =	vadd.f32 v63, v2;
	_ =	sdelay $0x1  }
0x8e: {  	[tilespmem:s29+$0x3C00] =	vst v2  }
0x8f: {  	[hbm4b:s6+s2] =	stream.linear.scatter [tilespmem:s14], [sflag:$0x1], $0x80, $0x38;
	[tilespmem:$0x8C00] =	vst v63  }
0x90: {  	_ = 	snop  }
0x91: {  	[hbm4b:s15+s2] =	stream.linear.scatter [tilespmem:s16], [sflag:$0x1], $0x80, $0x38;
	[tilespmem:$0x8C00] =	vst v63  }
0x92: {  	s23 =	sadd.s32 $0x1, s23  }
0x93: {  	[hbm4b:s17+s2] =	stream.linear.scatter [tilespmem:s18], [sflag:$0x1], $0x80, $0x38;
	[tilespmem:$0x8C00] =	vst v63  }
0x94: {  	p0 =	sne.s32 s23, s7  }
0x95: {  	[hbm4b:s19+s2] =	stream.linear.scatter [tilespmem:s20], [sflag:$0x1], $0x80, $0x38;
	[tilespmem:$0x8C00] =	vst v63  }
.Ltmp3:
0x96: {  	_ = 	snop;
	(pc) =	sbr.rel @p0 .LBB2_1-.Ltmp3, $4  }
0x97: {  	[hbm4b:s21+s2] =	stream.linear.scatter [tilespmem:s22], [sflag:$0x1], $0x80, $0x38;
	[tilespmem:$0x8C00] =	vst v63  }
0x98: {  	_ =	swait.ge [sflag:s10], $0x280  }
0x99: {  	[sflag:s10] =	ssyncset.done $0x0  }
0x9a: {  	[sflag:s10] =	ssyncadd.s32 $0xFFFFFD80  }
0x9b: {  	_ =	sfence.sel $0x180000  }
0x9c: {  	[bflag:$0x0] =	sbarrier.arrive $0xFFFF  }
0x9d: {  	p0 =	sne.s32 s0, $0x0;
	_ =	strace $0x90000047  }
0x9e: {  	s0 =	sadd.s32 @!p0 $0x100000, s1;
	[bflag:$0x2] =	sbarrier.arrive $0xFFFF  }
0x9f: {  	[sflag:s0] =	ssyncadd.tile.s32 @!p0 $0x1;
	_ =	shalt  }
.Lfunc_end2:
_tile_overlayer_lowered:
.L_overlay_start_2:
0xa0: {  	(tag) =	ssettag $0x2  }
0xa1: {  	s0 =	rddreg [dreg:$0x0];
	s2 =	stileid.u32  }
0xa2: {  	s1 =	rddreg [dreg:$0x1];
	p0 =	sne.s32 s2, $0x0  }
0xa3: {  	s3 =	rddreg [dreg:$0x2];
	[bflag:$0x3] =	sbarrier.arrive $0xFFFF;
	s2 =	simm.s32 @!p0 $0x1C01  }
0xa4: {  	[timem:s3], [sflag:s2] =	dma.local @!p0 [hbm:s0], s1  }
0xa5: {  	s0 =	simm.s32 @!p0 $0x1  }
0xa6: {  	_ =	swait.ge @!p0 [sflag:s0], s1  }
0xa7: {  	s1 =	ssub.s32 @!p0 $0x0, s1;
	[sflag:s0] =	ssyncset.done @!p0 $0x0  }
0xa8: {  	[sflag:s0] =	ssyncadd.s32 @!p0 s1  }
0xa9: {  	[bflag:$0x3] =	sbarrier.arrive $0xFFFF  }
0xaa: {  	_ =	shalt  }

</sc_bundles>
